<compile_context>
chip_gen: v7x
topology: tpu7x:2x2x1
jax: 0.10.2.dev20260603
libtpu: 0.0.44.dev20260713+nightly
codegen_flags: <defaults>
</compile_context>

<pallas_src>
import functools

import jax
import jax.numpy as jnp
from jax import lax
from jax.experimental import pallas as pl
from jax.experimental.pallas import tpu as pltpu
from jax.experimental.pallas import tpu_sc as plsc

NC = 2
NS = 16
LANES = 16
NW = NC * NS
K = 64
BM = 1280


def _make_sc12(Npad, CK, NI):
    SPS = Npad // NS
    IK = 128
    mesh = plsc.VectorSubcoreMesh(core_axis_name="c", subcore_axis_name="s")

    @functools.partial(
        pl.kernel,
        out_type=[jax.ShapeDtypeStruct((NC, Npad), jnp.float32),
                  jax.ShapeDtypeStruct((Npad,), jnp.float32)],
        mesh=mesh,
        compiler_params=pltpu.CompilerParams(needs_layout_passes=False),
        scratch_types=[
            pltpu.VMEM((2 * CK,), jnp.int32),
            pltpu.VMEM((CK,), jnp.int32),
            pltpu.VMEM((Npad,), jnp.float32),
            pltpu.VMEM((Npad,), jnp.float32),
            pltpu.VMEM((NI, 128), jnp.int32),
            pltpu.VMEM((SPS,), jnp.float32),
            pltpu.VMEM((SPS,), jnp.float32),
            pltpu.VMEM_SHARED((Npad,), jnp.float32),
            pltpu.VMEM_SHARED((Npad,), jnp.float32),
        ],
    )
    def sc12(srcc_hbm, src_hbm, dst_hbm, zeros_hbm, ident_hbm,
             s_hbm, dis_hbm,
             cidx_v, didx_v, dis_v, acc_v, ident_v, nb, db, sh, sh_dis):
        c = lax.axis_index("c")
        s = lax.axis_index("s")
        w = c * NS + s
        pltpu.sync_copy(srcc_hbm.at[s], cidx_v)
        pltpu.sync_copy(zeros_hbm, acc_v)
        pltpu.sync_copy(ident_hbm, ident_v)
        pltpu.sync_copy(zeros_hbm.at[pl.ds(s * SPS, SPS)],
                        sh.at[pl.ds(s * SPS, SPS)])
        ones = jnp.full((LANES,), 1.0, jnp.float32)

        def cbody(i, carry):
            idx = cidx_v[pl.ds(i * LANES, LANES)]
            plsc.addupdate_scatter(acc_v, [idx], ones)
            return carry

        lax.fori_loop(0, 2 * CK // LANES, cbody, 0)
        plsc.subcore_barrier()

        def comb(j, carry):
            pltpu.sync_copy(acc_v.at[pl.ds(j * IK, IK)], sh.at[ident_v.at[j]],
                            add=True)
            return carry

        lax.fori_loop(0, NI, comb, 0)
        plsc.subcore_barrier()

        pltpu.sync_copy(sh.at[pl.ds(s * SPS, SPS)], nb)
        for i in range(SPS // LANES):
            x = nb[pl.ds(i * LANES, LANES)] + 1.0
            yi = 0x5F3759DF - (plsc.bitcast(x, jnp.int32) >> 1)
            y = plsc.bitcast(yi, jnp.float32)
            for _ in range(3):
                y = y * (1.5 - 0.5 * x * y * y)
            db[pl.ds(i * LANES, LANES)] = y
        pltpu.sync_copy(db, sh_dis.at[pl.ds(s * SPS, SPS)])
        pltpu.sync_copy(zeros_hbm.at[pl.ds(s * SPS, SPS)],
                        sh.at[pl.ds(s * SPS, SPS)])
        pltpu.sync_copy(src_hbm.at[w], cidx_v.at[pl.ds(0, CK)])
        pltpu.sync_copy(dst_hbm.at[w], didx_v)
        pltpu.sync_copy(zeros_hbm, acc_v)
        plsc.subcore_barrier()
        pltpu.sync_copy(sh_dis, dis_v)

        def sbody(i, carry):
            si = cidx_v[pl.ds(i * LANES, LANES)]
            di = didx_v[pl.ds(i * LANES, LANES)]
            vals = plsc.load_gather(dis_v, [si])
            plsc.addupdate_scatter(acc_v, [di], vals)
            return carry

        lax.fori_loop(0, CK // LANES, sbody, 0)
        lax.fori_loop(0, NI, comb, 0)
        plsc.subcore_barrier()
        pltpu.sync_copy(sh.at[pl.ds(s * SPS, SPS)],
                        s_hbm.at[c].at[pl.ds(s * SPS, SPS)])

        @pl.when(c == 0)
        def _():
            pltpu.sync_copy(db, dis_hbm.at[pl.ds(s * SPS, SPS)])

    return sc12


def _make_sc3(Npad, D, CK, C):
    ROWS = Npad // NS
    mesh = plsc.VectorSubcoreMesh(core_axis_name="c", subcore_axis_name="s")

    @functools.partial(
        pl.kernel,
        out_type=jax.ShapeDtypeStruct((NC, Npad, D), jnp.float32),
        mesh=mesh,
        compiler_params=pltpu.CompilerParams(needs_layout_passes=False),
        scratch_types=[
            pltpu.VMEM((CK,), jnp.int32),
            pltpu.VMEM((C, K), jnp.int32),
            pltpu.VMEM((K, D), jnp.float32),
            pltpu.VMEM((K, D), jnp.float32),
            pltpu.SemaphoreType.DMA,
            pltpu.SemaphoreType.DMA,
            pltpu.VMEM_SHARED((Npad, D), jnp.float32),
        ],
    )
    def sc3(g_hbm, src_hbm, dst3_hbm, zrows_hbm, out_hbm,
            sidx_v, didx_v, rows_a, rows_b, sem_a, sem_b, m_sh):
        c = lax.axis_index("c")
        s = lax.axis_index("s")
        w = c * NS + s
        pltpu.sync_copy(src_hbm.at[w], sidx_v)
        pltpu.sync_copy(dst3_hbm.at[w], didx_v)
        pltpu.sync_copy(zrows_hbm, rows_a)
        for kk in range(ROWS // K):
            pltpu.sync_copy(rows_a, m_sh.at[pl.ds(s * ROWS + kk * K, K)])
        plsc.subcore_barrier()

        def gather(j, buf, sem):
            pltpu.async_copy(g_hbm.at[sidx_v.at[pl.ds(j * K, K)]], buf, sem)

        def wait_for(buf, sem):
            pltpu.make_async_copy(g_hbm.at[sidx_v.at[pl.ds(0, K)]], buf,
                                  sem).wait()

        gather(0, rows_a, sem_a)

        def body(i, carry):
            j = 2 * i
            gather(j + 1, rows_b, sem_b)
            wait_for(rows_a, sem_a)
            pltpu.sync_copy(rows_a, m_sh.at[didx_v.at[j]], add=True)
            gather(j + 2, rows_a, sem_a)
            wait_for(rows_b, sem_b)
            pltpu.sync_copy(rows_b, m_sh.at[didx_v.at[j + 1]], add=True)
            return carry

        lax.fori_loop(0, C // 2 - 1, body, 0)
        gather(C - 1, rows_b, sem_b)
        wait_for(rows_a, sem_a)
        pltpu.sync_copy(rows_a, m_sh.at[didx_v.at[C - 2]], add=True)
        wait_for(rows_b, sem_b)
        pltpu.sync_copy(rows_b, m_sh.at[didx_v.at[C - 1]], add=True)
        plsc.subcore_barrier()
        pltpu.sync_copy(m_sh.at[pl.ds(s * ROWS, ROWS)],
                        out_hbm.at[c].at[pl.ds(s * ROWS, ROWS)])

    return sc3


def _mm_body(x_ref, wt_ref, s0_ref, s1_ref, dis_ref,
             h_ref, g_ref, c_ref, coef_ref):
    h = jnp.dot(x_ref[...], wt_ref[...], preferred_element_type=jnp.float32)
    dis = dis_ref[...]
    deg2 = dis * (s0_ref[0] + s1_ref[0]) + dis * dis + 2.0
    dis2 = lax.rsqrt(deg2)
    cvec = dis * dis2
    h_ref[...] = h
    g_ref[...] = cvec * h
    c_ref[...] = cvec
    coef_ref[...] = cvec * cvec + 2.0 * (dis2 * dis2)


def _fin_body(m_ref, h_ref, x_ref, c_ref, coef_ref, swbb_ref, o_ref):
    agg = c_ref[...] * (m_ref[0] + m_ref[1]) + coef_ref[...] * h_ref[...]
    pre = agg * swbb_ref[0:1, :] + swbb_ref[1:2, :]
    o_ref[...] = jnp.maximum(jnp.maximum(pre, 0.0) + x_ref[...], 0.0)


def kernel(x, W, b, bn_w, bn_b, edge_index):
    N, D = x.shape
    E = edge_index.shape[1]
    Npad = -(-(N + 1) // BM) * BM
    C = 2 * (-(-E // (NW * K * 2)))
    CK = C * K
    EP = NW * CK
    NI = Npad // 128

    src = edge_index[0]
    dst = edge_index[1]
    pad = jnp.full((EP - E,), N, jnp.int32)
    src2 = jnp.concatenate([src, pad]).reshape(NW, CK)
    dstp = jnp.concatenate([dst, pad])
    dst2 = dstp.reshape(NW, CK)
    dst3 = dstp.reshape(NW, C, K)
    zeros_np = jnp.zeros((Npad,), jnp.float32)
    ident = jnp.arange(Npad, dtype=jnp.int32).reshape(NI, 128)
    srcc = jnp.concatenate([src, pad]).reshape(NS, 2 * CK)

    S, dis_flat = _make_sc12(Npad, CK, NI)(srcc, src2, dst2, zeros_np, ident)
    dis_col = dis_flat.reshape(Npad, 1)
    S_col = S.reshape(NC, Npad, 1)

    xp = jnp.pad(x, ((0, Npad - N), (0, 0)))
    grid = (Npad // BM,)
    col_spec = pl.BlockSpec((BM, 1), lambda i: (i, 0))
    row_spec = pl.BlockSpec((BM, D), lambda i: (i, 0))
    h, g, cvec, coef = pl.pallas_call(
        _mm_body,
        grid=grid,
        in_specs=[row_spec,
                  pl.BlockSpec((D, D), lambda i: (0, 0)),
                  pl.BlockSpec((1, BM, 1), lambda i: (0, i, 0)),
                  pl.BlockSpec((1, BM, 1), lambda i: (1, i, 0)),
                  col_spec],
        out_specs=[row_spec, row_spec, col_spec, col_spec],
        out_shape=[jax.ShapeDtypeStruct((Npad, D), jnp.float32),
                   jax.ShapeDtypeStruct((Npad, D), jnp.float32),
                   jax.ShapeDtypeStruct((Npad, 1), jnp.float32),
                   jax.ShapeDtypeStruct((Npad, 1), jnp.float32)],
    )(xp, W.T, S_col, S_col, dis_col)

    zrows = jnp.zeros((K, D), jnp.float32)
    mpart = _make_sc3(Npad, D, CK, C)(g, src2, dst3, zrows)

    sw = bn_w * (1.0 / jnp.sqrt(jnp.float32(1.0 + 1e-5)))
    swbb = jnp.stack([sw, b * sw + bn_b])
    outp = pl.pallas_call(
        _fin_body,
        grid=grid,
        in_specs=[pl.BlockSpec((NC, BM, D), lambda i: (0, i, 0)),
                  row_spec, row_spec, col_spec, col_spec,
                  pl.BlockSpec((2, D), lambda i: (0, 0))],
        out_specs=row_spec,
        out_shape=jax.ShapeDtypeStruct((Npad, D), jnp.float32),
    )(mpart, h, xp, cvec, coef, swbb)
    return outp[:N]

# --- scband reference (transcript-rebuilt; emitter-appended) ---
"""Pipeline reference for scband-residual-block-55748675502641 (READ-ONLY COPY).

The authoritative reference and input builder live on the scoring server;
editing this copy changes nothing except your own understanding.
"""

import jax, jax.numpy as jnp
import numpy as np

N = 10000
E = 320000
D = 128

def setup_inputs(seed: int = 0) -> dict:
    key = jax.random.key(seed)
    k1, k2, k3 = jax.random.split(key, 3)
    x = jax.random.normal(k1, (N, D), dtype=jnp.float32)
    edge_index = jax.random.randint(k2, (2, E), 0, N, dtype=jnp.int32)
    # GCNConv lin weight [out_channels, in_channels], xavier_uniform with relu gain
    gain = np.sqrt(2.0)
    bound = gain * np.sqrt(6.0 / (D + D))
    W = jax.random.uniform(k3, (D, D), dtype=jnp.float32, minval=-bound, maxval=bound)
    b = jnp.zeros((D,), dtype=jnp.float32)
    bn_w = jnp.ones((D,), dtype=jnp.float32)
    bn_b = jnp.zeros((D,), dtype=jnp.float32)
    return {"x": x, "W": W, "b": b, "bn_w": bn_w, "bn_b": bn_b, "edge_index": edge_index}

def reference(x, W, b, bn_w, bn_b, edge_index):
    n = x.shape[0]
    loops = jnp.arange(n, dtype=edge_index.dtype)
    self_loops = jnp.stack([loops, loops])
    # outer utils.add_self_loops
    ei = jnp.concatenate([edge_index, self_loops], axis=1)
    src, dst = ei[0], ei[1]
    # utils.degree over edge_index[0]
    deg = jax.ops.segment_sum(jnp.ones(src.shape[0], dtype=x.dtype), src, num_segments=n)
    dis = jnp.where(deg > 0, jax.lax.rsqrt(deg), 0.0)
    norm = dis[src] * dis[dst]
    # GCNConv with normalize=True, improved=True, add_self_loops=True and edge_weight=norm
    # gcn_norm: add self loops again with fill_value 2.0 (improved)
    ei2 = jnp.concatenate([ei, self_loops], axis=1)
    ew = jnp.concatenate([norm, 2.0 * jnp.ones((n,), dtype=x.dtype)])
    row, col = ei2[0], ei2[1]
    deg2 = jax.ops.segment_sum(ew, col, num_segments=n)
    dis2 = jnp.where(deg2 > 0, jax.lax.rsqrt(deg2), 0.0)
    ew2 = dis2[row] * ew * dis2[col]
    # linear transform then message passing (scatter-add at dst)
    h = x @ W.T
    out = jax.ops.segment_sum(ew2[:, None] * h[row], col, num_segments=n) + b
    # BatchNorm1d in eval mode: running_mean=0, running_var=1, eps=1e-5
    out = out / jnp.sqrt(1.0 + 1e-5) * bn_w + bn_b
    out = jax.nn.relu(out)
    # dropout identity in eval; shortcut is Identity (in==out)
    return jax.nn.relu(out + x)

if __name__ == "__main__":
    import jax
    _d = setup_inputs()
    print(jax.jit(kernel)(*tuple(_d.values())))

</pallas_src>

<mosaic_0001>
#map = affine_map<(d0, d1) -> (0, 0)>
#map1 = affine_map<(d0, d1) -> (0, 0, 0)>
module attributes {stable_mosaic.version = 14 : i64} {
  func.func @sc3(%arg0: i32, %arg1: i32, %arg2: memref<10240x128xf32, #tpu.memory_space<hbm>>, %arg3: memref<32x10112xi32, #tpu.memory_space<hbm>>, %arg4: memref<32x158x64xi32, #tpu.memory_space<hbm>>, %arg5: memref<64x128xf32, #tpu.memory_space<hbm>>, %arg6: memref<2x10240x128xf32, #tpu.memory_space<hbm>>, %arg7: memref<10112xi32, #tpu.memory_space<vmem>>, %arg8: memref<158x64xi32, #tpu.memory_space<vmem>>, %arg9: memref<64x128xf32, #tpu.memory_space<vmem>>, %arg10: memref<64x128xf32, #tpu.memory_space<vmem>>, %arg11: memref<!tpu.dma_semaphore, #tpu.memory_space<semaphore_mem>>, %arg12: memref<!tpu.dma_semaphore, #tpu.memory_space<semaphore_mem>>, %arg13: memref<10240x128xf32, #tpu.memory_space<vmem_shared>>) attributes {dimension_semantics = [#tpu.dimension_semantics<core_parallel>, #tpu.dimension_semantics<subcore_parallel>], iteration_bounds = array<i64: 2, 16>, scalar_prefetch = 0 : i64, scratch_operands = 7 : i64, tpu.core_type = #tpu.core_type<sc_vector_subcore>, window_params = [{transform_indices = #map}, {transform_indices = #map}, {transform_indices = #map1}, {transform_indices = #map}, {transform_indices = #map1}]} {
    %mul3A = arith.constant 16 : i32
    %mul3A_0 = arith.muli %arg0, %mul3A : i32
    %add3A = arith.addi %mul3A_0, %arg1 : i32
    "tpu.region"() ({
      %run_scoped3A_70 = tpu.sem_alloc : memref<!tpu.dma_semaphore, #tpu.memory_space<semaphore_mem>>
      %dma_start3A_71 = arith.constant 0 : i32
      %dma_start3A_72 = tpu.memref_slice %arg3[%add3A, %dma_start3A_71] : memref<32x10112xi32, #tpu.memory_space<hbm>> -> memref<1x10112xi32, #tpu.memory_space<hbm>>
      %dma_start3A_73 = tpu.memref_squeeze %dma_start3A_72 : memref<1x10112xi32, #tpu.memory_space<hbm>> -> memref<10112xi32, #tpu.memory_space<hbm>>
      %dma_start3A_74 = arith.constant 0 : i32
      %dma_start3A_75 = tpu.memref_slice %arg3[%add3A, %dma_start3A_74] : memref<32x10112xi32, #tpu.memory_space<hbm>> -> memref<1x10112xi32, #tpu.memory_space<hbm>>
      %dma_start3A_76 = tpu.memref_squeeze %dma_start3A_75 : memref<1x10112xi32, #tpu.memory_space<hbm>> -> memref<10112xi32, #tpu.memory_space<hbm>>
      tpu.enqueue_dma source(%dma_start3A_76 : memref<10112xi32, #tpu.memory_space<hbm>>) target(%arg7 : memref<10112xi32, #tpu.memory_space<vmem>>) target_semaphore(%run_scoped3A_70 : memref<!tpu.dma_semaphore, #tpu.memory_space<semaphore_mem>>)
      %dma_wait3A_77 = arith.constant 0 : i32
      %dma_wait3A_78 = tpu.memref_slice %arg3[%add3A, %dma_wait3A_77] : memref<32x10112xi32, #tpu.memory_space<hbm>> -> memref<1x10112xi32, #tpu.memory_space<hbm>>
      %dma_wait3A_79 = tpu.memref_squeeze %dma_wait3A_78 : memref<1x10112xi32, #tpu.memory_space<hbm>> -> memref<10112xi32, #tpu.memory_space<hbm>>
      %dma_wait3A_80 = arith.constant 0 : i32
      %dma_wait3A_81 = tpu.memref_slice %arg3[%add3A, %dma_wait3A_80] : memref<32x10112xi32, #tpu.memory_space<hbm>> -> memref<1x10112xi32, #tpu.memory_space<hbm>>
      %dma_wait3A_82 = tpu.memref_squeeze %dma_wait3A_81 : memref<1x10112xi32, #tpu.memory_space<hbm>> -> memref<10112xi32, #tpu.memory_space<hbm>>
      tpu.wait_dma2 semaphore(%run_scoped3A_70 : memref<!tpu.dma_semaphore, #tpu.memory_space<semaphore_mem>>) src(%dma_wait3A_82 : memref<10112xi32, #tpu.memory_space<hbm>>) dst(%arg7 : memref<10112xi32, #tpu.memory_space<vmem>>)
      tpu.yield
    }) : () -> ()
    "tpu.region"() ({
      %run_scoped3A_70 = tpu.sem_alloc : memref<!tpu.dma_semaphore, #tpu.memory_space<semaphore_mem>>
      %dma_start3A_71 = arith.constant 0 : i32
      %dma_start3A_72 = arith.constant 0 : i32
      %dma_start3A_73 = tpu.memref_slice %arg4[%add3A, %dma_start3A_71, %dma_start3A_72] : memref<32x158x64xi32, #tpu.memory_space<hbm>> -> memref<1x158x64xi32, #tpu.memory_space<hbm>>
      %dma_start3A_74 = tpu.memref_squeeze %dma_start3A_73 : memref<1x158x64xi32, #tpu.memory_space<hbm>> -> memref<158x64xi32, #tpu.memory_space<hbm>>
      %dma_start3A_75 = arith.constant 0 : i32
      %dma_start3A_76 = arith.constant 0 : i32
      %dma_start3A_77 = tpu.memref_slice %arg4[%add3A, %dma_start3A_75, %dma_start3A_76] : memref<32x158x64xi32, #tpu.memory_space<hbm>> -> memref<1x158x64xi32, #tpu.memory_space<hbm>>
      %dma_start3A_78 = tpu.memref_squeeze %dma_start3A_77 : memref<1x158x64xi32, #tpu.memory_space<hbm>> -> memref<158x64xi32, #tpu.memory_space<hbm>>
      tpu.enqueue_dma source(%dma_start3A_78 : memref<158x64xi32, #tpu.memory_space<hbm>>) target(%arg8 : memref<158x64xi32, #tpu.memory_space<vmem>>) target_semaphore(%run_scoped3A_70 : memref<!tpu.dma_semaphore, #tpu.memory_space<semaphore_mem>>)
      %dma_wait3A_79 = arith.constant 0 : i32
      %dma_wait3A_80 = arith.constant 0 : i32
      %dma_wait3A_81 = tpu.memref_slice %arg4[%add3A, %dma_wait3A_79, %dma_wait3A_80] : memref<32x158x64xi32, #tpu.memory_space<hbm>> -> memref<1x158x64xi32, #tpu.memory_space<hbm>>
      %dma_wait3A_82 = tpu.memref_squeeze %dma_wait3A_81 : memref<1x158x64xi32, #tpu.memory_space<hbm>> -> memref<158x64xi32, #tpu.memory_space<hbm>>
      %dma_wait3A_83 = arith.constant 0 : i32
      %dma_wait3A_84 = arith.constant 0 : i32
      %dma_wait3A_85 = tpu.memref_slice %arg4[%add3A, %dma_wait3A_83, %dma_wait3A_84] : memref<32x158x64xi32, #tpu.memory_space<hbm>> -> memref<1x158x64xi32, #tpu.memory_space<hbm>>
      %dma_wait3A_86 = tpu.memref_squeeze %dma_wait3A_85 : memref<1x158x64xi32, #tpu.memory_space<hbm>> -> memref<158x64xi32, #tpu.memory_space<hbm>>
      tpu.wait_dma2 semaphore(%run_scoped3A_70 : memref<!tpu.dma_semaphore, #tpu.memory_space<semaphore_mem>>) src(%dma_wait3A_86 : memref<158x64xi32, #tpu.memory_space<hbm>>) dst(%arg8 : memref<158x64xi32, #tpu.memory_space<vmem>>)
      tpu.yield
    }) : () -> ()
    "tpu.region"() ({
      %run_scoped3A_70 = tpu.sem_alloc : memref<!tpu.dma_semaphore, #tpu.memory_space<semaphore_mem>>
      tpu.enqueue_dma source(%arg5 : memref<64x128xf32, #tpu.memory_space<hbm>>) target(%arg9 : memref<64x128xf32, #tpu.memory_space<vmem>>) target_semaphore(%run_scoped3A_70 : memref<!tpu.dma_semaphore, #tpu.memory_space<semaphore_mem>>)
      tpu.wait_dma2 semaphore(%run_scoped3A_70 : memref<!tpu.dma_semaphore, #tpu.memory_space<semaphore_mem>>) src(%arg5 : memref<64x128xf32, #tpu.memory_space<hbm>>) dst(%arg9 : memref<64x128xf32, #tpu.memory_space<vmem>>)
      tpu.yield
    }) : () -> ()
    %mul3A_1 = arith.constant 640 : i32
    %mul3A_2 = arith.muli %arg1, %mul3A_1 : i32
    %add3A_3 = arith.constant 0 : i32
    %add3A_4 = arith.addi %mul3A_2, %add3A_3 : i32
    "tpu.region"() ({
      %run_scoped3A_70 = tpu.sem_alloc : memref<!tpu.dma_semaphore, #tpu.memory_space<semaphore_mem>>
      %dma_start3A_71 = arith.constant 0 : i32
      %dma_start3A_72 = tpu.memref_slice %arg13[%add3A_4, %dma_start3A_71] : memref<10240x128xf32, #tpu.memory_space<vmem_shared>> -> memref<64x128xf32, #tpu.memory_space<vmem_shared>>
      %dma_start3A_73 = arith.constant 0 : i32
      %dma_start3A_74 = tpu.memref_slice %arg13[%add3A_4, %dma_start3A_73] : memref<10240x128xf32, #tpu.memory_space<vmem_shared>> -> memref<64x128xf32, #tpu.memory_space<vmem_shared>>
      tpu.enqueue_dma source(%arg9 : memref<64x128xf32, #tpu.memory_space<vmem>>) target(%dma_start3A_74 : memref<64x128xf32, #tpu.memory_space<vmem_shared>>) target_semaphore(%run_scoped3A_70 : memref<!tpu.dma_semaphore, #tpu.memory_space<semaphore_mem>>)
      %dma_wait3A_75 = arith.constant 0 : i32
      %dma_wait3A_76 = tpu.memref_slice %arg13[%add3A_4, %dma_wait3A_75] : memref<10240x128xf32, #tpu.memory_space<vmem_shared>> -> memref<64x128xf32, #tpu.memory_space<vmem_shared>>
      %dma_wait3A_77 = arith.constant 0 : i32
      %dma_wait3A_78 = tpu.memref_slice %arg13[%add3A_4, %dma_wait3A_77] : memref<10240x128xf32, #tpu.memory_space<vmem_shared>> -> memref<64x128xf32, #tpu.memory_space<vmem_shared>>
      tpu.wait_dma2 semaphore(%run_scoped3A_70 : memref<!tpu.dma_semaphore, #tpu.memory_space<semaphore_mem>>) src(%arg9 : memref<64x128xf32, #tpu.memory_space<vmem>>) dst(%dma_wait3A_78 : memref<64x128xf32, #tpu.memory_space<vmem_shared>>)
      tpu.yield
    }) : () -> ()
    %mul3A_5 = arith.constant 640 : i32
    %mul3A_6 = arith.muli %arg1, %mul3A_5 : i32
    %add3A_7 = arith.constant 64 : i32
    %add3A_8 = arith.addi %mul3A_6, %add3A_7 : i32
    "tpu.region"() ({
      %run_scoped3A_70 = tpu.sem_alloc : memref<!tpu.dma_semaphore, #tpu.memory_space<semaphore_mem>>
      %dma_start3A_71 = arith.constant 0 : i32
      %dma_start3A_72 = tpu.memref_slice %arg13[%add3A_8, %dma_start3A_71] : memref<10240x128xf32, #tpu.memory_space<vmem_shared>> -> memref<64x128xf32, #tpu.memory_space<vmem_shared>>
      %dma_start3A_73 = arith.constant 0 : i32
      %dma_start3A_74 = tpu.memref_slice %arg13[%add3A_8, %dma_start3A_73] : memref<10240x128xf32, #tpu.memory_space<vmem_shared>> -> memref<64x128xf32, #tpu.memory_space<vmem_shared>>
      tpu.enqueue_dma source(%arg9 : memref<64x128xf32, #tpu.memory_space<vmem>>) target(%dma_start3A_74 : memref<64x128xf32, #tpu.memory_space<vmem_shared>>) target_semaphore(%run_scoped3A_70 : memref<!tpu.dma_semaphore, #tpu.memory_space<semaphore_mem>>)
      %dma_wait3A_75 = arith.constant 0 : i32
      %dma_wait3A_76 = tpu.memref_slice %arg13[%add3A_8, %dma_wait3A_75] : memref<10240x128xf32, #tpu.memory_space<vmem_shared>> -> memref<64x128xf32, #tpu.memory_space<vmem_shared>>
      %dma_wait3A_77 = arith.constant 0 : i32
      %dma_wait3A_78 = tpu.memref_slice %arg13[%add3A_8, %dma_wait3A_77] : memref<10240x128xf32, #tpu.memory_space<vmem_shared>> -> memref<64x128xf32, #tpu.memory_space<vmem_shared>>
      tpu.wait_dma2 semaphore(%run_scoped3A_70 : memref<!tpu.dma_semaphore, #tpu.memory_space<semaphore_mem>>) src(%arg9 : memref<64x128xf32, #tpu.memory_space<vmem>>) dst(%dma_wait3A_78 : memref<64x128xf32, #tpu.memory_space<vmem_shared>>)
      tpu.yield
    }) : () -> ()
    %mul3A_9 = arith.constant 640 : i32
    %mul3A_10 = arith.muli %arg1, %mul3A_9 : i32
    %add3A_11 = arith.constant 128 : i32
    %add3A_12 = arith.addi %mul3A_10, %add3A_11 : i32
    "tpu.region"() ({
      %run_scoped3A_70 = tpu.sem_alloc : memref<!tpu.dma_semaphore, #tpu.memory_space<semaphore_mem>>
      %dma_start3A_71 = arith.constant 0 : i32
      %dma_start3A_72 = tpu.memref_slice %arg13[%add3A_12, %dma_start3A_71] : memref<10240x128xf32, #tpu.memory_space<vmem_shared>> -> memref<64x128xf32, #tpu.memory_space<vmem_shared>>
      %dma_start3A_73 = arith.constant 0 : i32
      %dma_start3A_74 = tpu.memref_slice %arg13[%add3A_12, %dma_start3A_73] : memref<10240x128xf32, #tpu.memory_space<vmem_shared>> -> memref<64x128xf32, #tpu.memory_space<vmem_shared>>
      tpu.enqueue_dma source(%arg9 : memref<64x128xf32, #tpu.memory_space<vmem>>) target(%dma_start3A_74 : memref<64x128xf32, #tpu.memory_space<vmem_shared>>) target_semaphore(%run_scoped3A_70 : memref<!tpu.dma_semaphore, #tpu.memory_space<semaphore_mem>>)
      %dma_wait3A_75 = arith.constant 0 : i32
      %dma_wait3A_76 = tpu.memref_slice %arg13[%add3A_12, %dma_wait3A_75] : memref<10240x128xf32, #tpu.memory_space<vmem_shared>> -> memref<64x128xf32, #tpu.memory_space<vmem_shared>>
      %dma_wait3A_77 = arith.constant 0 : i32
      %dma_wait3A_78 = tpu.memref_slice %arg13[%add3A_12, %dma_wait3A_77] : memref<10240x128xf32, #tpu.memory_space<vmem_shared>> -> memref<64x128xf32, #tpu.memory_space<vmem_shared>>
      tpu.wait_dma2 semaphore(%run_scoped3A_70 : memref<!tpu.dma_semaphore, #tpu.memory_space<semaphore_mem>>) src(%arg9 : memref<64x128xf32, #tpu.memory_space<vmem>>) dst(%dma_wait3A_78 : memref<64x128xf32, #tpu.memory_space<vmem_shared>>)
      tpu.yield
    }) : () -> ()
    %mul3A_13 = arith.constant 640 : i32
    %mul3A_14 = arith.muli %arg1, %mul3A_13 : i32
    %add3A_15 = arith.constant 192 : i32
    %add3A_16 = arith.addi %mul3A_14, %add3A_15 : i32
    "tpu.region"() ({
      %run_scoped3A_70 = tpu.sem_alloc : memref<!tpu.dma_semaphore, #tpu.memory_space<semaphore_mem>>
      %dma_start3A_71 = arith.constant 0 : i32
      %dma_start3A_72 = tpu.memref_slice %arg13[%add3A_16, %dma_start3A_71] : memref<10240x128xf32, #tpu.memory_space<vmem_shared>> -> memref<64x128xf32, #tpu.memory_space<vmem_shared>>
      %dma_start3A_73 = arith.constant 0 : i32
      %dma_start3A_74 = tpu.memref_slice %arg13[%add3A_16, %dma_start3A_73] : memref<10240x128xf32, #tpu.memory_space<vmem_shared>> -> memref<64x128xf32, #tpu.memory_space<vmem_shared>>
      tpu.enqueue_dma source(%arg9 : memref<64x128xf32, #tpu.memory_space<vmem>>) target(%dma_start3A_74 : memref<64x128xf32, #tpu.memory_space<vmem_shared>>) target_semaphore(%run_scoped3A_70 : memref<!tpu.dma_semaphore, #tpu.memory_space<semaphore_mem>>)
      %dma_wait3A_75 = arith.constant 0 : i32
      %dma_wait3A_76 = tpu.memref_slice %arg13[%add3A_16, %dma_wait3A_75] : memref<10240x128xf32, #tpu.memory_space<vmem_shared>> -> memref<64x128xf32, #tpu.memory_space<vmem_shared>>
      %dma_wait3A_77 = arith.constant 0 : i32
      %dma_wait3A_78 = tpu.memref_slice %arg13[%add3A_16, %dma_wait3A_77] : memref<10240x128xf32, #tpu.memory_space<vmem_shared>> -> memref<64x128xf32, #tpu.memory_space<vmem_shared>>
      tpu.wait_dma2 semaphore(%run_scoped3A_70 : memref<!tpu.dma_semaphore, #tpu.memory_space<semaphore_mem>>) src(%arg9 : memref<64x128xf32, #tpu.memory_space<vmem>>) dst(%dma_wait3A_78 : memref<64x128xf32, #tpu.memory_space<vmem_shared>>)
      tpu.yield
    }) : () -> ()
    %mul3A_17 = arith.constant 640 : i32
    %mul3A_18 = arith.muli %arg1, %mul3A_17 : i32
    %add3A_19 = arith.constant 256 : i32
    %add3A_20 = arith.addi %mul3A_18, %add3A_19 : i32
    "tpu.region"() ({
      %run_scoped3A_70 = tpu.sem_alloc : memref<!tpu.dma_semaphore, #tpu.memory_space<semaphore_mem>>
      %dma_start3A_71 = arith.constant 0 : i32
      %dma_start3A_72 = tpu.memref_slice %arg13[%add3A_20, %dma_start3A_71] : memref<10240x128xf32, #tpu.memory_space<vmem_shared>> -> memref<64x128xf32, #tpu.memory_space<vmem_shared>>
      %dma_start3A_73 = arith.constant 0 : i32
      %dma_start3A_74 = tpu.memref_slice %arg13[%add3A_20, %dma_start3A_73] : memref<10240x128xf32, #tpu.memory_space<vmem_shared>> -> memref<64x128xf32, #tpu.memory_space<vmem_shared>>
      tpu.enqueue_dma source(%arg9 : memref<64x128xf32, #tpu.memory_space<vmem>>) target(%dma_start3A_74 : memref<64x128xf32, #tpu.memory_space<vmem_shared>>) target_semaphore(%run_scoped3A_70 : memref<!tpu.dma_semaphore, #tpu.memory_space<semaphore_mem>>)
      %dma_wait3A_75 = arith.constant 0 : i32
      %dma_wait3A_76 = tpu.memref_slice %arg13[%add3A_20, %dma_wait3A_75] : memref<10240x128xf32, #tpu.memory_space<vmem_shared>> -> memref<64x128xf32, #tpu.memory_space<vmem_shared>>
      %dma_wait3A_77 = arith.constant 0 : i32
      %dma_wait3A_78 = tpu.memref_slice %arg13[%add3A_20, %dma_wait3A_77] : memref<10240x128xf32, #tpu.memory_space<vmem_shared>> -> memref<64x128xf32, #tpu.memory_space<vmem_shared>>
      tpu.wait_dma2 semaphore(%run_scoped3A_70 : memref<!tpu.dma_semaphore, #tpu.memory_space<semaphore_mem>>) src(%arg9 : memref<64x128xf32, #tpu.memory_space<vmem>>) dst(%dma_wait3A_78 : memref<64x128xf32, #tpu.memory_space<vmem_shared>>)
      tpu.yield
    }) : () -> ()
    %mul3A_21 = arith.constant 640 : i32
    %mul3A_22 = arith.muli %arg1, %mul3A_21 : i32
    %add3A_23 = arith.constant 320 : i32
    %add3A_24 = arith.addi %mul3A_22, %add3A_23 : i32
    "tpu.region"() ({
      %run_scoped3A_70 = tpu.sem_alloc : memref<!tpu.dma_semaphore, #tpu.memory_space<semaphore_mem>>
      %dma_start3A_71 = arith.constant 0 : i32
      %dma_start3A_72 = tpu.memref_slice %arg13[%add3A_24, %dma_start3A_71] : memref<10240x128xf32, #tpu.memory_space<vmem_shared>> -> memref<64x128xf32, #tpu.memory_space<vmem_shared>>
      %dma_start3A_73 = arith.constant 0 : i32
      %dma_start3A_74 = tpu.memref_slice %arg13[%add3A_24, %dma_start3A_73] : memref<10240x128xf32, #tpu.memory_space<vmem_shared>> -> memref<64x128xf32, #tpu.memory_space<vmem_shared>>
      tpu.enqueue_dma source(%arg9 : memref<64x128xf32, #tpu.memory_space<vmem>>) target(%dma_start3A_74 : memref<64x128xf32, #tpu.memory_space<vmem_shared>>) target_semaphore(%run_scoped3A_70 : memref<!tpu.dma_semaphore, #tpu.memory_space<semaphore_mem>>)
      %dma_wait3A_75 = arith.constant 0 : i32
      %dma_wait3A_76 = tpu.memref_slice %arg13[%add3A_24, %dma_wait3A_75] : memref<10240x128xf32, #tpu.memory_space<vmem_shared>> -> memref<64x128xf32, #tpu.memory_space<vmem_shared>>
      %dma_wait3A_77 = arith.constant 0 : i32
      %dma_wait3A_78 = tpu.memref_slice %arg13[%add3A_24, %dma_wait3A_77] : memref<10240x128xf32, #tpu.memory_space<vmem_shared>> -> memref<64x128xf32, #tpu.memory_space<vmem_shared>>
      tpu.wait_dma2 semaphore(%run_scoped3A_70 : memref<!tpu.dma_semaphore, #tpu.memory_space<semaphore_mem>>) src(%arg9 : memref<64x128xf32, #tpu.memory_space<vmem>>) dst(%dma_wait3A_78 : memref<64x128xf32, #tpu.memory_space<vmem_shared>>)
      tpu.yield
    }) : () -> ()
    %mul3A_25 = arith.constant 640 : i32
    %mul3A_26 = arith.muli %arg1, %mul3A_25 : i32
    %add3A_27 = arith.constant 384 : i32
    %add3A_28 = arith.addi %mul3A_26, %add3A_27 : i32
    "tpu.region"() ({
      %run_scoped3A_70 = tpu.sem_alloc : memref<!tpu.dma_semaphore, #tpu.memory_space<semaphore_mem>>
      %dma_start3A_71 = arith.constant 0 : i32
      %dma_start3A_72 = tpu.memref_slice %arg13[%add3A_28, %dma_start3A_71] : memref<10240x128xf32, #tpu.memory_space<vmem_shared>> -> memref<64x128xf32, #tpu.memory_space<vmem_shared>>
      %dma_start3A_73 = arith.constant 0 : i32
      %dma_start3A_74 = tpu.memref_slice %arg13[%add3A_28, %dma_start3A_73] : memref<10240x128xf32, #tpu.memory_space<vmem_shared>> -> memref<64x128xf32, #tpu.memory_space<vmem_shared>>
      tpu.enqueue_dma source(%arg9 : memref<64x128xf32, #tpu.memory_space<vmem>>) target(%dma_start3A_74 : memref<64x128xf32, #tpu.memory_space<vmem_shared>>) target_semaphore(%run_scoped3A_70 : memref<!tpu.dma_semaphore, #tpu.memory_space<semaphore_mem>>)
      %dma_wait3A_75 = arith.constant 0 : i32
      %dma_wait3A_76 = tpu.memref_slice %arg13[%add3A_28, %dma_wait3A_75] : memref<10240x128xf32, #tpu.memory_space<vmem_shared>> -> memref<64x128xf32, #tpu.memory_space<vmem_shared>>
      %dma_wait3A_77 = arith.constant 0 : i32
      %dma_wait3A_78 = tpu.memref_slice %arg13[%add3A_28, %dma_wait3A_77] : memref<10240x128xf32, #tpu.memory_space<vmem_shared>> -> memref<64x128xf32, #tpu.memory_space<vmem_shared>>
      tpu.wait_dma2 semaphore(%run_scoped3A_70 : memref<!tpu.dma_semaphore, #tpu.memory_space<semaphore_mem>>) src(%arg9 : memref<64x128xf32, #tpu.memory_space<vmem>>) dst(%dma_wait3A_78 : memref<64x128xf32, #tpu.memory_space<vmem_shared>>)
      tpu.yield
    }) : () -> ()
    %mul3A_29 = arith.constant 640 : i32
    %mul3A_30 = arith.muli %arg1, %mul3A_29 : i32
    %add3A_31 = arith.constant 448 : i32
    %add3A_32 = arith.addi %mul3A_30, %add3A_31 : i32
    "tpu.region"() ({
      %run_scoped3A_70 = tpu.sem_alloc : memref<!tpu.dma_semaphore, #tpu.memory_space<semaphore_mem>>
      %dma_start3A_71 = arith.constant 0 : i32
      %dma_start3A_72 = tpu.memref_slice %arg13[%add3A_32, %dma_start3A_71] : memref<10240x128xf32, #tpu.memory_space<vmem_shared>> -> memref<64x128xf32, #tpu.memory_space<vmem_shared>>
      %dma_start3A_73 = arith.constant 0 : i32
      %dma_start3A_74 = tpu.memref_slice %arg13[%add3A_32, %dma_start3A_73] : memref<10240x128xf32, #tpu.memory_space<vmem_shared>> -> memref<64x128xf32, #tpu.memory_space<vmem_shared>>
      tpu.enqueue_dma source(%arg9 : memref<64x128xf32, #tpu.memory_space<vmem>>) target(%dma_start3A_74 : memref<64x128xf32, #tpu.memory_space<vmem_shared>>) target_semaphore(%run_scoped3A_70 : memref<!tpu.dma_semaphore, #tpu.memory_space<semaphore_mem>>)
      %dma_wait3A_75 = arith.constant 0 : i32
      %dma_wait3A_76 = tpu.memref_slice %arg13[%add3A_32, %dma_wait3A_75] : memref<10240x128xf32, #tpu.memory_space<vmem_shared>> -> memref<64x128xf32, #tpu.memory_space<vmem_shared>>
      %dma_wait3A_77 = arith.constant 0 : i32
      %dma_wait3A_78 = tpu.memref_slice %arg13[%add3A_32, %dma_wait3A_77] : memref<10240x128xf32, #tpu.memory_space<vmem_shared>> -> memref<64x128xf32, #tpu.memory_space<vmem_shared>>
      tpu.wait_dma2 semaphore(%run_scoped3A_70 : memref<!tpu.dma_semaphore, #tpu.memory_space<semaphore_mem>>) src(%arg9 : memref<64x128xf32, #tpu.memory_space<vmem>>) dst(%dma_wait3A_78 : memref<64x128xf32, #tpu.memory_space<vmem_shared>>)
      tpu.yield
    }) : () -> ()
    %mul3A_33 = arith.constant 640 : i32
    %mul3A_34 = arith.muli %arg1, %mul3A_33 : i32
    %add3A_35 = arith.constant 512 : i32
    %add3A_36 = arith.addi %mul3A_34, %add3A_35 : i32
    "tpu.region"() ({
      %run_scoped3A_70 = tpu.sem_alloc : memref<!tpu.dma_semaphore, #tpu.memory_space<semaphore_mem>>
      %dma_start3A_71 = arith.constant 0 : i32
      %dma_start3A_72 = tpu.memref_slice %arg13[%add3A_36, %dma_start3A_71] : memref<10240x128xf32, #tpu.memory_space<vmem_shared>> -> memref<64x128xf32, #tpu.memory_space<vmem_shared>>
      %dma_start3A_73 = arith.constant 0 : i32
      %dma_start3A_74 = tpu.memref_slice %arg13[%add3A_36, %dma_start3A_73] : memref<10240x128xf32, #tpu.memory_space<vmem_shared>> -> memref<64x128xf32, #tpu.memory_space<vmem_shared>>
      tpu.enqueue_dma source(%arg9 : memref<64x128xf32, #tpu.memory_space<vmem>>) target(%dma_start3A_74 : memref<64x128xf32, #tpu.memory_space<vmem_shared>>) target_semaphore(%run_scoped3A_70 : memref<!tpu.dma_semaphore, #tpu.memory_space<semaphore_mem>>)
      %dma_wait3A_75 = arith.constant 0 : i32
      %dma_wait3A_76 = tpu.memref_slice %arg13[%add3A_36, %dma_wait3A_75] : memref<10240x128xf32, #tpu.memory_space<vmem_shared>> -> memref<64x128xf32, #tpu.memory_space<vmem_shared>>
      %dma_wait3A_77 = arith.constant 0 : i32
      %dma_wait3A_78 = tpu.memref_slice %arg13[%add3A_36, %dma_wait3A_77] : memref<10240x128xf32, #tpu.memory_space<vmem_shared>> -> memref<64x128xf32, #tpu.memory_space<vmem_shared>>
      tpu.wait_dma2 semaphore(%run_scoped3A_70 : memref<!tpu.dma_semaphore, #tpu.memory_space<semaphore_mem>>) src(%arg9 : memref<64x128xf32, #tpu.memory_space<vmem>>) dst(%dma_wait3A_78 : memref<64x128xf32, #tpu.memory_space<vmem_shared>>)
      tpu.yield
    }) : () -> ()
    %mul3A_37 = arith.constant 640 : i32
    %mul3A_38 = arith.muli %arg1, %mul3A_37 : i32
    %add3A_39 = arith.constant 576 : i32
    %add3A_40 = arith.addi %mul3A_38, %add3A_39 : i32
    "tpu.region"() ({
      %run_scoped3A_70 = tpu.sem_alloc : memref<!tpu.dma_semaphore, #tpu.memory_space<semaphore_mem>>
      %dma_start3A_71 = arith.constant 0 : i32
      %dma_start3A_72 = tpu.memref_slice %arg13[%add3A_40, %dma_start3A_71] : memref<10240x128xf32, #tpu.memory_space<vmem_shared>> -> memref<64x128xf32, #tpu.memory_space<vmem_shared>>
      %dma_start3A_73 = arith.constant 0 : i32
      %dma_start3A_74 = tpu.memref_slice %arg13[%add3A_40, %dma_start3A_73] : memref<10240x128xf32, #tpu.memory_space<vmem_shared>> -> memref<64x128xf32, #tpu.memory_space<vmem_shared>>
      tpu.enqueue_dma source(%arg9 : memref<64x128xf32, #tpu.memory_space<vmem>>) target(%dma_start3A_74 : memref<64x128xf32, #tpu.memory_space<vmem_shared>>) target_semaphore(%run_scoped3A_70 : memref<!tpu.dma_semaphore, #tpu.memory_space<semaphore_mem>>)
      %dma_wait3A_75 = arith.constant 0 : i32
      %dma_wait3A_76 = tpu.memref_slice %arg13[%add3A_40, %dma_wait3A_75] : memref<10240x128xf32, #tpu.memory_space<vmem_shared>> -> memref<64x128xf32, #tpu.memory_space<vmem_shared>>
      %dma_wait3A_77 = arith.constant 0 : i32
      %dma_wait3A_78 = tpu.memref_slice %arg13[%add3A_40, %dma_wait3A_77] : memref<10240x128xf32, #tpu.memory_space<vmem_shared>> -> memref<64x128xf32, #tpu.memory_space<vmem_shared>>
      tpu.wait_dma2 semaphore(%run_scoped3A_70 : memref<!tpu.dma_semaphore, #tpu.memory_space<semaphore_mem>>) src(%arg9 : memref<64x128xf32, #tpu.memory_space<vmem>>) dst(%dma_wait3A_78 : memref<64x128xf32, #tpu.memory_space<vmem_shared>>)
      tpu.yield
    }) : () -> ()
    %barrier3A = arith.constant 0 : index
    tpu.barrier barrier_id(%barrier3A)
    %dma_start3A = arith.constant 0 : i32
    %dma_start3A_41 = tpu.memref_slice %arg7[%dma_start3A] : memref<10112xi32, #tpu.memory_space<vmem>> -> memref<64xi32, #tpu.memory_space<vmem>>
    %dma_start3A_42 = arith.constant 0 : i32
    %dma_start3A_43 = arith.constant 0 : i32
    %dma_start3A_44 = tpu.memref_slice %arg2[%dma_start3A_42, %dma_start3A_43] : memref<10240x128xf32, #tpu.memory_space<hbm>> -> memref<10240x128xf32, #tpu.memory_space<hbm>>
    tpu.enqueue_indirect_dma source(%dma_start3A_44 : memref<10240x128xf32, #tpu.memory_space<hbm>>) target(%arg9 : memref<64x128xf32, #tpu.memory_space<vmem>>) offsets(%dma_start3A_41 : memref<64xi32, #tpu.memory_space<vmem>>) semaphore(%arg11 : memref<!tpu.dma_semaphore, #tpu.memory_space<semaphore_mem>>)
    %scan3A = arith.constant 0 : i32
    %scan3A_45 = arith.constant 0 : i32
    %scan3A_46 = arith.constant 78 : i32
    %scan3A_47 = arith.addi %scan3A_45, %scan3A_46 : i32
    %scan3A_48 = arith.constant 1 : i32
    scf.for %scan3A_70 = %scan3A_45 to %scan3A_47 step %scan3A_48  : i32 {
      %mul3A_71 = arith.constant 2 : i32
      %mul3A_72 = arith.muli %mul3A_71, %scan3A_70 : i32
      %add3A_73 = arith.constant 1 : i32
      %add3A_74 = arith.addi %mul3A_72, %add3A_73 : i32
      %mul3A_75 = arith.constant 64 : i32
      %mul3A_76 = arith.muli %add3A_74, %mul3A_75 : i32
      %dma_start3A_77 = tpu.memref_slice %arg7[%mul3A_76] : memref<10112xi32, #tpu.memory_space<vmem>> -> memref<64xi32, #tpu.memory_space<vmem>>
      %dma_start3A_78 = arith.constant 0 : i32
      %dma_start3A_79 = arith.constant 0 : i32
      %dma_start3A_80 = tpu.memref_slice %arg2[%dma_start3A_78, %dma_start3A_79] : memref<10240x128xf32, #tpu.memory_space<hbm>> -> memref<10240x128xf32, #tpu.memory_space<hbm>>
      tpu.enqueue_indirect_dma source(%dma_start3A_80 : memref<10240x128xf32, #tpu.memory_space<hbm>>) target(%arg10 : memref<64x128xf32, #tpu.memory_space<vmem>>) offsets(%dma_start3A_77 : memref<64xi32, #tpu.memory_space<vmem>>) semaphore(%arg12 : memref<!tpu.dma_semaphore, #tpu.memory_space<semaphore_mem>>)
      %dma_wait3A_81 = arith.constant 0 : i32
      %dma_wait3A_82 = tpu.memref_slice %arg7[%dma_wait3A_81] : memref<10112xi32, #tpu.memory_space<vmem>> -> memref<64xi32, #tpu.memory_space<vmem>>
      %dma_wait3A_83 = arith.constant 0 : i32
      %dma_wait3A_84 = arith.constant 0 : i32
      %dma_wait3A_85 = tpu.memref_slice %arg2[%dma_wait3A_83, %dma_wait3A_84] : memref<10240x128xf32, #tpu.memory_space<hbm>> -> memref<10240x128xf32, #tpu.memory_space<hbm>>
      tpu.wait_indirect_dma semaphore(%arg11 : memref<!tpu.dma_semaphore, #tpu.memory_space<semaphore_mem>>) src(%dma_wait3A_85 : memref<10240x128xf32, #tpu.memory_space<hbm>>) dst(%arg9 : memref<64x128xf32, #tpu.memory_space<vmem>>)
      "tpu.region"() ({
        %run_scoped3A_101 = tpu.sem_alloc : memref<!tpu.dma_semaphore, #tpu.memory_space<semaphore_mem>>
        %dma_start3A_102 = arith.constant 0 : i32
        %dma_start3A_103 = tpu.memref_slice %arg8[%mul3A_72, %dma_start3A_102] : memref<158x64xi32, #tpu.memory_space<vmem>> -> memref<1x64xi32, #tpu.memory_space<vmem>>
        %dma_start3A_104 = tpu.memref_squeeze %dma_start3A_103 : memref<1x64xi32, #tpu.memory_space<vmem>> -> memref<64xi32, #tpu.memory_space<vmem>>
        %dma_start3A_105 = arith.constant 0 : i32
        %dma_start3A_106 = arith.constant 0 : i32
        %dma_start3A_107 = tpu.memref_slice %arg13[%dma_start3A_105, %dma_start3A_106] : memref<10240x128xf32, #tpu.memory_space<vmem_shared>> -> memref<10240x128xf32, #tpu.memory_space<vmem_shared>>
        tpu.enqueue_indirect_dma source(%arg9 : memref<64x128xf32, #tpu.memory_space<vmem>>) target(%dma_start3A_107 : memref<10240x128xf32, #tpu.memory_space<vmem_shared>>) offsets(%dma_start3A_104 : memref<64xi32, #tpu.memory_space<vmem>>) semaphore(%run_scoped3A_101 : memref<!tpu.dma_semaphore, #tpu.memory_space<semaphore_mem>>) {add = true}
        %dma_wait3A_108 = arith.constant 0 : i32
        %dma_wait3A_109 = tpu.memref_slice %arg8[%mul3A_72, %dma_wait3A_108] : memref<158x64xi32, #tpu.memory_space<vmem>> -> memref<1x64xi32, #tpu.memory_space<vmem>>
        %dma_wait3A_110 = tpu.memref_squeeze %dma_wait3A_109 : memref<1x64xi32, #tpu.memory_space<vmem>> -> memref<64xi32, #tpu.memory_space<vmem>>
        %dma_wait3A_111 = arith.constant 0 : i32
        %dma_wait3A_112 = arith.constant 0 : i32
        %dma_wait3A_113 = tpu.memref_slice %arg13[%dma_wait3A_111, %dma_wait3A_112] : memref<10240x128xf32, #tpu.memory_space<vmem_shared>> -> memref<10240x128xf32, #tpu.memory_space<vmem_shared>>
        tpu.wait_indirect_dma semaphore(%run_scoped3A_101 : memref<!tpu.dma_semaphore, #tpu.memory_space<semaphore_mem>>) src(%arg9 : memref<64x128xf32, #tpu.memory_space<vmem>>) dst(%dma_wait3A_113 : memref<10240x128xf32, #tpu.memory_space<vmem_shared>>)
        tpu.yield
      }) : () -> ()
      %add3A_86 = arith.constant 2 : i32
      %add3A_87 = arith.addi %mul3A_72, %add3A_86 : i32
      %mul3A_88 = arith.constant 64 : i32
      %mul3A_89 = arith.muli %add3A_87, %mul3A_88 : i32
      %dma_start3A_90 = tpu.memref_slice %arg7[%mul3A_89] : memref<10112xi32, #tpu.memory_space<vmem>> -> memref<64xi32, #tpu.memory_space<vmem>>
      %dma_start3A_91 = arith.constant 0 : i32
      %dma_start3A_92 = arith.constant 0 : i32
      %dma_start3A_93 = tpu.memref_slice %arg2[%dma_start3A_91, %dma_start3A_92] : memref<10240x128xf32, #tpu.memory_space<hbm>> -> memref<10240x128xf32, #tpu.memory_space<hbm>>
      tpu.enqueue_indirect_dma source(%dma_start3A_93 : memref<10240x128xf32, #tpu.memory_space<hbm>>) target(%arg9 : memref<64x128xf32, #tpu.memory_space<vmem>>) offsets(%dma_start3A_90 : memref<64xi32, #tpu.memory_space<vmem>>) semaphore(%arg11 : memref<!tpu.dma_semaphore, #tpu.memory_space<semaphore_mem>>)
      %dma_wait3A_94 = arith.constant 0 : i32
      %dma_wait3A_95 = tpu.memref_slice %arg7[%dma_wait3A_94] : memref<10112xi32, #tpu.memory_space<vmem>> -> memref<64xi32, #tpu.memory_space<vmem>>
      %dma_wait3A_96 = arith.constant 0 : i32
      %dma_wait3A_97 = arith.constant 0 : i32
      %dma_wait3A_98 = tpu.memref_slice %arg2[%dma_wait3A_96, %dma_wait3A_97] : memref<10240x128xf32, #tpu.memory_space<hbm>> -> memref<10240x128xf32, #tpu.memory_space<hbm>>
      tpu.wait_indirect_dma semaphore(%arg12 : memref<!tpu.dma_semaphore, #tpu.memory_space<semaphore_mem>>) src(%dma_wait3A_98 : memref<10240x128xf32, #tpu.memory_space<hbm>>) dst(%arg10 : memref<64x128xf32, #tpu.memory_space<vmem>>)
      %add3A_99 = arith.constant 1 : i32
      %add3A_100 = arith.addi %mul3A_72, %add3A_99 : i32
      "tpu.region"() ({
        %run_scoped3A_101 = tpu.sem_alloc : memref<!tpu.dma_semaphore, #tpu.memory_space<semaphore_mem>>
        %dma_start3A_102 = arith.constant 0 : i32
        %dma_start3A_103 = tpu.memref_slice %arg8[%add3A_100, %dma_start3A_102] : memref<158x64xi32, #tpu.memory_space<vmem>> -> memref<1x64xi32, #tpu.memory_space<vmem>>
        %dma_start3A_104 = tpu.memref_squeeze %dma_start3A_103 : memref<1x64xi32, #tpu.memory_space<vmem>> -> memref<64xi32, #tpu.memory_space<vmem>>
        %dma_start3A_105 = arith.constant 0 : i32
        %dma_start3A_106 = arith.constant 0 : i32
        %dma_start3A_107 = tpu.memref_slice %arg13[%dma_start3A_105, %dma_start3A_106] : memref<10240x128xf32, #tpu.memory_space<vmem_shared>> -> memref<10240x128xf32, #tpu.memory_space<vmem_shared>>
        tpu.enqueue_indirect_dma source(%arg10 : memref<64x128xf32, #tpu.memory_space<vmem>>) target(%dma_start3A_107 : memref<10240x128xf32, #tpu.memory_space<vmem_shared>>) offsets(%dma_start3A_104 : memref<64xi32, #tpu.memory_space<vmem>>) semaphore(%run_scoped3A_101 : memref<!tpu.dma_semaphore, #tpu.memory_space<semaphore_mem>>) {add = true}
        %dma_wait3A_108 = arith.constant 0 : i32
        %dma_wait3A_109 = tpu.memref_slice %arg8[%add3A_100, %dma_wait3A_108] : memref<158x64xi32, #tpu.memory_space<vmem>> -> memref<1x64xi32, #tpu.memory_space<vmem>>
        %dma_wait3A_110 = tpu.memref_squeeze %dma_wait3A_109 : memref<1x64xi32, #tpu.memory_space<vmem>> -> memref<64xi32, #tpu.memory_space<vmem>>
        %dma_wait3A_111 = arith.constant 0 : i32
        %dma_wait3A_112 = arith.constant 0 : i32
        %dma_wait3A_113 = tpu.memref_slice %arg13[%dma_wait3A_111, %dma_wait3A_112] : memref<10240x128xf32, #tpu.memory_space<vmem_shared>> -> memref<10240x128xf32, #tpu.memory_space<vmem_shared>>
        tpu.wait_indirect_dma semaphore(%run_scoped3A_101 : memref<!tpu.dma_semaphore, #tpu.memory_space<semaphore_mem>>) src(%arg10 : memref<64x128xf32, #tpu.memory_space<vmem>>) dst(%dma_wait3A_113 : memref<10240x128xf32, #tpu.memory_space<vmem_shared>>)
        tpu.yield
      }) : () -> ()
    }
    %scan3A_49 = arith.constant 78 : i32
    %dma_start3A_50 = arith.constant 10048 : i32
    %dma_start3A_51 = tpu.memref_slice %arg7[%dma_start3A_50] : memref<10112xi32, #tpu.memory_space<vmem>> -> memref<64xi32, #tpu.memory_space<vmem>>
    %dma_start3A_52 = arith.constant 0 : i32
    %dma_start3A_53 = arith.constant 0 : i32
    %dma_start3A_54 = tpu.memref_slice %arg2[%dma_start3A_52, %dma_start3A_53] : memref<10240x128xf32, #tpu.memory_space<hbm>> -> memref<10240x128xf32, #tpu.memory_space<hbm>>
    tpu.enqueue_indirect_dma source(%dma_start3A_54 : memref<10240x128xf32, #tpu.memory_space<hbm>>) target(%arg10 : memref<64x128xf32, #tpu.memory_space<vmem>>) offsets(%dma_start3A_51 : memref<64xi32, #tpu.memory_space<vmem>>) semaphore(%arg12 : memref<!tpu.dma_semaphore, #tpu.memory_space<semaphore_mem>>)
    %dma_wait3A = arith.constant 0 : i32
    %dma_wait3A_55 = tpu.memref_slice %arg7[%dma_wait3A] : memref<10112xi32, #tpu.memory_space<vmem>> -> memref<64xi32, #tpu.memory_space<vmem>>
    %dma_wait3A_56 = arith.constant 0 : i32
    %dma_wait3A_57 = arith.constant 0 : i32
    %dma_wait3A_58 = tpu.memref_slice %arg2[%dma_wait3A_56, %dma_wait3A_57] : memref<10240x128xf32, #tpu.memory_space<hbm>> -> memref<10240x128xf32, #tpu.memory_space<hbm>>
    tpu.wait_indirect_dma semaphore(%arg11 : memref<!tpu.dma_semaphore, #tpu.memory_space<semaphore_mem>>) src(%dma_wait3A_58 : memref<10240x128xf32, #tpu.memory_space<hbm>>) dst(%arg9 : memref<64x128xf32, #tpu.memory_space<vmem>>)
    %run_scoped3A = arith.constant 156 : i32
    "tpu.region"() ({
      %run_scoped3A_70 = tpu.sem_alloc : memref<!tpu.dma_semaphore, #tpu.memory_space<semaphore_mem>>
      %dma_start3A_71 = arith.constant 0 : i32
      %dma_start3A_72 = tpu.memref_slice %arg8[%run_scoped3A, %dma_start3A_71] : memref<158x64xi32, #tpu.memory_space<vmem>> -> memref<1x64xi32, #tpu.memory_space<vmem>>
      %dma_start3A_73 = tpu.memref_squeeze %dma_start3A_72 : memref<1x64xi32, #tpu.memory_space<vmem>> -> memref<64xi32, #tpu.memory_space<vmem>>
      %dma_start3A_74 = arith.constant 0 : i32
      %dma_start3A_75 = arith.constant 0 : i32
      %dma_start3A_76 = tpu.memref_slice %arg13[%dma_start3A_74, %dma_start3A_75] : memref<10240x128xf32, #tpu.memory_space<vmem_shared>> -> memref<10240x128xf32, #tpu.memory_space<vmem_shared>>
      tpu.enqueue_indirect_dma source(%arg9 : memref<64x128xf32, #tpu.memory_space<vmem>>) target(%dma_start3A_76 : memref<10240x128xf32, #tpu.memory_space<vmem_shared>>) offsets(%dma_start3A_73 : memref<64xi32, #tpu.memory_space<vmem>>) semaphore(%run_scoped3A_70 : memref<!tpu.dma_semaphore, #tpu.memory_space<semaphore_mem>>) {add = true}
      %dma_wait3A_77 = arith.constant 0 : i32
      %dma_wait3A_78 = tpu.memref_slice %arg8[%run_scoped3A, %dma_wait3A_77] : memref<158x64xi32, #tpu.memory_space<vmem>> -> memref<1x64xi32, #tpu.memory_space<vmem>>
      %dma_wait3A_79 = tpu.memref_squeeze %dma_wait3A_78 : memref<1x64xi32, #tpu.memory_space<vmem>> -> memref<64xi32, #tpu.memory_space<vmem>>
      %dma_wait3A_80 = arith.constant 0 : i32
      %dma_wait3A_81 = arith.constant 0 : i32
      %dma_wait3A_82 = tpu.memref_slice %arg13[%dma_wait3A_80, %dma_wait3A_81] : memref<10240x128xf32, #tpu.memory_space<vmem_shared>> -> memref<10240x128xf32, #tpu.memory_space<vmem_shared>>
      tpu.wait_indirect_dma semaphore(%run_scoped3A_70 : memref<!tpu.dma_semaphore, #tpu.memory_space<semaphore_mem>>) src(%arg9 : memref<64x128xf32, #tpu.memory_space<vmem>>) dst(%dma_wait3A_82 : memref<10240x128xf32, #tpu.memory_space<vmem_shared>>)
      tpu.yield
    }) : () -> ()
    %dma_wait3A_59 = arith.constant 0 : i32
    %dma_wait3A_60 = tpu.memref_slice %arg7[%dma_wait3A_59] : memref<10112xi32, #tpu.memory_space<vmem>> -> memref<64xi32, #tpu.memory_space<vmem>>
    %dma_wait3A_61 = arith.constant 0 : i32
    %dma_wait3A_62 = arith.constant 0 : i32
    %dma_wait3A_63 = tpu.memref_slice %arg2[%dma_wait3A_61, %dma_wait3A_62] : memref<10240x128xf32, #tpu.memory_space<hbm>> -> memref<10240x128xf32, #tpu.memory_space<hbm>>
    tpu.wait_indirect_dma semaphore(%arg12 : memref<!tpu.dma_semaphore, #tpu.memory_space<semaphore_mem>>) src(%dma_wait3A_63 : memref<10240x128xf32, #tpu.memory_space<hbm>>) dst(%arg10 : memref<64x128xf32, #tpu.memory_space<vmem>>)
    %run_scoped3A_64 = arith.constant 157 : i32
    "tpu.region"() ({
      %run_scoped3A_70 = tpu.sem_alloc : memref<!tpu.dma_semaphore, #tpu.memory_space<semaphore_mem>>
      %dma_start3A_71 = arith.constant 0 : i32
      %dma_start3A_72 = tpu.memref_slice %arg8[%run_scoped3A_64, %dma_start3A_71] : memref<158x64xi32, #tpu.memory_space<vmem>> -> memref<1x64xi32, #tpu.memory_space<vmem>>
      %dma_start3A_73 = tpu.memref_squeeze %dma_start3A_72 : memref<1x64xi32, #tpu.memory_space<vmem>> -> memref<64xi32, #tpu.memory_space<vmem>>
      %dma_start3A_74 = arith.constant 0 : i32
      %dma_start3A_75 = arith.constant 0 : i32
      %dma_start3A_76 = tpu.memref_slice %arg13[%dma_start3A_74, %dma_start3A_75] : memref<10240x128xf32, #tpu.memory_space<vmem_shared>> -> memref<10240x128xf32, #tpu.memory_space<vmem_shared>>
      tpu.enqueue_indirect_dma source(%arg10 : memref<64x128xf32, #tpu.memory_space<vmem>>) target(%dma_start3A_76 : memref<10240x128xf32, #tpu.memory_space<vmem_shared>>) offsets(%dma_start3A_73 : memref<64xi32, #tpu.memory_space<vmem>>) semaphore(%run_scoped3A_70 : memref<!tpu.dma_semaphore, #tpu.memory_space<semaphore_mem>>) {add = true}
      %dma_wait3A_77 = arith.constant 0 : i32
      %dma_wait3A_78 = tpu.memref_slice %arg8[%run_scoped3A_64, %dma_wait3A_77] : memref<158x64xi32, #tpu.memory_space<vmem>> -> memref<1x64xi32, #tpu.memory_space<vmem>>
      %dma_wait3A_79 = tpu.memref_squeeze %dma_wait3A_78 : memref<1x64xi32, #tpu.memory_space<vmem>> -> memref<64xi32, #tpu.memory_space<vmem>>
      %dma_wait3A_80 = arith.constant 0 : i32
      %dma_wait3A_81 = arith.constant 0 : i32
      %dma_wait3A_82 = tpu.memref_slice %arg13[%dma_wait3A_80, %dma_wait3A_81] : memref<10240x128xf32, #tpu.memory_space<vmem_shared>> -> memref<10240x128xf32, #tpu.memory_space<vmem_shared>>
      tpu.wait_indirect_dma semaphore(%run_scoped3A_70 : memref<!tpu.dma_semaphore, #tpu.memory_space<semaphore_mem>>) src(%arg10 : memref<64x128xf32, #tpu.memory_space<vmem>>) dst(%dma_wait3A_82 : memref<10240x128xf32, #tpu.memory_space<vmem_shared>>)
      tpu.yield
    }) : () -> ()
    %barrier3A_65 = arith.constant 0 : index
    tpu.barrier barrier_id(%barrier3A_65)
    %mul3A_66 = arith.constant 640 : i32
    %mul3A_67 = arith.muli %arg1, %mul3A_66 : i32
    %mul3A_68 = arith.constant 640 : i32
    %mul3A_69 = arith.muli %arg1, %mul3A_68 : i32
    "tpu.region"() ({
      %run_scoped3A_70 = tpu.sem_alloc : memref<!tpu.dma_semaphore, #tpu.memory_space<semaphore_mem>>
      %dma_start3A_71 = arith.constant 0 : i32
      %dma_start3A_72 = arith.constant 0 : i32
      %dma_start3A_73 = tpu.memref_slice %arg6[%arg0, %dma_start3A_71, %dma_start3A_72] : memref<2x10240x128xf32, #tpu.memory_space<hbm>> -> memref<1x10240x128xf32, #tpu.memory_space<hbm>>
      %dma_start3A_74 = tpu.memref_squeeze %dma_start3A_73 : memref<1x10240x128xf32, #tpu.memory_space<hbm>> -> memref<10240x128xf32, #tpu.memory_space<hbm>>
      %dma_start3A_75 = arith.constant 0 : i32
      %dma_start3A_76 = tpu.memref_slice %dma_start3A_74[%mul3A_69, %dma_start3A_75] : memref<10240x128xf32, #tpu.memory_space<hbm>> -> memref<640x128xf32, #tpu.memory_space<hbm>>
      %dma_start3A_77 = arith.constant 0 : i32
      %dma_start3A_78 = tpu.memref_slice %arg13[%mul3A_67, %dma_start3A_77] : memref<10240x128xf32, #tpu.memory_space<vmem_shared>> -> memref<640x128xf32, #tpu.memory_space<vmem_shared>>
      tpu.enqueue_dma source(%dma_start3A_78 : memref<640x128xf32, #tpu.memory_space<vmem_shared>>) target(%dma_start3A_76 : memref<640x128xf32, #tpu.memory_space<hbm>>) target_semaphore(%run_scoped3A_70 : memref<!tpu.dma_semaphore, #tpu.memory_space<semaphore_mem>>)
      %dma_wait3A_79 = arith.constant 0 : i32
      %dma_wait3A_80 = arith.constant 0 : i32
      %dma_wait3A_81 = tpu.memref_slice %arg6[%arg0, %dma_wait3A_79, %dma_wait3A_80] : memref<2x10240x128xf32, #tpu.memory_space<hbm>> -> memref<1x10240x128xf32, #tpu.memory_space<hbm>>
      %dma_wait3A_82 = tpu.memref_squeeze %dma_wait3A_81 : memref<1x10240x128xf32, #tpu.memory_space<hbm>> -> memref<10240x128xf32, #tpu.memory_space<hbm>>
      %dma_wait3A_83 = arith.constant 0 : i32
      %dma_wait3A_84 = tpu.memref_slice %dma_wait3A_82[%mul3A_69, %dma_wait3A_83] : memref<10240x128xf32, #tpu.memory_space<hbm>> -> memref<640x128xf32, #tpu.memory_space<hbm>>
      %dma_wait3A_85 = arith.constant 0 : i32
      %dma_wait3A_86 = tpu.memref_slice %arg13[%mul3A_67, %dma_wait3A_85] : memref<10240x128xf32, #tpu.memory_space<vmem_shared>> -> memref<640x128xf32, #tpu.memory_space<vmem_shared>>
      tpu.wait_dma2 semaphore(%run_scoped3A_70 : memref<!tpu.dma_semaphore, #tpu.memory_space<semaphore_mem>>) src(%dma_wait3A_86 : memref<640x128xf32, #tpu.memory_space<vmem_shared>>) dst(%dma_wait3A_84 : memref<640x128xf32, #tpu.memory_space<hbm>>)
      tpu.yield
    }) : () -> ()
    return
  }
}

#map = affine_map<(d0, d1) -> (0, 0)>
#map1 = affine_map<(d0, d1) -> (0)>
module attributes {stable_mosaic.version = 14 : i64} {
  func.func @sc12(%arg0: i32, %arg1: i32, %arg2: memref<16x20224xi32, #tpu.memory_space<hbm>>, %arg3: memref<32x10112xi32, #tpu.memory_space<hbm>>, %arg4: memref<32x10112xi32, #tpu.memory_space<hbm>>, %arg5: memref<10240xf32, #tpu.memory_space<hbm>>, %arg6: memref<80x128xi32, #tpu.memory_space<hbm>>, %arg7: memref<2x10240xf32, #tpu.memory_space<hbm>>, %arg8: memref<10240xf32, #tpu.memory_space<hbm>>, %arg9: memref<20224xi32, #tpu.memory_space<vmem>>, %arg10: memref<10112xi32, #tpu.memory_space<vmem>>, %arg11: memref<10240xf32, #tpu.memory_space<vmem>>, %arg12: memref<10240xf32, #tpu.memory_space<vmem>>, %arg13: memref<80x128xi32, #tpu.memory_space<vmem>>, %arg14: memref<640xf32, #tpu.memory_space<vmem>>, %arg15: memref<640xf32, #tpu.memory_space<vmem>>, %arg16: memref<10240xf32, #tpu.memory_space<vmem_shared>>, %arg17: memref<10240xf32, #tpu.memory_space<vmem_shared>>) attributes {dimension_semantics = [#tpu.dimension_semantics<core_parallel>, #tpu.dimension_semantics<subcore_parallel>], iteration_bounds = array<i64: 2, 16>, scalar_prefetch = 0 : i64, scratch_operands = 9 : i64, tpu.core_type = #tpu.core_type<sc_vector_subcore>, window_params = [{transform_indices = #map}, {transform_indices = #map}, {transform_indices = #map}, {transform_indices = #map1}, {transform_indices = #map}, {transform_indices = #map}, {transform_indices = #map1}]} {
    %mul3A = arith.constant 16 : i32
    %mul3A_0 = arith.muli %arg0, %mul3A : i32
    %add3A = arith.addi %mul3A_0, %arg1 : i32
    "tpu.region"() ({
      %run_scoped3A = tpu.sem_alloc : memref<!tpu.dma_semaphore, #tpu.memory_space<semaphore_mem>>
      %dma_start3A = arith.constant 0 : i32
      %dma_start3A_1721 = tpu.memref_slice %arg2[%arg1, %dma_start3A] : memref<16x20224xi32, #tpu.memory_space<hbm>> -> memref<1x20224xi32, #tpu.memory_space<hbm>>
      %dma_start3A_1722 = tpu.memref_squeeze %dma_start3A_1721 : memref<1x20224xi32, #tpu.memory_space<hbm>> -> memref<20224xi32, #tpu.memory_space<hbm>>
      %dma_start3A_1723 = arith.constant 0 : i32
      %dma_start3A_1724 = tpu.memref_slice %arg2[%arg1, %dma_start3A_1723] : memref<16x20224xi32, #tpu.memory_space<hbm>> -> memref<1x20224xi32, #tpu.memory_space<hbm>>
      %dma_start3A_1725 = tpu.memref_squeeze %dma_start3A_1724 : memref<1x20224xi32, #tpu.memory_space<hbm>> -> memref<20224xi32, #tpu.memory_space<hbm>>
      tpu.enqueue_dma source(%dma_start3A_1725 : memref<20224xi32, #tpu.memory_space<hbm>>) target(%arg9 : memref<20224xi32, #tpu.memory_space<vmem>>) target_semaphore(%run_scoped3A : memref<!tpu.dma_semaphore, #tpu.memory_space<semaphore_mem>>)
      %dma_wait3A = arith.constant 0 : i32
      %dma_wait3A_1726 = tpu.memref_slice %arg2[%arg1, %dma_wait3A] : memref<16x20224xi32, #tpu.memory_space<hbm>> -> memref<1x20224xi32, #tpu.memory_space<hbm>>
      %dma_wait3A_1727 = tpu.memref_squeeze %dma_wait3A_1726 : memref<1x20224xi32, #tpu.memory_space<hbm>> -> memref<20224xi32, #tpu.memory_space<hbm>>
      %dma_wait3A_1728 = arith.constant 0 : i32
      %dma_wait3A_1729 = tpu.memref_slice %arg2[%arg1, %dma_wait3A_1728] : memref<16x20224xi32, #tpu.memory_space<hbm>> -> memref<1x20224xi32, #tpu.memory_space<hbm>>
      %dma_wait3A_1730 = tpu.memref_squeeze %dma_wait3A_1729 : memref<1x20224xi32, #tpu.memory_space<hbm>> -> memref<20224xi32, #tpu.memory_space<hbm>>
      tpu.wait_dma2 semaphore(%run_scoped3A : memref<!tpu.dma_semaphore, #tpu.memory_space<semaphore_mem>>) src(%dma_wait3A_1730 : memref<20224xi32, #tpu.memory_space<hbm>>) dst(%arg9 : memref<20224xi32, #tpu.memory_space<vmem>>)
      tpu.yield
    }) : () -> ()
    "tpu.region"() ({
      %run_scoped3A = tpu.sem_alloc : memref<!tpu.dma_semaphore, #tpu.memory_space<semaphore_mem>>
      tpu.enqueue_dma source(%arg5 : memref<10240xf32, #tpu.memory_space<hbm>>) target(%arg12 : memref<10240xf32, #tpu.memory_space<vmem>>) target_semaphore(%run_scoped3A : memref<!tpu.dma_semaphore, #tpu.memory_space<semaphore_mem>>)
      tpu.wait_dma2 semaphore(%run_scoped3A : memref<!tpu.dma_semaphore, #tpu.memory_space<semaphore_mem>>) src(%arg5 : memref<10240xf32, #tpu.memory_space<hbm>>) dst(%arg12 : memref<10240xf32, #tpu.memory_space<vmem>>)
      tpu.yield
    }) : () -> ()
    "tpu.region"() ({
      %run_scoped3A = tpu.sem_alloc : memref<!tpu.dma_semaphore, #tpu.memory_space<semaphore_mem>>
      tpu.enqueue_dma source(%arg6 : memref<80x128xi32, #tpu.memory_space<hbm>>) target(%arg13 : memref<80x128xi32, #tpu.memory_space<vmem>>) target_semaphore(%run_scoped3A : memref<!tpu.dma_semaphore, #tpu.memory_space<semaphore_mem>>)
      tpu.wait_dma2 semaphore(%run_scoped3A : memref<!tpu.dma_semaphore, #tpu.memory_space<semaphore_mem>>) src(%arg6 : memref<80x128xi32, #tpu.memory_space<hbm>>) dst(%arg13 : memref<80x128xi32, #tpu.memory_space<vmem>>)
      tpu.yield
    }) : () -> ()
    %mul3A_1 = arith.constant 640 : i32
    %mul3A_2 = arith.muli %arg1, %mul3A_1 : i32
    %mul3A_3 = arith.constant 640 : i32
    %mul3A_4 = arith.muli %arg1, %mul3A_3 : i32
    "tpu.region"() ({
      %run_scoped3A = tpu.sem_alloc : memref<!tpu.dma_semaphore, #tpu.memory_space<semaphore_mem>>
      %dma_start3A = tpu.memref_slice %arg16[%mul3A_4] : memref<10240xf32, #tpu.memory_space<vmem_shared>> -> memref<640xf32, #tpu.memory_space<vmem_shared>>
      %dma_start3A_1721 = tpu.memref_slice %arg5[%mul3A_2] : memref<10240xf32, #tpu.memory_space<hbm>> -> memref<640xf32, #tpu.memory_space<hbm>>
      tpu.enqueue_dma source(%dma_start3A_1721 : memref<640xf32, #tpu.memory_space<hbm>>) target(%dma_start3A : memref<640xf32, #tpu.memory_space<vmem_shared>>) target_semaphore(%run_scoped3A : memref<!tpu.dma_semaphore, #tpu.memory_space<semaphore_mem>>)
      %dma_wait3A = tpu.memref_slice %arg16[%mul3A_4] : memref<10240xf32, #tpu.memory_space<vmem_shared>> -> memref<640xf32, #tpu.memory_space<vmem_shared>>
      %dma_wait3A_1722 = tpu.memref_slice %arg5[%mul3A_2] : memref<10240xf32, #tpu.memory_space<hbm>> -> memref<640xf32, #tpu.memory_space<hbm>>
      tpu.wait_dma2 semaphore(%run_scoped3A : memref<!tpu.dma_semaphore, #tpu.memory_space<semaphore_mem>>) src(%dma_wait3A_1722 : memref<640xf32, #tpu.memory_space<hbm>>) dst(%dma_wait3A : memref<640xf32, #tpu.memory_space<vmem_shared>>)
      tpu.yield
    }) : () -> ()
    %broadcast_in_dim3A = arith.constant 1.000000e+00 : f32
    %broadcast_in_dim3A_5 = vector.broadcast %broadcast_in_dim3A : f32 to vector<16xf32>
    %scan3A = arith.constant 0 : i32
    %scan3A_6 = arith.constant 0 : i32
    %scan3A_7 = arith.constant 1264 : i32
    %scan3A_8 = arith.addi %scan3A_6, %scan3A_7 : i32
    %scan3A_9 = arith.constant 1 : i32
    scf.for %scan3A_1721 = %scan3A_6 to %scan3A_8 step %scan3A_9  : i32 {
      %mul3A_1722 = arith.constant 16 : i32
      %mul3A_1723 = arith.muli %scan3A_1721, %mul3A_1722 : i32
      %get3A_1724 = arith.index_cast %mul3A_1723 : i32 to index
      %get3A_1725 = tpu.vector_load %arg9[%get3A_1724] {strides = array<i32>} : memref<20224xi32, #tpu.memory_space<vmem>>, vector<16xi32>,
      tpu.vector_store_idx %arg12[%get3A_1725], %broadcast_in_dim3A_5 {add = true} : memref<10240xf32, #tpu.memory_space<vmem>>[vector<16xi32>], vector<16xf32>,
    }
    %scan3A_10 = arith.constant 1264 : i32
    %barrier3A = arith.constant 0 : index
    tpu.barrier barrier_id(%barrier3A)
    %scan3A_11 = arith.constant 0 : i32
    %scan3A_12 = arith.constant 0 : i32
    %scan3A_13 = arith.constant 80 : i32
    %scan3A_14 = arith.addi %scan3A_12, %scan3A_13 : i32
    %scan3A_15 = arith.constant 1 : i32
    scf.for %scan3A_1721 = %scan3A_12 to %scan3A_14 step %scan3A_15  : i32 {
      %mul3A_1722 = arith.constant 128 : i32
      %mul3A_1723 = arith.muli %scan3A_1721, %mul3A_1722 : i32
      "tpu.region"() ({
        %run_scoped3A = tpu.sem_alloc : memref<!tpu.dma_semaphore, #tpu.memory_space<semaphore_mem>>
        %dma_start3A = tpu.memref_slice %arg12[%mul3A_1723] : memref<10240xf32, #tpu.memory_space<vmem>> -> memref<128xf32, #tpu.memory_space<vmem>>
        %dma_start3A_1724 = arith.constant 0 : i32
        %dma_start3A_1725 = tpu.memref_slice %arg13[%scan3A_1721, %dma_start3A_1724] : memref<80x128xi32, #tpu.memory_space<vmem>> -> memref<1x128xi32, #tpu.memory_space<vmem>>
        %dma_start3A_1726 = tpu.memref_squeeze %dma_start3A_1725 : memref<1x128xi32, #tpu.memory_space<vmem>> -> memref<128xi32, #tpu.memory_space<vmem>>
        %dma_start3A_1727 = arith.constant 0 : i32
        %dma_start3A_1728 = tpu.memref_slice %arg16[%dma_start3A_1727] : memref<10240xf32, #tpu.memory_space<vmem_shared>> -> memref<10240xf32, #tpu.memory_space<vmem_shared>>
        tpu.enqueue_indirect_dma source(%dma_start3A : memref<128xf32, #tpu.memory_space<vmem>>) target(%dma_start3A_1728 : memref<10240xf32, #tpu.memory_space<vmem_shared>>) offsets(%dma_start3A_1726 : memref<128xi32, #tpu.memory_space<vmem>>) semaphore(%run_scoped3A : memref<!tpu.dma_semaphore, #tpu.memory_space<semaphore_mem>>) {add = true}
        %dma_wait3A = tpu.memref_slice %arg12[%mul3A_1723] : memref<10240xf32, #tpu.memory_space<vmem>> -> memref<128xf32, #tpu.memory_space<vmem>>
        %dma_wait3A_1729 = arith.constant 0 : i32
        %dma_wait3A_1730 = tpu.memref_slice %arg13[%scan3A_1721, %dma_wait3A_1729] : memref<80x128xi32, #tpu.memory_space<vmem>> -> memref<1x128xi32, #tpu.memory_space<vmem>>
        %dma_wait3A_1731 = tpu.memref_squeeze %dma_wait3A_1730 : memref<1x128xi32, #tpu.memory_space<vmem>> -> memref<128xi32, #tpu.memory_space<vmem>>
        %dma_wait3A_1732 = arith.constant 0 : i32
        %dma_wait3A_1733 = tpu.memref_slice %arg16[%dma_wait3A_1732] : memref<10240xf32, #tpu.memory_space<vmem_shared>> -> memref<10240xf32, #tpu.memory_space<vmem_shared>>
        tpu.wait_indirect_dma semaphore(%run_scoped3A : memref<!tpu.dma_semaphore, #tpu.memory_space<semaphore_mem>>) src(%dma_wait3A : memref<128xf32, #tpu.memory_space<vmem>>) dst(%dma_wait3A_1733 : memref<10240xf32, #tpu.memory_space<vmem_shared>>)
        tpu.yield
      }) : () -> ()
    }
    %scan3A_16 = arith.constant 80 : i32
    %barrier3A_17 = arith.constant 0 : index
    tpu.barrier barrier_id(%barrier3A_17)
    %mul3A_18 = arith.constant 640 : i32
    %mul3A_19 = arith.muli %arg1, %mul3A_18 : i32
    "tpu.region"() ({
      %run_scoped3A = tpu.sem_alloc : memref<!tpu.dma_semaphore, #tpu.memory_space<semaphore_mem>>
      %dma_start3A = tpu.memref_slice %arg16[%mul3A_19] : memref<10240xf32, #tpu.memory_space<vmem_shared>> -> memref<640xf32, #tpu.memory_space<vmem_shared>>
      %dma_start3A_1721 = tpu.memref_slice %arg16[%mul3A_19] : memref<10240xf32, #tpu.memory_space<vmem_shared>> -> memref<640xf32, #tpu.memory_space<vmem_shared>>
      tpu.enqueue_dma source(%dma_start3A_1721 : memref<640xf32, #tpu.memory_space<vmem_shared>>) target(%arg14 : memref<640xf32, #tpu.memory_space<vmem>>) target_semaphore(%run_scoped3A : memref<!tpu.dma_semaphore, #tpu.memory_space<semaphore_mem>>)
      %dma_wait3A = tpu.memref_slice %arg16[%mul3A_19] : memref<10240xf32, #tpu.memory_space<vmem_shared>> -> memref<640xf32, #tpu.memory_space<vmem_shared>>
      %dma_wait3A_1722 = tpu.memref_slice %arg16[%mul3A_19] : memref<10240xf32, #tpu.memory_space<vmem_shared>> -> memref<640xf32, #tpu.memory_space<vmem_shared>>
      tpu.wait_dma2 semaphore(%run_scoped3A : memref<!tpu.dma_semaphore, #tpu.memory_space<semaphore_mem>>) src(%dma_wait3A_1722 : memref<640xf32, #tpu.memory_space<vmem_shared>>) dst(%arg14 : memref<640xf32, #tpu.memory_space<vmem>>)
      tpu.yield
    }) : () -> ()
    %get3A = arith.constant 0 : index
    %get3A_20 = tpu.vector_load %arg14[%get3A] {strides = array<i32>} : memref<640xf32, #tpu.memory_space<vmem>>, vector<16xf32>,
    %add3A_21 = arith.constant 1.000000e+00 : f32
    %add3A_22 = vector.broadcast %add3A_21 : f32 to vector<16xf32>
    %add3A_23 = arith.addf %get3A_20, %add3A_22 : vector<16xf32>
    %bitcast3A = vector.bitcast %add3A_23 : vector<16xf32> to vector<16xi32>
    %shift_right_arithmetic3A = arith.constant 1 : i32
    %shift_right_arithmetic3A_24 = vector.broadcast %shift_right_arithmetic3A : i32 to vector<16xi32>
    %shift_right_arithmetic3A_25 = arith.shrsi %bitcast3A, %shift_right_arithmetic3A_24 : vector<16xi32>
    %sub3A = arith.constant 1597463007 : i32
    %sub3A_26 = vector.broadcast %sub3A : i32 to vector<16xi32>
    %sub3A_27 = arith.subi %sub3A_26, %shift_right_arithmetic3A_25 : vector<16xi32>
    %bitcast3A_28 = vector.bitcast %sub3A_27 : vector<16xi32> to vector<16xf32>
    %mul3A_29 = arith.constant 5.000000e-01 : f32
    %mul3A_30 = vector.broadcast %mul3A_29 : f32 to vector<16xf32>
    %mul3A_31 = arith.mulf %mul3A_30, %add3A_23 : vector<16xf32>
    %mul3A_32 = arith.mulf %mul3A_31, %bitcast3A_28 : vector<16xf32>
    %mul3A_33 = arith.mulf %mul3A_32, %bitcast3A_28 : vector<16xf32>
    %sub3A_34 = arith.constant 1.500000e+00 : f32
    %sub3A_35 = vector.broadcast %sub3A_34 : f32 to vector<16xf32>
    %sub3A_36 = arith.subf %sub3A_35, %mul3A_33 : vector<16xf32>
    %mul3A_37 = arith.mulf %bitcast3A_28, %sub3A_36 : vector<16xf32>
    %mul3A_38 = arith.constant 5.000000e-01 : f32
    %mul3A_39 = vector.broadcast %mul3A_38 : f32 to vector<16xf32>
    %mul3A_40 = arith.mulf %mul3A_39, %add3A_23 : vector<16xf32>
    %mul3A_41 = arith.mulf %mul3A_40, %mul3A_37 : vector<16xf32>
    %mul3A_42 = arith.mulf %mul3A_41, %mul3A_37 : vector<16xf32>
    %sub3A_43 = arith.constant 1.500000e+00 : f32
    %sub3A_44 = vector.broadcast %sub3A_43 : f32 to vector<16xf32>
    %sub3A_45 = arith.subf %sub3A_44, %mul3A_42 : vector<16xf32>
    %mul3A_46 = arith.mulf %mul3A_37, %sub3A_45 : vector<16xf32>
    %mul3A_47 = arith.constant 5.000000e-01 : f32
    %mul3A_48 = vector.broadcast %mul3A_47 : f32 to vector<16xf32>
    %mul3A_49 = arith.mulf %mul3A_48, %add3A_23 : vector<16xf32>
    %mul3A_50 = arith.mulf %mul3A_49, %mul3A_46 : vector<16xf32>
    %mul3A_51 = arith.mulf %mul3A_50, %mul3A_46 : vector<16xf32>
    %sub3A_52 = arith.constant 1.500000e+00 : f32
    %sub3A_53 = vector.broadcast %sub3A_52 : f32 to vector<16xf32>
    %sub3A_54 = arith.subf %sub3A_53, %mul3A_51 : vector<16xf32>
    %mul3A_55 = arith.mulf %mul3A_46, %sub3A_54 : vector<16xf32>
    %swap3A = arith.constant 0 : index
    %swap3A_56 = tpu.vector_load %arg15[%swap3A] {strides = array<i32>} : memref<640xf32, #tpu.memory_space<vmem>>, vector<16xf32>,
    tpu.vector_store %arg15[%swap3A], %mul3A_55 {strides = array<i32>} : memref<640xf32, #tpu.memory_space<vmem>>, vector<16xf32>,
    %get3A_57 = arith.constant 16 : index
    %get3A_58 = tpu.vector_load %arg14[%get3A_57] {strides = array<i32>} : memref<640xf32, #tpu.memory_space<vmem>>, vector<16xf32>,
    %add3A_59 = arith.constant 1.000000e+00 : f32
    %add3A_60 = vector.broadcast %add3A_59 : f32 to vector<16xf32>
    %add3A_61 = arith.addf %get3A_58, %add3A_60 : vector<16xf32>
    %bitcast3A_62 = vector.bitcast %add3A_61 : vector<16xf32> to vector<16xi32>
    %shift_right_arithmetic3A_63 = arith.constant 1 : i32
    %shift_right_arithmetic3A_64 = vector.broadcast %shift_right_arithmetic3A_63 : i32 to vector<16xi32>
    %shift_right_arithmetic3A_65 = arith.shrsi %bitcast3A_62, %shift_right_arithmetic3A_64 : vector<16xi32>
    %sub3A_66 = arith.constant 1597463007 : i32
    %sub3A_67 = vector.broadcast %sub3A_66 : i32 to vector<16xi32>
    %sub3A_68 = arith.subi %sub3A_67, %shift_right_arithmetic3A_65 : vector<16xi32>
    %bitcast3A_69 = vector.bitcast %sub3A_68 : vector<16xi32> to vector<16xf32>
    %mul3A_70 = arith.constant 5.000000e-01 : f32
    %mul3A_71 = vector.broadcast %mul3A_70 : f32 to vector<16xf32>
    %mul3A_72 = arith.mulf %mul3A_71, %add3A_61 : vector<16xf32>
    %mul3A_73 = arith.mulf %mul3A_72, %bitcast3A_69 : vector<16xf32>
    %mul3A_74 = arith.mulf %mul3A_73, %bitcast3A_69 : vector<16xf32>
    %sub3A_75 = arith.constant 1.500000e+00 : f32
    %sub3A_76 = vector.broadcast %sub3A_75 : f32 to vector<16xf32>
    %sub3A_77 = arith.subf %sub3A_76, %mul3A_74 : vector<16xf32>
    %mul3A_78 = arith.mulf %bitcast3A_69, %sub3A_77 : vector<16xf32>
    %mul3A_79 = arith.constant 5.000000e-01 : f32
    %mul3A_80 = vector.broadcast %mul3A_79 : f32 to vector<16xf32>
    %mul3A_81 = arith.mulf %mul3A_80, %add3A_61 : vector<16xf32>
    %mul3A_82 = arith.mulf %mul3A_81, %mul3A_78 : vector<16xf32>
    %mul3A_83 = arith.mulf %mul3A_82, %mul3A_78 : vector<16xf32>
    %sub3A_84 = arith.constant 1.500000e+00 : f32
    %sub3A_85 = vector.broadcast %sub3A_84 : f32 to vector<16xf32>
    %sub3A_86 = arith.subf %sub3A_85, %mul3A_83 : vector<16xf32>
    %mul3A_87 = arith.mulf %mul3A_78, %sub3A_86 : vector<16xf32>
    %mul3A_88 = arith.constant 5.000000e-01 : f32
    %mul3A_89 = vector.broadcast %mul3A_88 : f32 to vector<16xf32>
    %mul3A_90 = arith.mulf %mul3A_89, %add3A_61 : vector<16xf32>
    %mul3A_91 = arith.mulf %mul3A_90, %mul3A_87 : vector<16xf32>
    %mul3A_92 = arith.mulf %mul3A_91, %mul3A_87 : vector<16xf32>
    %sub3A_93 = arith.constant 1.500000e+00 : f32
    %sub3A_94 = vector.broadcast %sub3A_93 : f32 to vector<16xf32>
    %sub3A_95 = arith.subf %sub3A_94, %mul3A_92 : vector<16xf32>
    %mul3A_96 = arith.mulf %mul3A_87, %sub3A_95 : vector<16xf32>
    %swap3A_97 = arith.constant 16 : index
    %swap3A_98 = tpu.vector_load %arg15[%swap3A_97] {strides = array<i32>} : memref<640xf32, #tpu.memory_space<vmem>>, vector<16xf32>,
    tpu.vector_store %arg15[%swap3A_97], %mul3A_96 {strides = array<i32>} : memref<640xf32, #tpu.memory_space<vmem>>, vector<16xf32>,
    %get3A_99 = arith.constant 32 : index
    %get3A_100 = tpu.vector_load %arg14[%get3A_99] {strides = array<i32>} : memref<640xf32, #tpu.memory_space<vmem>>, vector<16xf32>,
    %add3A_101 = arith.constant 1.000000e+00 : f32
    %add3A_102 = vector.broadcast %add3A_101 : f32 to vector<16xf32>
    %add3A_103 = arith.addf %get3A_100, %add3A_102 : vector<16xf32>
    %bitcast3A_104 = vector.bitcast %add3A_103 : vector<16xf32> to vector<16xi32>
    %shift_right_arithmetic3A_105 = arith.constant 1 : i32
    %shift_right_arithmetic3A_106 = vector.broadcast %shift_right_arithmetic3A_105 : i32 to vector<16xi32>
    %shift_right_arithmetic3A_107 = arith.shrsi %bitcast3A_104, %shift_right_arithmetic3A_106 : vector<16xi32>
    %sub3A_108 = arith.constant 1597463007 : i32
    %sub3A_109 = vector.broadcast %sub3A_108 : i32 to vector<16xi32>
    %sub3A_110 = arith.subi %sub3A_109, %shift_right_arithmetic3A_107 : vector<16xi32>
    %bitcast3A_111 = vector.bitcast %sub3A_110 : vector<16xi32> to vector<16xf32>
    %mul3A_112 = arith.constant 5.000000e-01 : f32
    %mul3A_113 = vector.broadcast %mul3A_112 : f32 to vector<16xf32>
    %mul3A_114 = arith.mulf %mul3A_113, %add3A_103 : vector<16xf32>
    %mul3A_115 = arith.mulf %mul3A_114, %bitcast3A_111 : vector<16xf32>
    %mul3A_116 = arith.mulf %mul3A_115, %bitcast3A_111 : vector<16xf32>
    %sub3A_117 = arith.constant 1.500000e+00 : f32
    %sub3A_118 = vector.broadcast %sub3A_117 : f32 to vector<16xf32>
    %sub3A_119 = arith.subf %sub3A_118, %mul3A_116 : vector<16xf32>
    %mul3A_120 = arith.mulf %bitcast3A_111, %sub3A_119 : vector<16xf32>
    %mul3A_121 = arith.constant 5.000000e-01 : f32
    %mul3A_122 = vector.broadcast %mul3A_121 : f32 to vector<16xf32>
    %mul3A_123 = arith.mulf %mul3A_122, %add3A_103 : vector<16xf32>
    %mul3A_124 = arith.mulf %mul3A_123, %mul3A_120 : vector<16xf32>
    %mul3A_125 = arith.mulf %mul3A_124, %mul3A_120 : vector<16xf32>
    %sub3A_126 = arith.constant 1.500000e+00 : f32
    %sub3A_127 = vector.broadcast %sub3A_126 : f32 to vector<16xf32>
    %sub3A_128 = arith.subf %sub3A_127, %mul3A_125 : vector<16xf32>
    %mul3A_129 = arith.mulf %mul3A_120, %sub3A_128 : vector<16xf32>
    %mul3A_130 = arith.constant 5.000000e-01 : f32
    %mul3A_131 = vector.broadcast %mul3A_130 : f32 to vector<16xf32>
    %mul3A_132 = arith.mulf %mul3A_131, %add3A_103 : vector<16xf32>
    %mul3A_133 = arith.mulf %mul3A_132, %mul3A_129 : vector<16xf32>
    %mul3A_134 = arith.mulf %mul3A_133, %mul3A_129 : vector<16xf32>
    %sub3A_135 = arith.constant 1.500000e+00 : f32
    %sub3A_136 = vector.broadcast %sub3A_135 : f32 to vector<16xf32>
    %sub3A_137 = arith.subf %sub3A_136, %mul3A_134 : vector<16xf32>
    %mul3A_138 = arith.mulf %mul3A_129, %sub3A_137 : vector<16xf32>
    %swap3A_139 = arith.constant 32 : index
    %swap3A_140 = tpu.vector_load %arg15[%swap3A_139] {strides = array<i32>} : memref<640xf32, #tpu.memory_space<vmem>>, vector<16xf32>,
    tpu.vector_store %arg15[%swap3A_139], %mul3A_138 {strides = array<i32>} : memref<640xf32, #tpu.memory_space<vmem>>, vector<16xf32>,
    %get3A_141 = arith.constant 48 : index
    %get3A_142 = tpu.vector_load %arg14[%get3A_141] {strides = array<i32>} : memref<640xf32, #tpu.memory_space<vmem>>, vector<16xf32>,
    %add3A_143 = arith.constant 1.000000e+00 : f32
    %add3A_144 = vector.broadcast %add3A_143 : f32 to vector<16xf32>
    %add3A_145 = arith.addf %get3A_142, %add3A_144 : vector<16xf32>
    %bitcast3A_146 = vector.bitcast %add3A_145 : vector<16xf32> to vector<16xi32>
    %shift_right_arithmetic3A_147 = arith.constant 1 : i32
    %shift_right_arithmetic3A_148 = vector.broadcast %shift_right_arithmetic3A_147 : i32 to vector<16xi32>
    %shift_right_arithmetic3A_149 = arith.shrsi %bitcast3A_146, %shift_right_arithmetic3A_148 : vector<16xi32>
    %sub3A_150 = arith.constant 1597463007 : i32
    %sub3A_151 = vector.broadcast %sub3A_150 : i32 to vector<16xi32>
    %sub3A_152 = arith.subi %sub3A_151, %shift_right_arithmetic3A_149 : vector<16xi32>
    %bitcast3A_153 = vector.bitcast %sub3A_152 : vector<16xi32> to vector<16xf32>
    %mul3A_154 = arith.constant 5.000000e-01 : f32
    %mul3A_155 = vector.broadcast %mul3A_154 : f32 to vector<16xf32>
    %mul3A_156 = arith.mulf %mul3A_155, %add3A_145 : vector<16xf32>
    %mul3A_157 = arith.mulf %mul3A_156, %bitcast3A_153 : vector<16xf32>
    %mul3A_158 = arith.mulf %mul3A_157, %bitcast3A_153 : vector<16xf32>
    %sub3A_159 = arith.constant 1.500000e+00 : f32
    %sub3A_160 = vector.broadcast %sub3A_159 : f32 to vector<16xf32>
    %sub3A_161 = arith.subf %sub3A_160, %mul3A_158 : vector<16xf32>
    %mul3A_162 = arith.mulf %bitcast3A_153, %sub3A_161 : vector<16xf32>
    %mul3A_163 = arith.constant 5.000000e-01 : f32
    %mul3A_164 = vector.broadcast %mul3A_163 : f32 to vector<16xf32>
    %mul3A_165 = arith.mulf %mul3A_164, %add3A_145 : vector<16xf32>
    %mul3A_166 = arith.mulf %mul3A_165, %mul3A_162 : vector<16xf32>
    %mul3A_167 = arith.mulf %mul3A_166, %mul3A_162 : vector<16xf32>
    %sub3A_168 = arith.constant 1.500000e+00 : f32
    %sub3A_169 = vector.broadcast %sub3A_168 : f32 to vector<16xf32>
    %sub3A_170 = arith.subf %sub3A_169, %mul3A_167 : vector<16xf32>
    %mul3A_171 = arith.mulf %mul3A_162, %sub3A_170 : vector<16xf32>
    %mul3A_172 = arith.constant 5.000000e-01 : f32
    %mul3A_173 = vector.broadcast %mul3A_172 : f32 to vector<16xf32>
    %mul3A_174 = arith.mulf %mul3A_173, %add3A_145 : vector<16xf32>
    %mul3A_175 = arith.mulf %mul3A_174, %mul3A_171 : vector<16xf32>
    %mul3A_176 = arith.mulf %mul3A_175, %mul3A_171 : vector<16xf32>
    %sub3A_177 = arith.constant 1.500000e+00 : f32
    %sub3A_178 = vector.broadcast %sub3A_177 : f32 to vector<16xf32>
    %sub3A_179 = arith.subf %sub3A_178, %mul3A_176 : vector<16xf32>
    %mul3A_180 = arith.mulf %mul3A_171, %sub3A_179 : vector<16xf32>
    %swap3A_181 = arith.constant 48 : index
    %swap3A_182 = tpu.vector_load %arg15[%swap3A_181] {strides = array<i32>} : memref<640xf32, #tpu.memory_space<vmem>>, vector<16xf32>,
    tpu.vector_store %arg15[%swap3A_181], %mul3A_180 {strides = array<i32>} : memref<640xf32, #tpu.memory_space<vmem>>, vector<16xf32>,
    %get3A_183 = arith.constant 64 : index
    %get3A_184 = tpu.vector_load %arg14[%get3A_183] {strides = array<i32>} : memref<640xf32, #tpu.memory_space<vmem>>, vector<16xf32>,
    %add3A_185 = arith.constant 1.000000e+00 : f32
    %add3A_186 = vector.broadcast %add3A_185 : f32 to vector<16xf32>
    %add3A_187 = arith.addf %get3A_184, %add3A_186 : vector<16xf32>
    %bitcast3A_188 = vector.bitcast %add3A_187 : vector<16xf32> to vector<16xi32>
    %shift_right_arithmetic3A_189 = arith.constant 1 : i32
    %shift_right_arithmetic3A_190 = vector.broadcast %shift_right_arithmetic3A_189 : i32 to vector<16xi32>
    %shift_right_arithmetic3A_191 = arith.shrsi %bitcast3A_188, %shift_right_arithmetic3A_190 : vector<16xi32>
    %sub3A_192 = arith.constant 1597463007 : i32
    %sub3A_193 = vector.broadcast %sub3A_192 : i32 to vector<16xi32>
    %sub3A_194 = arith.subi %sub3A_193, %shift_right_arithmetic3A_191 : vector<16xi32>
    %bitcast3A_195 = vector.bitcast %sub3A_194 : vector<16xi32> to vector<16xf32>
    %mul3A_196 = arith.constant 5.000000e-01 : f32
    %mul3A_197 = vector.broadcast %mul3A_196 : f32 to vector<16xf32>
    %mul3A_198 = arith.mulf %mul3A_197, %add3A_187 : vector<16xf32>
    %mul3A_199 = arith.mulf %mul3A_198, %bitcast3A_195 : vector<16xf32>
    %mul3A_200 = arith.mulf %mul3A_199, %bitcast3A_195 : vector<16xf32>
    %sub3A_201 = arith.constant 1.500000e+00 : f32
    %sub3A_202 = vector.broadcast %sub3A_201 : f32 to vector<16xf32>
    %sub3A_203 = arith.subf %sub3A_202, %mul3A_200 : vector<16xf32>
    %mul3A_204 = arith.mulf %bitcast3A_195, %sub3A_203 : vector<16xf32>
    %mul3A_205 = arith.constant 5.000000e-01 : f32
    %mul3A_206 = vector.broadcast %mul3A_205 : f32 to vector<16xf32>
    %mul3A_207 = arith.mulf %mul3A_206, %add3A_187 : vector<16xf32>
    %mul3A_208 = arith.mulf %mul3A_207, %mul3A_204 : vector<16xf32>
    %mul3A_209 = arith.mulf %mul3A_208, %mul3A_204 : vector<16xf32>
    %sub3A_210 = arith.constant 1.500000e+00 : f32
    %sub3A_211 = vector.broadcast %sub3A_210 : f32 to vector<16xf32>
    %sub3A_212 = arith.subf %sub3A_211, %mul3A_209 : vector<16xf32>
    %mul3A_213 = arith.mulf %mul3A_204, %sub3A_212 : vector<16xf32>
    %mul3A_214 = arith.constant 5.000000e-01 : f32
    %mul3A_215 = vector.broadcast %mul3A_214 : f32 to vector<16xf32>
    %mul3A_216 = arith.mulf %mul3A_215, %add3A_187 : vector<16xf32>
    %mul3A_217 = arith.mulf %mul3A_216, %mul3A_213 : vector<16xf32>
    %mul3A_218 = arith.mulf %mul3A_217, %mul3A_213 : vector<16xf32>
    %sub3A_219 = arith.constant 1.500000e+00 : f32
    %sub3A_220 = vector.broadcast %sub3A_219 : f32 to vector<16xf32>
    %sub3A_221 = arith.subf %sub3A_220, %mul3A_218 : vector<16xf32>
    %mul3A_222 = arith.mulf %mul3A_213, %sub3A_221 : vector<16xf32>
    %swap3A_223 = arith.constant 64 : index
    %swap3A_224 = tpu.vector_load %arg15[%swap3A_223] {strides = array<i32>} : memref<640xf32, #tpu.memory_space<vmem>>, vector<16xf32>,
    tpu.vector_store %arg15[%swap3A_223], %mul3A_222 {strides = array<i32>} : memref<640xf32, #tpu.memory_space<vmem>>, vector<16xf32>,
    %get3A_225 = arith.constant 80 : index
    %get3A_226 = tpu.vector_load %arg14[%get3A_225] {strides = array<i32>} : memref<640xf32, #tpu.memory_space<vmem>>, vector<16xf32>,
    %add3A_227 = arith.constant 1.000000e+00 : f32
    %add3A_228 = vector.broadcast %add3A_227 : f32 to vector<16xf32>
    %add3A_229 = arith.addf %get3A_226, %add3A_228 : vector<16xf32>
    %bitcast3A_230 = vector.bitcast %add3A_229 : vector<16xf32> to vector<16xi32>
    %shift_right_arithmetic3A_231 = arith.constant 1 : i32
    %shift_right_arithmetic3A_232 = vector.broadcast %shift_right_arithmetic3A_231 : i32 to vector<16xi32>
    %shift_right_arithmetic3A_233 = arith.shrsi %bitcast3A_230, %shift_right_arithmetic3A_232 : vector<16xi32>
    %sub3A_234 = arith.constant 1597463007 : i32
    %sub3A_235 = vector.broadcast %sub3A_234 : i32 to vector<16xi32>
    %sub3A_236 = arith.subi %sub3A_235, %shift_right_arithmetic3A_233 : vector<16xi32>
    %bitcast3A_237 = vector.bitcast %sub3A_236 : vector<16xi32> to vector<16xf32>
    %mul3A_238 = arith.constant 5.000000e-01 : f32
    %mul3A_239 = vector.broadcast %mul3A_238 : f32 to vector<16xf32>
    %mul3A_240 = arith.mulf %mul3A_239, %add3A_229 : vector<16xf32>
    %mul3A_241 = arith.mulf %mul3A_240, %bitcast3A_237 : vector<16xf32>
    %mul3A_242 = arith.mulf %mul3A_241, %bitcast3A_237 : vector<16xf32>
    %sub3A_243 = arith.constant 1.500000e+00 : f32
    %sub3A_244 = vector.broadcast %sub3A_243 : f32 to vector<16xf32>
    %sub3A_245 = arith.subf %sub3A_244, %mul3A_242 : vector<16xf32>
    %mul3A_246 = arith.mulf %bitcast3A_237, %sub3A_245 : vector<16xf32>
    %mul3A_247 = arith.constant 5.000000e-01 : f32
    %mul3A_248 = vector.broadcast %mul3A_247 : f32 to vector<16xf32>
    %mul3A_249 = arith.mulf %mul3A_248, %add3A_229 : vector<16xf32>
    %mul3A_250 = arith.mulf %mul3A_249, %mul3A_246 : vector<16xf32>
    %mul3A_251 = arith.mulf %mul3A_250, %mul3A_246 : vector<16xf32>
    %sub3A_252 = arith.constant 1.500000e+00 : f32
    %sub3A_253 = vector.broadcast %sub3A_252 : f32 to vector<16xf32>
    %sub3A_254 = arith.subf %sub3A_253, %mul3A_251 : vector<16xf32>
    %mul3A_255 = arith.mulf %mul3A_246, %sub3A_254 : vector<16xf32>
    %mul3A_256 = arith.constant 5.000000e-01 : f32
    %mul3A_257 = vector.broadcast %mul3A_256 : f32 to vector<16xf32>
    %mul3A_258 = arith.mulf %mul3A_257, %add3A_229 : vector<16xf32>
    %mul3A_259 = arith.mulf %mul3A_258, %mul3A_255 : vector<16xf32>
    %mul3A_260 = arith.mulf %mul3A_259, %mul3A_255 : vector<16xf32>
    %sub3A_261 = arith.constant 1.500000e+00 : f32
    %sub3A_262 = vector.broadcast %sub3A_261 : f32 to vector<16xf32>
    %sub3A_263 = arith.subf %sub3A_262, %mul3A_260 : vector<16xf32>
    %mul3A_264 = arith.mulf %mul3A_255, %sub3A_263 : vector<16xf32>
    %swap3A_265 = arith.constant 80 : index
    %swap3A_266 = tpu.vector_load %arg15[%swap3A_265] {strides = array<i32>} : memref<640xf32, #tpu.memory_space<vmem>>, vector<16xf32>,
    tpu.vector_store %arg15[%swap3A_265], %mul3A_264 {strides = array<i32>} : memref<640xf32, #tpu.memory_space<vmem>>, vector<16xf32>,
    %get3A_267 = arith.constant 96 : index
    %get3A_268 = tpu.vector_load %arg14[%get3A_267] {strides = array<i32>} : memref<640xf32, #tpu.memory_space<vmem>>, vector<16xf32>,
    %add3A_269 = arith.constant 1.000000e+00 : f32
    %add3A_270 = vector.broadcast %add3A_269 : f32 to vector<16xf32>
    %add3A_271 = arith.addf %get3A_268, %add3A_270 : vector<16xf32>
    %bitcast3A_272 = vector.bitcast %add3A_271 : vector<16xf32> to vector<16xi32>
    %shift_right_arithmetic3A_273 = arith.constant 1 : i32
    %shift_right_arithmetic3A_274 = vector.broadcast %shift_right_arithmetic3A_273 : i32 to vector<16xi32>
    %shift_right_arithmetic3A_275 = arith.shrsi %bitcast3A_272, %shift_right_arithmetic3A_274 : vector<16xi32>
    %sub3A_276 = arith.constant 1597463007 : i32
    %sub3A_277 = vector.broadcast %sub3A_276 : i32 to vector<16xi32>
    %sub3A_278 = arith.subi %sub3A_277, %shift_right_arithmetic3A_275 : vector<16xi32>
    %bitcast3A_279 = vector.bitcast %sub3A_278 : vector<16xi32> to vector<16xf32>
    %mul3A_280 = arith.constant 5.000000e-01 : f32
    %mul3A_281 = vector.broadcast %mul3A_280 : f32 to vector<16xf32>
    %mul3A_282 = arith.mulf %mul3A_281, %add3A_271 : vector<16xf32>
    %mul3A_283 = arith.mulf %mul3A_282, %bitcast3A_279 : vector<16xf32>
    %mul3A_284 = arith.mulf %mul3A_283, %bitcast3A_279 : vector<16xf32>
    %sub3A_285 = arith.constant 1.500000e+00 : f32
    %sub3A_286 = vector.broadcast %sub3A_285 : f32 to vector<16xf32>
    %sub3A_287 = arith.subf %sub3A_286, %mul3A_284 : vector<16xf32>
    %mul3A_288 = arith.mulf %bitcast3A_279, %sub3A_287 : vector<16xf32>
    %mul3A_289 = arith.constant 5.000000e-01 : f32
    %mul3A_290 = vector.broadcast %mul3A_289 : f32 to vector<16xf32>
    %mul3A_291 = arith.mulf %mul3A_290, %add3A_271 : vector<16xf32>
    %mul3A_292 = arith.mulf %mul3A_291, %mul3A_288 : vector<16xf32>
    %mul3A_293 = arith.mulf %mul3A_292, %mul3A_288 : vector<16xf32>
    %sub3A_294 = arith.constant 1.500000e+00 : f32
    %sub3A_295 = vector.broadcast %sub3A_294 : f32 to vector<16xf32>
    %sub3A_296 = arith.subf %sub3A_295, %mul3A_293 : vector<16xf32>
    %mul3A_297 = arith.mulf %mul3A_288, %sub3A_296 : vector<16xf32>
    %mul3A_298 = arith.constant 5.000000e-01 : f32
    %mul3A_299 = vector.broadcast %mul3A_298 : f32 to vector<16xf32>
    %mul3A_300 = arith.mulf %mul3A_299, %add3A_271 : vector<16xf32>
    %mul3A_301 = arith.mulf %mul3A_300, %mul3A_297 : vector<16xf32>
    %mul3A_302 = arith.mulf %mul3A_301, %mul3A_297 : vector<16xf32>
    %sub3A_303 = arith.constant 1.500000e+00 : f32
    %sub3A_304 = vector.broadcast %sub3A_303 : f32 to vector<16xf32>
    %sub3A_305 = arith.subf %sub3A_304, %mul3A_302 : vector<16xf32>
    %mul3A_306 = arith.mulf %mul3A_297, %sub3A_305 : vector<16xf32>
    %swap3A_307 = arith.constant 96 : index
    %swap3A_308 = tpu.vector_load %arg15[%swap3A_307] {strides = array<i32>} : memref<640xf32, #tpu.memory_space<vmem>>, vector<16xf32>,
    tpu.vector_store %arg15[%swap3A_307], %mul3A_306 {strides = array<i32>} : memref<640xf32, #tpu.memory_space<vmem>>, vector<16xf32>,
    %get3A_309 = arith.constant 112 : index
    %get3A_310 = tpu.vector_load %arg14[%get3A_309] {strides = array<i32>} : memref<640xf32, #tpu.memory_space<vmem>>, vector<16xf32>,
    %add3A_311 = arith.constant 1.000000e+00 : f32
    %add3A_312 = vector.broadcast %add3A_311 : f32 to vector<16xf32>
    %add3A_313 = arith.addf %get3A_310, %add3A_312 : vector<16xf32>
    %bitcast3A_314 = vector.bitcast %add3A_313 : vector<16xf32> to vector<16xi32>
    %shift_right_arithmetic3A_315 = arith.constant 1 : i32
    %shift_right_arithmetic3A_316 = vector.broadcast %shift_right_arithmetic3A_315 : i32 to vector<16xi32>
    %shift_right_arithmetic3A_317 = arith.shrsi %bitcast3A_314, %shift_right_arithmetic3A_316 : vector<16xi32>
    %sub3A_318 = arith.constant 1597463007 : i32
    %sub3A_319 = vector.broadcast %sub3A_318 : i32 to vector<16xi32>
    %sub3A_320 = arith.subi %sub3A_319, %shift_right_arithmetic3A_317 : vector<16xi32>
    %bitcast3A_321 = vector.bitcast %sub3A_320 : vector<16xi32> to vector<16xf32>
    %mul3A_322 = arith.constant 5.000000e-01 : f32
    %mul3A_323 = vector.broadcast %mul3A_322 : f32 to vector<16xf32>
    %mul3A_324 = arith.mulf %mul3A_323, %add3A_313 : vector<16xf32>
    %mul3A_325 = arith.mulf %mul3A_324, %bitcast3A_321 : vector<16xf32>
    %mul3A_326 = arith.mulf %mul3A_325, %bitcast3A_321 : vector<16xf32>
    %sub3A_327 = arith.constant 1.500000e+00 : f32
    %sub3A_328 = vector.broadcast %sub3A_327 : f32 to vector<16xf32>
    %sub3A_329 = arith.subf %sub3A_328, %mul3A_326 : vector<16xf32>
    %mul3A_330 = arith.mulf %bitcast3A_321, %sub3A_329 : vector<16xf32>
    %mul3A_331 = arith.constant 5.000000e-01 : f32
    %mul3A_332 = vector.broadcast %mul3A_331 : f32 to vector<16xf32>
    %mul3A_333 = arith.mulf %mul3A_332, %add3A_313 : vector<16xf32>
    %mul3A_334 = arith.mulf %mul3A_333, %mul3A_330 : vector<16xf32>
    %mul3A_335 = arith.mulf %mul3A_334, %mul3A_330 : vector<16xf32>
    %sub3A_336 = arith.constant 1.500000e+00 : f32
    %sub3A_337 = vector.broadcast %sub3A_336 : f32 to vector<16xf32>
    %sub3A_338 = arith.subf %sub3A_337, %mul3A_335 : vector<16xf32>
    %mul3A_339 = arith.mulf %mul3A_330, %sub3A_338 : vector<16xf32>
    %mul3A_340 = arith.constant 5.000000e-01 : f32
    %mul3A_341 = vector.broadcast %mul3A_340 : f32 to vector<16xf32>
    %mul3A_342 = arith.mulf %mul3A_341, %add3A_313 : vector<16xf32>
    %mul3A_343 = arith.mulf %mul3A_342, %mul3A_339 : vector<16xf32>
    %mul3A_344 = arith.mulf %mul3A_343, %mul3A_339 : vector<16xf32>
    %sub3A_345 = arith.constant 1.500000e+00 : f32
    %sub3A_346 = vector.broadcast %sub3A_345 : f32 to vector<16xf32>
    %sub3A_347 = arith.subf %sub3A_346, %mul3A_344 : vector<16xf32>
    %mul3A_348 = arith.mulf %mul3A_339, %sub3A_347 : vector<16xf32>
    %swap3A_349 = arith.constant 112 : index
    %swap3A_350 = tpu.vector_load %arg15[%swap3A_349] {strides = array<i32>} : memref<640xf32, #tpu.memory_space<vmem>>, vector<16xf32>,
    tpu.vector_store %arg15[%swap3A_349], %mul3A_348 {strides = array<i32>} : memref<640xf32, #tpu.memory_space<vmem>>, vector<16xf32>,
    %get3A_351 = arith.constant 128 : index
    %get3A_352 = tpu.vector_load %arg14[%get3A_351] {strides = array<i32>} : memref<640xf32, #tpu.memory_space<vmem>>, vector<16xf32>,
    %add3A_353 = arith.constant 1.000000e+00 : f32
    %add3A_354 = vector.broadcast %add3A_353 : f32 to vector<16xf32>
    %add3A_355 = arith.addf %get3A_352, %add3A_354 : vector<16xf32>
    %bitcast3A_356 = vector.bitcast %add3A_355 : vector<16xf32> to vector<16xi32>
    %shift_right_arithmetic3A_357 = arith.constant 1 : i32
    %shift_right_arithmetic3A_358 = vector.broadcast %shift_right_arithmetic3A_357 : i32 to vector<16xi32>
    %shift_right_arithmetic3A_359 = arith.shrsi %bitcast3A_356, %shift_right_arithmetic3A_358 : vector<16xi32>
    %sub3A_360 = arith.constant 1597463007 : i32
    %sub3A_361 = vector.broadcast %sub3A_360 : i32 to vector<16xi32>
    %sub3A_362 = arith.subi %sub3A_361, %shift_right_arithmetic3A_359 : vector<16xi32>
    %bitcast3A_363 = vector.bitcast %sub3A_362 : vector<16xi32> to vector<16xf32>
    %mul3A_364 = arith.constant 5.000000e-01 : f32
    %mul3A_365 = vector.broadcast %mul3A_364 : f32 to vector<16xf32>
    %mul3A_366 = arith.mulf %mul3A_365, %add3A_355 : vector<16xf32>
    %mul3A_367 = arith.mulf %mul3A_366, %bitcast3A_363 : vector<16xf32>
    %mul3A_368 = arith.mulf %mul3A_367, %bitcast3A_363 : vector<16xf32>
    %sub3A_369 = arith.constant 1.500000e+00 : f32
    %sub3A_370 = vector.broadcast %sub3A_369 : f32 to vector<16xf32>
    %sub3A_371 = arith.subf %sub3A_370, %mul3A_368 : vector<16xf32>
    %mul3A_372 = arith.mulf %bitcast3A_363, %sub3A_371 : vector<16xf32>
    %mul3A_373 = arith.constant 5.000000e-01 : f32
    %mul3A_374 = vector.broadcast %mul3A_373 : f32 to vector<16xf32>
    %mul3A_375 = arith.mulf %mul3A_374, %add3A_355 : vector<16xf32>
    %mul3A_376 = arith.mulf %mul3A_375, %mul3A_372 : vector<16xf32>
    %mul3A_377 = arith.mulf %mul3A_376, %mul3A_372 : vector<16xf32>
    %sub3A_378 = arith.constant 1.500000e+00 : f32
    %sub3A_379 = vector.broadcast %sub3A_378 : f32 to vector<16xf32>
    %sub3A_380 = arith.subf %sub3A_379, %mul3A_377 : vector<16xf32>
    %mul3A_381 = arith.mulf %mul3A_372, %sub3A_380 : vector<16xf32>
    %mul3A_382 = arith.constant 5.000000e-01 : f32
    %mul3A_383 = vector.broadcast %mul3A_382 : f32 to vector<16xf32>
    %mul3A_384 = arith.mulf %mul3A_383, %add3A_355 : vector<16xf32>
    %mul3A_385 = arith.mulf %mul3A_384, %mul3A_381 : vector<16xf32>
    %mul3A_386 = arith.mulf %mul3A_385, %mul3A_381 : vector<16xf32>
    %sub3A_387 = arith.constant 1.500000e+00 : f32
    %sub3A_388 = vector.broadcast %sub3A_387 : f32 to vector<16xf32>
    %sub3A_389 = arith.subf %sub3A_388, %mul3A_386 : vector<16xf32>
    %mul3A_390 = arith.mulf %mul3A_381, %sub3A_389 : vector<16xf32>
    %swap3A_391 = arith.constant 128 : index
    %swap3A_392 = tpu.vector_load %arg15[%swap3A_391] {strides = array<i32>} : memref<640xf32, #tpu.memory_space<vmem>>, vector<16xf32>,
    tpu.vector_store %arg15[%swap3A_391], %mul3A_390 {strides = array<i32>} : memref<640xf32, #tpu.memory_space<vmem>>, vector<16xf32>,
    %get3A_393 = arith.constant 144 : index
    %get3A_394 = tpu.vector_load %arg14[%get3A_393] {strides = array<i32>} : memref<640xf32, #tpu.memory_space<vmem>>, vector<16xf32>,
    %add3A_395 = arith.constant 1.000000e+00 : f32
    %add3A_396 = vector.broadcast %add3A_395 : f32 to vector<16xf32>
    %add3A_397 = arith.addf %get3A_394, %add3A_396 : vector<16xf32>
    %bitcast3A_398 = vector.bitcast %add3A_397 : vector<16xf32> to vector<16xi32>
    %shift_right_arithmetic3A_399 = arith.constant 1 : i32
    %shift_right_arithmetic3A_400 = vector.broadcast %shift_right_arithmetic3A_399 : i32 to vector<16xi32>
    %shift_right_arithmetic3A_401 = arith.shrsi %bitcast3A_398, %shift_right_arithmetic3A_400 : vector<16xi32>
    %sub3A_402 = arith.constant 1597463007 : i32
    %sub3A_403 = vector.broadcast %sub3A_402 : i32 to vector<16xi32>
    %sub3A_404 = arith.subi %sub3A_403, %shift_right_arithmetic3A_401 : vector<16xi32>
    %bitcast3A_405 = vector.bitcast %sub3A_404 : vector<16xi32> to vector<16xf32>
    %mul3A_406 = arith.constant 5.000000e-01 : f32
    %mul3A_407 = vector.broadcast %mul3A_406 : f32 to vector<16xf32>
    %mul3A_408 = arith.mulf %mul3A_407, %add3A_397 : vector<16xf32>
    %mul3A_409 = arith.mulf %mul3A_408, %bitcast3A_405 : vector<16xf32>
    %mul3A_410 = arith.mulf %mul3A_409, %bitcast3A_405 : vector<16xf32>
    %sub3A_411 = arith.constant 1.500000e+00 : f32
    %sub3A_412 = vector.broadcast %sub3A_411 : f32 to vector<16xf32>
    %sub3A_413 = arith.subf %sub3A_412, %mul3A_410 : vector<16xf32>
    %mul3A_414 = arith.mulf %bitcast3A_405, %sub3A_413 : vector<16xf32>
    %mul3A_415 = arith.constant 5.000000e-01 : f32
    %mul3A_416 = vector.broadcast %mul3A_415 : f32 to vector<16xf32>
    %mul3A_417 = arith.mulf %mul3A_416, %add3A_397 : vector<16xf32>
    %mul3A_418 = arith.mulf %mul3A_417, %mul3A_414 : vector<16xf32>
    %mul3A_419 = arith.mulf %mul3A_418, %mul3A_414 : vector<16xf32>
    %sub3A_420 = arith.constant 1.500000e+00 : f32
    %sub3A_421 = vector.broadcast %sub3A_420 : f32 to vector<16xf32>
    %sub3A_422 = arith.subf %sub3A_421, %mul3A_419 : vector<16xf32>
    %mul3A_423 = arith.mulf %mul3A_414, %sub3A_422 : vector<16xf32>
    %mul3A_424 = arith.constant 5.000000e-01 : f32
    %mul3A_425 = vector.broadcast %mul3A_424 : f32 to vector<16xf32>
    %mul3A_426 = arith.mulf %mul3A_425, %add3A_397 : vector<16xf32>
    %mul3A_427 = arith.mulf %mul3A_426, %mul3A_423 : vector<16xf32>
    %mul3A_428 = arith.mulf %mul3A_427, %mul3A_423 : vector<16xf32>
    %sub3A_429 = arith.constant 1.500000e+00 : f32
    %sub3A_430 = vector.broadcast %sub3A_429 : f32 to vector<16xf32>
    %sub3A_431 = arith.subf %sub3A_430, %mul3A_428 : vector<16xf32>
    %mul3A_432 = arith.mulf %mul3A_423, %sub3A_431 : vector<16xf32>
    %swap3A_433 = arith.constant 144 : index
    %swap3A_434 = tpu.vector_load %arg15[%swap3A_433] {strides = array<i32>} : memref<640xf32, #tpu.memory_space<vmem>>, vector<16xf32>,
    tpu.vector_store %arg15[%swap3A_433], %mul3A_432 {strides = array<i32>} : memref<640xf32, #tpu.memory_space<vmem>>, vector<16xf32>,
    %get3A_435 = arith.constant 160 : index
    %get3A_436 = tpu.vector_load %arg14[%get3A_435] {strides = array<i32>} : memref<640xf32, #tpu.memory_space<vmem>>, vector<16xf32>,
    %add3A_437 = arith.constant 1.000000e+00 : f32
    %add3A_438 = vector.broadcast %add3A_437 : f32 to vector<16xf32>
    %add3A_439 = arith.addf %get3A_436, %add3A_438 : vector<16xf32>
    %bitcast3A_440 = vector.bitcast %add3A_439 : vector<16xf32> to vector<16xi32>
    %shift_right_arithmetic3A_441 = arith.constant 1 : i32
    %shift_right_arithmetic3A_442 = vector.broadcast %shift_right_arithmetic3A_441 : i32 to vector<16xi32>
    %shift_right_arithmetic3A_443 = arith.shrsi %bitcast3A_440, %shift_right_arithmetic3A_442 : vector<16xi32>
    %sub3A_444 = arith.constant 1597463007 : i32
    %sub3A_445 = vector.broadcast %sub3A_444 : i32 to vector<16xi32>
    %sub3A_446 = arith.subi %sub3A_445, %shift_right_arithmetic3A_443 : vector<16xi32>
    %bitcast3A_447 = vector.bitcast %sub3A_446 : vector<16xi32> to vector<16xf32>
    %mul3A_448 = arith.constant 5.000000e-01 : f32
    %mul3A_449 = vector.broadcast %mul3A_448 : f32 to vector<16xf32>
    %mul3A_450 = arith.mulf %mul3A_449, %add3A_439 : vector<16xf32>
    %mul3A_451 = arith.mulf %mul3A_450, %bitcast3A_447 : vector<16xf32>
    %mul3A_452 = arith.mulf %mul3A_451, %bitcast3A_447 : vector<16xf32>
    %sub3A_453 = arith.constant 1.500000e+00 : f32
    %sub3A_454 = vector.broadcast %sub3A_453 : f32 to vector<16xf32>
    %sub3A_455 = arith.subf %sub3A_454, %mul3A_452 : vector<16xf32>
    %mul3A_456 = arith.mulf %bitcast3A_447, %sub3A_455 : vector<16xf32>
    %mul3A_457 = arith.constant 5.000000e-01 : f32
    %mul3A_458 = vector.broadcast %mul3A_457 : f32 to vector<16xf32>
    %mul3A_459 = arith.mulf %mul3A_458, %add3A_439 : vector<16xf32>
    %mul3A_460 = arith.mulf %mul3A_459, %mul3A_456 : vector<16xf32>
    %mul3A_461 = arith.mulf %mul3A_460, %mul3A_456 : vector<16xf32>
    %sub3A_462 = arith.constant 1.500000e+00 : f32
    %sub3A_463 = vector.broadcast %sub3A_462 : f32 to vector<16xf32>
    %sub3A_464 = arith.subf %sub3A_463, %mul3A_461 : vector<16xf32>
    %mul3A_465 = arith.mulf %mul3A_456, %sub3A_464 : vector<16xf32>
    %mul3A_466 = arith.constant 5.000000e-01 : f32
    %mul3A_467 = vector.broadcast %mul3A_466 : f32 to vector<16xf32>
    %mul3A_468 = arith.mulf %mul3A_467, %add3A_439 : vector<16xf32>
    %mul3A_469 = arith.mulf %mul3A_468, %mul3A_465 : vector<16xf32>
    %mul3A_470 = arith.mulf %mul3A_469, %mul3A_465 : vector<16xf32>
    %sub3A_471 = arith.constant 1.500000e+00 : f32
    %sub3A_472 = vector.broadcast %sub3A_471 : f32 to vector<16xf32>
    %sub3A_473 = arith.subf %sub3A_472, %mul3A_470 : vector<16xf32>
    %mul3A_474 = arith.mulf %mul3A_465, %sub3A_473 : vector<16xf32>
    %swap3A_475 = arith.constant 160 : index
    %swap3A_476 = tpu.vector_load %arg15[%swap3A_475] {strides = array<i32>} : memref<640xf32, #tpu.memory_space<vmem>>, vector<16xf32>,
    tpu.vector_store %arg15[%swap3A_475], %mul3A_474 {strides = array<i32>} : memref<640xf32, #tpu.memory_space<vmem>>, vector<16xf32>,
    %get3A_477 = arith.constant 176 : index
    %get3A_478 = tpu.vector_load %arg14[%get3A_477] {strides = array<i32>} : memref<640xf32, #tpu.memory_space<vmem>>, vector<16xf32>,
    %add3A_479 = arith.constant 1.000000e+00 : f32
    %add3A_480 = vector.broadcast %add3A_479 : f32 to vector<16xf32>
    %add3A_481 = arith.addf %get3A_478, %add3A_480 : vector<16xf32>
    %bitcast3A_482 = vector.bitcast %add3A_481 : vector<16xf32> to vector<16xi32>
    %shift_right_arithmetic3A_483 = arith.constant 1 : i32
    %shift_right_arithmetic3A_484 = vector.broadcast %shift_right_arithmetic3A_483 : i32 to vector<16xi32>
    %shift_right_arithmetic3A_485 = arith.shrsi %bitcast3A_482, %shift_right_arithmetic3A_484 : vector<16xi32>
    %sub3A_486 = arith.constant 1597463007 : i32
    %sub3A_487 = vector.broadcast %sub3A_486 : i32 to vector<16xi32>
    %sub3A_488 = arith.subi %sub3A_487, %shift_right_arithmetic3A_485 : vector<16xi32>
    %bitcast3A_489 = vector.bitcast %sub3A_488 : vector<16xi32> to vector<16xf32>
    %mul3A_490 = arith.constant 5.000000e-01 : f32
    %mul3A_491 = vector.broadcast %mul3A_490 : f32 to vector<16xf32>
    %mul3A_492 = arith.mulf %mul3A_491, %add3A_481 : vector<16xf32>
    %mul3A_493 = arith.mulf %mul3A_492, %bitcast3A_489 : vector<16xf32>
    %mul3A_494 = arith.mulf %mul3A_493, %bitcast3A_489 : vector<16xf32>
    %sub3A_495 = arith.constant 1.500000e+00 : f32
    %sub3A_496 = vector.broadcast %sub3A_495 : f32 to vector<16xf32>
    %sub3A_497 = arith.subf %sub3A_496, %mul3A_494 : vector<16xf32>
    %mul3A_498 = arith.mulf %bitcast3A_489, %sub3A_497 : vector<16xf32>
    %mul3A_499 = arith.constant 5.000000e-01 : f32
    %mul3A_500 = vector.broadcast %mul3A_499 : f32 to vector<16xf32>
    %mul3A_501 = arith.mulf %mul3A_500, %add3A_481 : vector<16xf32>
    %mul3A_502 = arith.mulf %mul3A_501, %mul3A_498 : vector<16xf32>
    %mul3A_503 = arith.mulf %mul3A_502, %mul3A_498 : vector<16xf32>
    %sub3A_504 = arith.constant 1.500000e+00 : f32
    %sub3A_505 = vector.broadcast %sub3A_504 : f32 to vector<16xf32>
    %sub3A_506 = arith.subf %sub3A_505, %mul3A_503 : vector<16xf32>
    %mul3A_507 = arith.mulf %mul3A_498, %sub3A_506 : vector<16xf32>
    %mul3A_508 = arith.constant 5.000000e-01 : f32
    %mul3A_509 = vector.broadcast %mul3A_508 : f32 to vector<16xf32>
    %mul3A_510 = arith.mulf %mul3A_509, %add3A_481 : vector<16xf32>
    %mul3A_511 = arith.mulf %mul3A_510, %mul3A_507 : vector<16xf32>
    %mul3A_512 = arith.mulf %mul3A_511, %mul3A_507 : vector<16xf32>
    %sub3A_513 = arith.constant 1.500000e+00 : f32
    %sub3A_514 = vector.broadcast %sub3A_513 : f32 to vector<16xf32>
    %sub3A_515 = arith.subf %sub3A_514, %mul3A_512 : vector<16xf32>
    %mul3A_516 = arith.mulf %mul3A_507, %sub3A_515 : vector<16xf32>
    %swap3A_517 = arith.constant 176 : index
    %swap3A_518 = tpu.vector_load %arg15[%swap3A_517] {strides = array<i32>} : memref<640xf32, #tpu.memory_space<vmem>>, vector<16xf32>,
    tpu.vector_store %arg15[%swap3A_517], %mul3A_516 {strides = array<i32>} : memref<640xf32, #tpu.memory_space<vmem>>, vector<16xf32>,
    %get3A_519 = arith.constant 192 : index
    %get3A_520 = tpu.vector_load %arg14[%get3A_519] {strides = array<i32>} : memref<640xf32, #tpu.memory_space<vmem>>, vector<16xf32>,
    %add3A_521 = arith.constant 1.000000e+00 : f32
    %add3A_522 = vector.broadcast %add3A_521 : f32 to vector<16xf32>
    %add3A_523 = arith.addf %get3A_520, %add3A_522 : vector<16xf32>
    %bitcast3A_524 = vector.bitcast %add3A_523 : vector<16xf32> to vector<16xi32>
    %shift_right_arithmetic3A_525 = arith.constant 1 : i32
    %shift_right_arithmetic3A_526 = vector.broadcast %shift_right_arithmetic3A_525 : i32 to vector<16xi32>
    %shift_right_arithmetic3A_527 = arith.shrsi %bitcast3A_524, %shift_right_arithmetic3A_526 : vector<16xi32>
    %sub3A_528 = arith.constant 1597463007 : i32
    %sub3A_529 = vector.broadcast %sub3A_528 : i32 to vector<16xi32>
    %sub3A_530 = arith.subi %sub3A_529, %shift_right_arithmetic3A_527 : vector<16xi32>
    %bitcast3A_531 = vector.bitcast %sub3A_530 : vector<16xi32> to vector<16xf32>
    %mul3A_532 = arith.constant 5.000000e-01 : f32
    %mul3A_533 = vector.broadcast %mul3A_532 : f32 to vector<16xf32>
    %mul3A_534 = arith.mulf %mul3A_533, %add3A_523 : vector<16xf32>
    %mul3A_535 = arith.mulf %mul3A_534, %bitcast3A_531 : vector<16xf32>
    %mul3A_536 = arith.mulf %mul3A_535, %bitcast3A_531 : vector<16xf32>
    %sub3A_537 = arith.constant 1.500000e+00 : f32
    %sub3A_538 = vector.broadcast %sub3A_537 : f32 to vector<16xf32>
    %sub3A_539 = arith.subf %sub3A_538, %mul3A_536 : vector<16xf32>
    %mul3A_540 = arith.mulf %bitcast3A_531, %sub3A_539 : vector<16xf32>
    %mul3A_541 = arith.constant 5.000000e-01 : f32
    %mul3A_542 = vector.broadcast %mul3A_541 : f32 to vector<16xf32>
    %mul3A_543 = arith.mulf %mul3A_542, %add3A_523 : vector<16xf32>
    %mul3A_544 = arith.mulf %mul3A_543, %mul3A_540 : vector<16xf32>
    %mul3A_545 = arith.mulf %mul3A_544, %mul3A_540 : vector<16xf32>
    %sub3A_546 = arith.constant 1.500000e+00 : f32
    %sub3A_547 = vector.broadcast %sub3A_546 : f32 to vector<16xf32>
    %sub3A_548 = arith.subf %sub3A_547, %mul3A_545 : vector<16xf32>
    %mul3A_549 = arith.mulf %mul3A_540, %sub3A_548 : vector<16xf32>
    %mul3A_550 = arith.constant 5.000000e-01 : f32
    %mul3A_551 = vector.broadcast %mul3A_550 : f32 to vector<16xf32>
    %mul3A_552 = arith.mulf %mul3A_551, %add3A_523 : vector<16xf32>
    %mul3A_553 = arith.mulf %mul3A_552, %mul3A_549 : vector<16xf32>
    %mul3A_554 = arith.mulf %mul3A_553, %mul3A_549 : vector<16xf32>
    %sub3A_555 = arith.constant 1.500000e+00 : f32
    %sub3A_556 = vector.broadcast %sub3A_555 : f32 to vector<16xf32>
    %sub3A_557 = arith.subf %sub3A_556, %mul3A_554 : vector<16xf32>
    %mul3A_558 = arith.mulf %mul3A_549, %sub3A_557 : vector<16xf32>
    %swap3A_559 = arith.constant 192 : index
    %swap3A_560 = tpu.vector_load %arg15[%swap3A_559] {strides = array<i32>} : memref<640xf32, #tpu.memory_space<vmem>>, vector<16xf32>,
    tpu.vector_store %arg15[%swap3A_559], %mul3A_558 {strides = array<i32>} : memref<640xf32, #tpu.memory_space<vmem>>, vector<16xf32>,
    %get3A_561 = arith.constant 208 : index
    %get3A_562 = tpu.vector_load %arg14[%get3A_561] {strides = array<i32>} : memref<640xf32, #tpu.memory_space<vmem>>, vector<16xf32>,
    %add3A_563 = arith.constant 1.000000e+00 : f32
    %add3A_564 = vector.broadcast %add3A_563 : f32 to vector<16xf32>
    %add3A_565 = arith.addf %get3A_562, %add3A_564 : vector<16xf32>
    %bitcast3A_566 = vector.bitcast %add3A_565 : vector<16xf32> to vector<16xi32>
    %shift_right_arithmetic3A_567 = arith.constant 1 : i32
    %shift_right_arithmetic3A_568 = vector.broadcast %shift_right_arithmetic3A_567 : i32 to vector<16xi32>
    %shift_right_arithmetic3A_569 = arith.shrsi %bitcast3A_566, %shift_right_arithmetic3A_568 : vector<16xi32>
    %sub3A_570 = arith.constant 1597463007 : i32
    %sub3A_571 = vector.broadcast %sub3A_570 : i32 to vector<16xi32>
    %sub3A_572 = arith.subi %sub3A_571, %shift_right_arithmetic3A_569 : vector<16xi32>
    %bitcast3A_573 = vector.bitcast %sub3A_572 : vector<16xi32> to vector<16xf32>
    %mul3A_574 = arith.constant 5.000000e-01 : f32
    %mul3A_575 = vector.broadcast %mul3A_574 : f32 to vector<16xf32>
    %mul3A_576 = arith.mulf %mul3A_575, %add3A_565 : vector<16xf32>
    %mul3A_577 = arith.mulf %mul3A_576, %bitcast3A_573 : vector<16xf32>
    %mul3A_578 = arith.mulf %mul3A_577, %bitcast3A_573 : vector<16xf32>
    %sub3A_579 = arith.constant 1.500000e+00 : f32
    %sub3A_580 = vector.broadcast %sub3A_579 : f32 to vector<16xf32>
    %sub3A_581 = arith.subf %sub3A_580, %mul3A_578 : vector<16xf32>
    %mul3A_582 = arith.mulf %bitcast3A_573, %sub3A_581 : vector<16xf32>
    %mul3A_583 = arith.constant 5.000000e-01 : f32
    %mul3A_584 = vector.broadcast %mul3A_583 : f32 to vector<16xf32>
    %mul3A_585 = arith.mulf %mul3A_584, %add3A_565 : vector<16xf32>
    %mul3A_586 = arith.mulf %mul3A_585, %mul3A_582 : vector<16xf32>
    %mul3A_587 = arith.mulf %mul3A_586, %mul3A_582 : vector<16xf32>
    %sub3A_588 = arith.constant 1.500000e+00 : f32
    %sub3A_589 = vector.broadcast %sub3A_588 : f32 to vector<16xf32>
    %sub3A_590 = arith.subf %sub3A_589, %mul3A_587 : vector<16xf32>
    %mul3A_591 = arith.mulf %mul3A_582, %sub3A_590 : vector<16xf32>
    %mul3A_592 = arith.constant 5.000000e-01 : f32
    %mul3A_593 = vector.broadcast %mul3A_592 : f32 to vector<16xf32>
    %mul3A_594 = arith.mulf %mul3A_593, %add3A_565 : vector<16xf32>
    %mul3A_595 = arith.mulf %mul3A_594, %mul3A_591 : vector<16xf32>
    %mul3A_596 = arith.mulf %mul3A_595, %mul3A_591 : vector<16xf32>
    %sub3A_597 = arith.constant 1.500000e+00 : f32
    %sub3A_598 = vector.broadcast %sub3A_597 : f32 to vector<16xf32>
    %sub3A_599 = arith.subf %sub3A_598, %mul3A_596 : vector<16xf32>
    %mul3A_600 = arith.mulf %mul3A_591, %sub3A_599 : vector<16xf32>
    %swap3A_601 = arith.constant 208 : index
    %swap3A_602 = tpu.vector_load %arg15[%swap3A_601] {strides = array<i32>} : memref<640xf32, #tpu.memory_space<vmem>>, vector<16xf32>,
    tpu.vector_store %arg15[%swap3A_601], %mul3A_600 {strides = array<i32>} : memref<640xf32, #tpu.memory_space<vmem>>, vector<16xf32>,
    %get3A_603 = arith.constant 224 : index
    %get3A_604 = tpu.vector_load %arg14[%get3A_603] {strides = array<i32>} : memref<640xf32, #tpu.memory_space<vmem>>, vector<16xf32>,
    %add3A_605 = arith.constant 1.000000e+00 : f32
    %add3A_606 = vector.broadcast %add3A_605 : f32 to vector<16xf32>
    %add3A_607 = arith.addf %get3A_604, %add3A_606 : vector<16xf32>
    %bitcast3A_608 = vector.bitcast %add3A_607 : vector<16xf32> to vector<16xi32>
    %shift_right_arithmetic3A_609 = arith.constant 1 : i32
    %shift_right_arithmetic3A_610 = vector.broadcast %shift_right_arithmetic3A_609 : i32 to vector<16xi32>
    %shift_right_arithmetic3A_611 = arith.shrsi %bitcast3A_608, %shift_right_arithmetic3A_610 : vector<16xi32>
    %sub3A_612 = arith.constant 1597463007 : i32
    %sub3A_613 = vector.broadcast %sub3A_612 : i32 to vector<16xi32>
    %sub3A_614 = arith.subi %sub3A_613, %shift_right_arithmetic3A_611 : vector<16xi32>
    %bitcast3A_615 = vector.bitcast %sub3A_614 : vector<16xi32> to vector<16xf32>
    %mul3A_616 = arith.constant 5.000000e-01 : f32
    %mul3A_617 = vector.broadcast %mul3A_616 : f32 to vector<16xf32>
    %mul3A_618 = arith.mulf %mul3A_617, %add3A_607 : vector<16xf32>
    %mul3A_619 = arith.mulf %mul3A_618, %bitcast3A_615 : vector<16xf32>
    %mul3A_620 = arith.mulf %mul3A_619, %bitcast3A_615 : vector<16xf32>
    %sub3A_621 = arith.constant 1.500000e+00 : f32
    %sub3A_622 = vector.broadcast %sub3A_621 : f32 to vector<16xf32>
    %sub3A_623 = arith.subf %sub3A_622, %mul3A_620 : vector<16xf32>
    %mul3A_624 = arith.mulf %bitcast3A_615, %sub3A_623 : vector<16xf32>
    %mul3A_625 = arith.constant 5.000000e-01 : f32
    %mul3A_626 = vector.broadcast %mul3A_625 : f32 to vector<16xf32>
    %mul3A_627 = arith.mulf %mul3A_626, %add3A_607 : vector<16xf32>
    %mul3A_628 = arith.mulf %mul3A_627, %mul3A_624 : vector<16xf32>
    %mul3A_629 = arith.mulf %mul3A_628, %mul3A_624 : vector<16xf32>
    %sub3A_630 = arith.constant 1.500000e+00 : f32
    %sub3A_631 = vector.broadcast %sub3A_630 : f32 to vector<16xf32>
    %sub3A_632 = arith.subf %sub3A_631, %mul3A_629 : vector<16xf32>
    %mul3A_633 = arith.mulf %mul3A_624, %sub3A_632 : vector<16xf32>
    %mul3A_634 = arith.constant 5.000000e-01 : f32
    %mul3A_635 = vector.broadcast %mul3A_634 : f32 to vector<16xf32>
    %mul3A_636 = arith.mulf %mul3A_635, %add3A_607 : vector<16xf32>
    %mul3A_637 = arith.mulf %mul3A_636, %mul3A_633 : vector<16xf32>
    %mul3A_638 = arith.mulf %mul3A_637, %mul3A_633 : vector<16xf32>
    %sub3A_639 = arith.constant 1.500000e+00 : f32
    %sub3A_640 = vector.broadcast %sub3A_639 : f32 to vector<16xf32>
    %sub3A_641 = arith.subf %sub3A_640, %mul3A_638 : vector<16xf32>
    %mul3A_642 = arith.mulf %mul3A_633, %sub3A_641 : vector<16xf32>
    %swap3A_643 = arith.constant 224 : index
    %swap3A_644 = tpu.vector_load %arg15[%swap3A_643] {strides = array<i32>} : memref<640xf32, #tpu.memory_space<vmem>>, vector<16xf32>,
    tpu.vector_store %arg15[%swap3A_643], %mul3A_642 {strides = array<i32>} : memref<640xf32, #tpu.memory_space<vmem>>, vector<16xf32>,
    %get3A_645 = arith.constant 240 : index
    %get3A_646 = tpu.vector_load %arg14[%get3A_645] {strides = array<i32>} : memref<640xf32, #tpu.memory_space<vmem>>, vector<16xf32>,
    %add3A_647 = arith.constant 1.000000e+00 : f32
    %add3A_648 = vector.broadcast %add3A_647 : f32 to vector<16xf32>
    %add3A_649 = arith.addf %get3A_646, %add3A_648 : vector<16xf32>
    %bitcast3A_650 = vector.bitcast %add3A_649 : vector<16xf32> to vector<16xi32>
    %shift_right_arithmetic3A_651 = arith.constant 1 : i32
    %shift_right_arithmetic3A_652 = vector.broadcast %shift_right_arithmetic3A_651 : i32 to vector<16xi32>
    %shift_right_arithmetic3A_653 = arith.shrsi %bitcast3A_650, %shift_right_arithmetic3A_652 : vector<16xi32>
    %sub3A_654 = arith.constant 1597463007 : i32
    %sub3A_655 = vector.broadcast %sub3A_654 : i32 to vector<16xi32>
    %sub3A_656 = arith.subi %sub3A_655, %shift_right_arithmetic3A_653 : vector<16xi32>
    %bitcast3A_657 = vector.bitcast %sub3A_656 : vector<16xi32> to vector<16xf32>
    %mul3A_658 = arith.constant 5.000000e-01 : f32
    %mul3A_659 = vector.broadcast %mul3A_658 : f32 to vector<16xf32>
    %mul3A_660 = arith.mulf %mul3A_659, %add3A_649 : vector<16xf32>
    %mul3A_661 = arith.mulf %mul3A_660, %bitcast3A_657 : vector<16xf32>
    %mul3A_662 = arith.mulf %mul3A_661, %bitcast3A_657 : vector<16xf32>
    %sub3A_663 = arith.constant 1.500000e+00 : f32
    %sub3A_664 = vector.broadcast %sub3A_663 : f32 to vector<16xf32>
    %sub3A_665 = arith.subf %sub3A_664, %mul3A_662 : vector<16xf32>
    %mul3A_666 = arith.mulf %bitcast3A_657, %sub3A_665 : vector<16xf32>
    %mul3A_667 = arith.constant 5.000000e-01 : f32
    %mul3A_668 = vector.broadcast %mul3A_667 : f32 to vector<16xf32>
    %mul3A_669 = arith.mulf %mul3A_668, %add3A_649 : vector<16xf32>
    %mul3A_670 = arith.mulf %mul3A_669, %mul3A_666 : vector<16xf32>
    %mul3A_671 = arith.mulf %mul3A_670, %mul3A_666 : vector<16xf32>
    %sub3A_672 = arith.constant 1.500000e+00 : f32
    %sub3A_673 = vector.broadcast %sub3A_672 : f32 to vector<16xf32>
    %sub3A_674 = arith.subf %sub3A_673, %mul3A_671 : vector<16xf32>
    %mul3A_675 = arith.mulf %mul3A_666, %sub3A_674 : vector<16xf32>
    %mul3A_676 = arith.constant 5.000000e-01 : f32
    %mul3A_677 = vector.broadcast %mul3A_676 : f32 to vector<16xf32>
    %mul3A_678 = arith.mulf %mul3A_677, %add3A_649 : vector<16xf32>
    %mul3A_679 = arith.mulf %mul3A_678, %mul3A_675 : vector<16xf32>
    %mul3A_680 = arith.mulf %mul3A_679, %mul3A_675 : vector<16xf32>
    %sub3A_681 = arith.constant 1.500000e+00 : f32
    %sub3A_682 = vector.broadcast %sub3A_681 : f32 to vector<16xf32>
    %sub3A_683 = arith.subf %sub3A_682, %mul3A_680 : vector<16xf32>
    %mul3A_684 = arith.mulf %mul3A_675, %sub3A_683 : vector<16xf32>
    %swap3A_685 = arith.constant 240 : index
    %swap3A_686 = tpu.vector_load %arg15[%swap3A_685] {strides = array<i32>} : memref<640xf32, #tpu.memory_space<vmem>>, vector<16xf32>,
    tpu.vector_store %arg15[%swap3A_685], %mul3A_684 {strides = array<i32>} : memref<640xf32, #tpu.memory_space<vmem>>, vector<16xf32>,
    %get3A_687 = arith.constant 256 : index
    %get3A_688 = tpu.vector_load %arg14[%get3A_687] {strides = array<i32>} : memref<640xf32, #tpu.memory_space<vmem>>, vector<16xf32>,
    %add3A_689 = arith.constant 1.000000e+00 : f32
    %add3A_690 = vector.broadcast %add3A_689 : f32 to vector<16xf32>
    %add3A_691 = arith.addf %get3A_688, %add3A_690 : vector<16xf32>
    %bitcast3A_692 = vector.bitcast %add3A_691 : vector<16xf32> to vector<16xi32>
    %shift_right_arithmetic3A_693 = arith.constant 1 : i32
    %shift_right_arithmetic3A_694 = vector.broadcast %shift_right_arithmetic3A_693 : i32 to vector<16xi32>
    %shift_right_arithmetic3A_695 = arith.shrsi %bitcast3A_692, %shift_right_arithmetic3A_694 : vector<16xi32>
    %sub3A_696 = arith.constant 1597463007 : i32
    %sub3A_697 = vector.broadcast %sub3A_696 : i32 to vector<16xi32>
    %sub3A_698 = arith.subi %sub3A_697, %shift_right_arithmetic3A_695 : vector<16xi32>
    %bitcast3A_699 = vector.bitcast %sub3A_698 : vector<16xi32> to vector<16xf32>
    %mul3A_700 = arith.constant 5.000000e-01 : f32
    %mul3A_701 = vector.broadcast %mul3A_700 : f32 to vector<16xf32>
    %mul3A_702 = arith.mulf %mul3A_701, %add3A_691 : vector<16xf32>
    %mul3A_703 = arith.mulf %mul3A_702, %bitcast3A_699 : vector<16xf32>
    %mul3A_704 = arith.mulf %mul3A_703, %bitcast3A_699 : vector<16xf32>
    %sub3A_705 = arith.constant 1.500000e+00 : f32
    %sub3A_706 = vector.broadcast %sub3A_705 : f32 to vector<16xf32>
    %sub3A_707 = arith.subf %sub3A_706, %mul3A_704 : vector<16xf32>
    %mul3A_708 = arith.mulf %bitcast3A_699, %sub3A_707 : vector<16xf32>
    %mul3A_709 = arith.constant 5.000000e-01 : f32
    %mul3A_710 = vector.broadcast %mul3A_709 : f32 to vector<16xf32>
    %mul3A_711 = arith.mulf %mul3A_710, %add3A_691 : vector<16xf32>
    %mul3A_712 = arith.mulf %mul3A_711, %mul3A_708 : vector<16xf32>
    %mul3A_713 = arith.mulf %mul3A_712, %mul3A_708 : vector<16xf32>
    %sub3A_714 = arith.constant 1.500000e+00 : f32
    %sub3A_715 = vector.broadcast %sub3A_714 : f32 to vector<16xf32>
    %sub3A_716 = arith.subf %sub3A_715, %mul3A_713 : vector<16xf32>
    %mul3A_717 = arith.mulf %mul3A_708, %sub3A_716 : vector<16xf32>
    %mul3A_718 = arith.constant 5.000000e-01 : f32
    %mul3A_719 = vector.broadcast %mul3A_718 : f32 to vector<16xf32>
    %mul3A_720 = arith.mulf %mul3A_719, %add3A_691 : vector<16xf32>
    %mul3A_721 = arith.mulf %mul3A_720, %mul3A_717 : vector<16xf32>
    %mul3A_722 = arith.mulf %mul3A_721, %mul3A_717 : vector<16xf32>
    %sub3A_723 = arith.constant 1.500000e+00 : f32
    %sub3A_724 = vector.broadcast %sub3A_723 : f32 to vector<16xf32>
    %sub3A_725 = arith.subf %sub3A_724, %mul3A_722 : vector<16xf32>
    %mul3A_726 = arith.mulf %mul3A_717, %sub3A_725 : vector<16xf32>
    %swap3A_727 = arith.constant 256 : index
    %swap3A_728 = tpu.vector_load %arg15[%swap3A_727] {strides = array<i32>} : memref<640xf32, #tpu.memory_space<vmem>>, vector<16xf32>,
    tpu.vector_store %arg15[%swap3A_727], %mul3A_726 {strides = array<i32>} : memref<640xf32, #tpu.memory_space<vmem>>, vector<16xf32>,
    %get3A_729 = arith.constant 272 : index
    %get3A_730 = tpu.vector_load %arg14[%get3A_729] {strides = array<i32>} : memref<640xf32, #tpu.memory_space<vmem>>, vector<16xf32>,
    %add3A_731 = arith.constant 1.000000e+00 : f32
    %add3A_732 = vector.broadcast %add3A_731 : f32 to vector<16xf32>
    %add3A_733 = arith.addf %get3A_730, %add3A_732 : vector<16xf32>
    %bitcast3A_734 = vector.bitcast %add3A_733 : vector<16xf32> to vector<16xi32>
    %shift_right_arithmetic3A_735 = arith.constant 1 : i32
    %shift_right_arithmetic3A_736 = vector.broadcast %shift_right_arithmetic3A_735 : i32 to vector<16xi32>
    %shift_right_arithmetic3A_737 = arith.shrsi %bitcast3A_734, %shift_right_arithmetic3A_736 : vector<16xi32>
    %sub3A_738 = arith.constant 1597463007 : i32
    %sub3A_739 = vector.broadcast %sub3A_738 : i32 to vector<16xi32>
    %sub3A_740 = arith.subi %sub3A_739, %shift_right_arithmetic3A_737 : vector<16xi32>
    %bitcast3A_741 = vector.bitcast %sub3A_740 : vector<16xi32> to vector<16xf32>
    %mul3A_742 = arith.constant 5.000000e-01 : f32
    %mul3A_743 = vector.broadcast %mul3A_742 : f32 to vector<16xf32>
    %mul3A_744 = arith.mulf %mul3A_743, %add3A_733 : vector<16xf32>
    %mul3A_745 = arith.mulf %mul3A_744, %bitcast3A_741 : vector<16xf32>
    %mul3A_746 = arith.mulf %mul3A_745, %bitcast3A_741 : vector<16xf32>
    %sub3A_747 = arith.constant 1.500000e+00 : f32
    %sub3A_748 = vector.broadcast %sub3A_747 : f32 to vector<16xf32>
    %sub3A_749 = arith.subf %sub3A_748, %mul3A_746 : vector<16xf32>
    %mul3A_750 = arith.mulf %bitcast3A_741, %sub3A_749 : vector<16xf32>
    %mul3A_751 = arith.constant 5.000000e-01 : f32
    %mul3A_752 = vector.broadcast %mul3A_751 : f32 to vector<16xf32>
    %mul3A_753 = arith.mulf %mul3A_752, %add3A_733 : vector<16xf32>
    %mul3A_754 = arith.mulf %mul3A_753, %mul3A_750 : vector<16xf32>
    %mul3A_755 = arith.mulf %mul3A_754, %mul3A_750 : vector<16xf32>
    %sub3A_756 = arith.constant 1.500000e+00 : f32
    %sub3A_757 = vector.broadcast %sub3A_756 : f32 to vector<16xf32>
    %sub3A_758 = arith.subf %sub3A_757, %mul3A_755 : vector<16xf32>
    %mul3A_759 = arith.mulf %mul3A_750, %sub3A_758 : vector<16xf32>
    %mul3A_760 = arith.constant 5.000000e-01 : f32
    %mul3A_761 = vector.broadcast %mul3A_760 : f32 to vector<16xf32>
    %mul3A_762 = arith.mulf %mul3A_761, %add3A_733 : vector<16xf32>
    %mul3A_763 = arith.mulf %mul3A_762, %mul3A_759 : vector<16xf32>
    %mul3A_764 = arith.mulf %mul3A_763, %mul3A_759 : vector<16xf32>
    %sub3A_765 = arith.constant 1.500000e+00 : f32
    %sub3A_766 = vector.broadcast %sub3A_765 : f32 to vector<16xf32>
    %sub3A_767 = arith.subf %sub3A_766, %mul3A_764 : vector<16xf32>
    %mul3A_768 = arith.mulf %mul3A_759, %sub3A_767 : vector<16xf32>
    %swap3A_769 = arith.constant 272 : index
    %swap3A_770 = tpu.vector_load %arg15[%swap3A_769] {strides = array<i32>} : memref<640xf32, #tpu.memory_space<vmem>>, vector<16xf32>,
    tpu.vector_store %arg15[%swap3A_769], %mul3A_768 {strides = array<i32>} : memref<640xf32, #tpu.memory_space<vmem>>, vector<16xf32>,
    %get3A_771 = arith.constant 288 : index
    %get3A_772 = tpu.vector_load %arg14[%get3A_771] {strides = array<i32>} : memref<640xf32, #tpu.memory_space<vmem>>, vector<16xf32>,
    %add3A_773 = arith.constant 1.000000e+00 : f32
    %add3A_774 = vector.broadcast %add3A_773 : f32 to vector<16xf32>
    %add3A_775 = arith.addf %get3A_772, %add3A_774 : vector<16xf32>
    %bitcast3A_776 = vector.bitcast %add3A_775 : vector<16xf32> to vector<16xi32>
    %shift_right_arithmetic3A_777 = arith.constant 1 : i32
    %shift_right_arithmetic3A_778 = vector.broadcast %shift_right_arithmetic3A_777 : i32 to vector<16xi32>
    %shift_right_arithmetic3A_779 = arith.shrsi %bitcast3A_776, %shift_right_arithmetic3A_778 : vector<16xi32>
    %sub3A_780 = arith.constant 1597463007 : i32
    %sub3A_781 = vector.broadcast %sub3A_780 : i32 to vector<16xi32>
    %sub3A_782 = arith.subi %sub3A_781, %shift_right_arithmetic3A_779 : vector<16xi32>
    %bitcast3A_783 = vector.bitcast %sub3A_782 : vector<16xi32> to vector<16xf32>
    %mul3A_784 = arith.constant 5.000000e-01 : f32
    %mul3A_785 = vector.broadcast %mul3A_784 : f32 to vector<16xf32>
    %mul3A_786 = arith.mulf %mul3A_785, %add3A_775 : vector<16xf32>
    %mul3A_787 = arith.mulf %mul3A_786, %bitcast3A_783 : vector<16xf32>
    %mul3A_788 = arith.mulf %mul3A_787, %bitcast3A_783 : vector<16xf32>
    %sub3A_789 = arith.constant 1.500000e+00 : f32
    %sub3A_790 = vector.broadcast %sub3A_789 : f32 to vector<16xf32>
    %sub3A_791 = arith.subf %sub3A_790, %mul3A_788 : vector<16xf32>
    %mul3A_792 = arith.mulf %bitcast3A_783, %sub3A_791 : vector<16xf32>
    %mul3A_793 = arith.constant 5.000000e-01 : f32
    %mul3A_794 = vector.broadcast %mul3A_793 : f32 to vector<16xf32>
    %mul3A_795 = arith.mulf %mul3A_794, %add3A_775 : vector<16xf32>
    %mul3A_796 = arith.mulf %mul3A_795, %mul3A_792 : vector<16xf32>
    %mul3A_797 = arith.mulf %mul3A_796, %mul3A_792 : vector<16xf32>
    %sub3A_798 = arith.constant 1.500000e+00 : f32
    %sub3A_799 = vector.broadcast %sub3A_798 : f32 to vector<16xf32>
    %sub3A_800 = arith.subf %sub3A_799, %mul3A_797 : vector<16xf32>
    %mul3A_801 = arith.mulf %mul3A_792, %sub3A_800 : vector<16xf32>
    %mul3A_802 = arith.constant 5.000000e-01 : f32
    %mul3A_803 = vector.broadcast %mul3A_802 : f32 to vector<16xf32>
    %mul3A_804 = arith.mulf %mul3A_803, %add3A_775 : vector<16xf32>
    %mul3A_805 = arith.mulf %mul3A_804, %mul3A_801 : vector<16xf32>
    %mul3A_806 = arith.mulf %mul3A_805, %mul3A_801 : vector<16xf32>
    %sub3A_807 = arith.constant 1.500000e+00 : f32
    %sub3A_808 = vector.broadcast %sub3A_807 : f32 to vector<16xf32>
    %sub3A_809 = arith.subf %sub3A_808, %mul3A_806 : vector<16xf32>
    %mul3A_810 = arith.mulf %mul3A_801, %sub3A_809 : vector<16xf32>
    %swap3A_811 = arith.constant 288 : index
    %swap3A_812 = tpu.vector_load %arg15[%swap3A_811] {strides = array<i32>} : memref<640xf32, #tpu.memory_space<vmem>>, vector<16xf32>,
    tpu.vector_store %arg15[%swap3A_811], %mul3A_810 {strides = array<i32>} : memref<640xf32, #tpu.memory_space<vmem>>, vector<16xf32>,
    %get3A_813 = arith.constant 304 : index
    %get3A_814 = tpu.vector_load %arg14[%get3A_813] {strides = array<i32>} : memref<640xf32, #tpu.memory_space<vmem>>, vector<16xf32>,
    %add3A_815 = arith.constant 1.000000e+00 : f32
    %add3A_816 = vector.broadcast %add3A_815 : f32 to vector<16xf32>
    %add3A_817 = arith.addf %get3A_814, %add3A_816 : vector<16xf32>
    %bitcast3A_818 = vector.bitcast %add3A_817 : vector<16xf32> to vector<16xi32>
    %shift_right_arithmetic3A_819 = arith.constant 1 : i32
    %shift_right_arithmetic3A_820 = vector.broadcast %shift_right_arithmetic3A_819 : i32 to vector<16xi32>
    %shift_right_arithmetic3A_821 = arith.shrsi %bitcast3A_818, %shift_right_arithmetic3A_820 : vector<16xi32>
    %sub3A_822 = arith.constant 1597463007 : i32
    %sub3A_823 = vector.broadcast %sub3A_822 : i32 to vector<16xi32>
    %sub3A_824 = arith.subi %sub3A_823, %shift_right_arithmetic3A_821 : vector<16xi32>
    %bitcast3A_825 = vector.bitcast %sub3A_824 : vector<16xi32> to vector<16xf32>
    %mul3A_826 = arith.constant 5.000000e-01 : f32
    %mul3A_827 = vector.broadcast %mul3A_826 : f32 to vector<16xf32>
    %mul3A_828 = arith.mulf %mul3A_827, %add3A_817 : vector<16xf32>
    %mul3A_829 = arith.mulf %mul3A_828, %bitcast3A_825 : vector<16xf32>
    %mul3A_830 = arith.mulf %mul3A_829, %bitcast3A_825 : vector<16xf32>
    %sub3A_831 = arith.constant 1.500000e+00 : f32
    %sub3A_832 = vector.broadcast %sub3A_831 : f32 to vector<16xf32>
    %sub3A_833 = arith.subf %sub3A_832, %mul3A_830 : vector<16xf32>
    %mul3A_834 = arith.mulf %bitcast3A_825, %sub3A_833 : vector<16xf32>
    %mul3A_835 = arith.constant 5.000000e-01 : f32
    %mul3A_836 = vector.broadcast %mul3A_835 : f32 to vector<16xf32>
    %mul3A_837 = arith.mulf %mul3A_836, %add3A_817 : vector<16xf32>
    %mul3A_838 = arith.mulf %mul3A_837, %mul3A_834 : vector<16xf32>
    %mul3A_839 = arith.mulf %mul3A_838, %mul3A_834 : vector<16xf32>
    %sub3A_840 = arith.constant 1.500000e+00 : f32
    %sub3A_841 = vector.broadcast %sub3A_840 : f32 to vector<16xf32>
    %sub3A_842 = arith.subf %sub3A_841, %mul3A_839 : vector<16xf32>
    %mul3A_843 = arith.mulf %mul3A_834, %sub3A_842 : vector<16xf32>
    %mul3A_844 = arith.constant 5.000000e-01 : f32
    %mul3A_845 = vector.broadcast %mul3A_844 : f32 to vector<16xf32>
    %mul3A_846 = arith.mulf %mul3A_845, %add3A_817 : vector<16xf32>
    %mul3A_847 = arith.mulf %mul3A_846, %mul3A_843 : vector<16xf32>
    %mul3A_848 = arith.mulf %mul3A_847, %mul3A_843 : vector<16xf32>
    %sub3A_849 = arith.constant 1.500000e+00 : f32
    %sub3A_850 = vector.broadcast %sub3A_849 : f32 to vector<16xf32>
    %sub3A_851 = arith.subf %sub3A_850, %mul3A_848 : vector<16xf32>
    %mul3A_852 = arith.mulf %mul3A_843, %sub3A_851 : vector<16xf32>
    %swap3A_853 = arith.constant 304 : index
    %swap3A_854 = tpu.vector_load %arg15[%swap3A_853] {strides = array<i32>} : memref<640xf32, #tpu.memory_space<vmem>>, vector<16xf32>,
    tpu.vector_store %arg15[%swap3A_853], %mul3A_852 {strides = array<i32>} : memref<640xf32, #tpu.memory_space<vmem>>, vector<16xf32>,
    %get3A_855 = arith.constant 320 : index
    %get3A_856 = tpu.vector_load %arg14[%get3A_855] {strides = array<i32>} : memref<640xf32, #tpu.memory_space<vmem>>, vector<16xf32>,
    %add3A_857 = arith.constant 1.000000e+00 : f32
    %add3A_858 = vector.broadcast %add3A_857 : f32 to vector<16xf32>
    %add3A_859 = arith.addf %get3A_856, %add3A_858 : vector<16xf32>
    %bitcast3A_860 = vector.bitcast %add3A_859 : vector<16xf32> to vector<16xi32>
    %shift_right_arithmetic3A_861 = arith.constant 1 : i32
    %shift_right_arithmetic3A_862 = vector.broadcast %shift_right_arithmetic3A_861 : i32 to vector<16xi32>
    %shift_right_arithmetic3A_863 = arith.shrsi %bitcast3A_860, %shift_right_arithmetic3A_862 : vector<16xi32>
    %sub3A_864 = arith.constant 1597463007 : i32
    %sub3A_865 = vector.broadcast %sub3A_864 : i32 to vector<16xi32>
    %sub3A_866 = arith.subi %sub3A_865, %shift_right_arithmetic3A_863 : vector<16xi32>
    %bitcast3A_867 = vector.bitcast %sub3A_866 : vector<16xi32> to vector<16xf32>
    %mul3A_868 = arith.constant 5.000000e-01 : f32
    %mul3A_869 = vector.broadcast %mul3A_868 : f32 to vector<16xf32>
    %mul3A_870 = arith.mulf %mul3A_869, %add3A_859 : vector<16xf32>
    %mul3A_871 = arith.mulf %mul3A_870, %bitcast3A_867 : vector<16xf32>
    %mul3A_872 = arith.mulf %mul3A_871, %bitcast3A_867 : vector<16xf32>
    %sub3A_873 = arith.constant 1.500000e+00 : f32
    %sub3A_874 = vector.broadcast %sub3A_873 : f32 to vector<16xf32>
    %sub3A_875 = arith.subf %sub3A_874, %mul3A_872 : vector<16xf32>
    %mul3A_876 = arith.mulf %bitcast3A_867, %sub3A_875 : vector<16xf32>
    %mul3A_877 = arith.constant 5.000000e-01 : f32
    %mul3A_878 = vector.broadcast %mul3A_877 : f32 to vector<16xf32>
    %mul3A_879 = arith.mulf %mul3A_878, %add3A_859 : vector<16xf32>
    %mul3A_880 = arith.mulf %mul3A_879, %mul3A_876 : vector<16xf32>
    %mul3A_881 = arith.mulf %mul3A_880, %mul3A_876 : vector<16xf32>
    %sub3A_882 = arith.constant 1.500000e+00 : f32
    %sub3A_883 = vector.broadcast %sub3A_882 : f32 to vector<16xf32>
    %sub3A_884 = arith.subf %sub3A_883, %mul3A_881 : vector<16xf32>
    %mul3A_885 = arith.mulf %mul3A_876, %sub3A_884 : vector<16xf32>
    %mul3A_886 = arith.constant 5.000000e-01 : f32
    %mul3A_887 = vector.broadcast %mul3A_886 : f32 to vector<16xf32>
    %mul3A_888 = arith.mulf %mul3A_887, %add3A_859 : vector<16xf32>
    %mul3A_889 = arith.mulf %mul3A_888, %mul3A_885 : vector<16xf32>
    %mul3A_890 = arith.mulf %mul3A_889, %mul3A_885 : vector<16xf32>
    %sub3A_891 = arith.constant 1.500000e+00 : f32
    %sub3A_892 = vector.broadcast %sub3A_891 : f32 to vector<16xf32>
    %sub3A_893 = arith.subf %sub3A_892, %mul3A_890 : vector<16xf32>
    %mul3A_894 = arith.mulf %mul3A_885, %sub3A_893 : vector<16xf32>
    %swap3A_895 = arith.constant 320 : index
    %swap3A_896 = tpu.vector_load %arg15[%swap3A_895] {strides = array<i32>} : memref<640xf32, #tpu.memory_space<vmem>>, vector<16xf32>,
    tpu.vector_store %arg15[%swap3A_895], %mul3A_894 {strides = array<i32>} : memref<640xf32, #tpu.memory_space<vmem>>, vector<16xf32>,
    %get3A_897 = arith.constant 336 : index
    %get3A_898 = tpu.vector_load %arg14[%get3A_897] {strides = array<i32>} : memref<640xf32, #tpu.memory_space<vmem>>, vector<16xf32>,
    %add3A_899 = arith.constant 1.000000e+00 : f32
    %add3A_900 = vector.broadcast %add3A_899 : f32 to vector<16xf32>
    %add3A_901 = arith.addf %get3A_898, %add3A_900 : vector<16xf32>
    %bitcast3A_902 = vector.bitcast %add3A_901 : vector<16xf32> to vector<16xi32>
    %shift_right_arithmetic3A_903 = arith.constant 1 : i32
    %shift_right_arithmetic3A_904 = vector.broadcast %shift_right_arithmetic3A_903 : i32 to vector<16xi32>
    %shift_right_arithmetic3A_905 = arith.shrsi %bitcast3A_902, %shift_right_arithmetic3A_904 : vector<16xi32>
    %sub3A_906 = arith.constant 1597463007 : i32
    %sub3A_907 = vector.broadcast %sub3A_906 : i32 to vector<16xi32>
    %sub3A_908 = arith.subi %sub3A_907, %shift_right_arithmetic3A_905 : vector<16xi32>
    %bitcast3A_909 = vector.bitcast %sub3A_908 : vector<16xi32> to vector<16xf32>
    %mul3A_910 = arith.constant 5.000000e-01 : f32
    %mul3A_911 = vector.broadcast %mul3A_910 : f32 to vector<16xf32>
    %mul3A_912 = arith.mulf %mul3A_911, %add3A_901 : vector<16xf32>
    %mul3A_913 = arith.mulf %mul3A_912, %bitcast3A_909 : vector<16xf32>
    %mul3A_914 = arith.mulf %mul3A_913, %bitcast3A_909 : vector<16xf32>
    %sub3A_915 = arith.constant 1.500000e+00 : f32
    %sub3A_916 = vector.broadcast %sub3A_915 : f32 to vector<16xf32>
    %sub3A_917 = arith.subf %sub3A_916, %mul3A_914 : vector<16xf32>
    %mul3A_918 = arith.mulf %bitcast3A_909, %sub3A_917 : vector<16xf32>
    %mul3A_919 = arith.constant 5.000000e-01 : f32
    %mul3A_920 = vector.broadcast %mul3A_919 : f32 to vector<16xf32>
    %mul3A_921 = arith.mulf %mul3A_920, %add3A_901 : vector<16xf32>
    %mul3A_922 = arith.mulf %mul3A_921, %mul3A_918 : vector<16xf32>
    %mul3A_923 = arith.mulf %mul3A_922, %mul3A_918 : vector<16xf32>
    %sub3A_924 = arith.constant 1.500000e+00 : f32
    %sub3A_925 = vector.broadcast %sub3A_924 : f32 to vector<16xf32>
    %sub3A_926 = arith.subf %sub3A_925, %mul3A_923 : vector<16xf32>
    %mul3A_927 = arith.mulf %mul3A_918, %sub3A_926 : vector<16xf32>
    %mul3A_928 = arith.constant 5.000000e-01 : f32
    %mul3A_929 = vector.broadcast %mul3A_928 : f32 to vector<16xf32>
    %mul3A_930 = arith.mulf %mul3A_929, %add3A_901 : vector<16xf32>
    %mul3A_931 = arith.mulf %mul3A_930, %mul3A_927 : vector<16xf32>
    %mul3A_932 = arith.mulf %mul3A_931, %mul3A_927 : vector<16xf32>
    %sub3A_933 = arith.constant 1.500000e+00 : f32
    %sub3A_934 = vector.broadcast %sub3A_933 : f32 to vector<16xf32>
    %sub3A_935 = arith.subf %sub3A_934, %mul3A_932 : vector<16xf32>
    %mul3A_936 = arith.mulf %mul3A_927, %sub3A_935 : vector<16xf32>
    %swap3A_937 = arith.constant 336 : index
    %swap3A_938 = tpu.vector_load %arg15[%swap3A_937] {strides = array<i32>} : memref<640xf32, #tpu.memory_space<vmem>>, vector<16xf32>,
    tpu.vector_store %arg15[%swap3A_937], %mul3A_936 {strides = array<i32>} : memref<640xf32, #tpu.memory_space<vmem>>, vector<16xf32>,
    %get3A_939 = arith.constant 352 : index
    %get3A_940 = tpu.vector_load %arg14[%get3A_939] {strides = array<i32>} : memref<640xf32, #tpu.memory_space<vmem>>, vector<16xf32>,
    %add3A_941 = arith.constant 1.000000e+00 : f32
    %add3A_942 = vector.broadcast %add3A_941 : f32 to vector<16xf32>
    %add3A_943 = arith.addf %get3A_940, %add3A_942 : vector<16xf32>
    %bitcast3A_944 = vector.bitcast %add3A_943 : vector<16xf32> to vector<16xi32>
    %shift_right_arithmetic3A_945 = arith.constant 1 : i32
    %shift_right_arithmetic3A_946 = vector.broadcast %shift_right_arithmetic3A_945 : i32 to vector<16xi32>
    %shift_right_arithmetic3A_947 = arith.shrsi %bitcast3A_944, %shift_right_arithmetic3A_946 : vector<16xi32>
    %sub3A_948 = arith.constant 1597463007 : i32
    %sub3A_949 = vector.broadcast %sub3A_948 : i32 to vector<16xi32>
    %sub3A_950 = arith.subi %sub3A_949, %shift_right_arithmetic3A_947 : vector<16xi32>
    %bitcast3A_951 = vector.bitcast %sub3A_950 : vector<16xi32> to vector<16xf32>
    %mul3A_952 = arith.constant 5.000000e-01 : f32
    %mul3A_953 = vector.broadcast %mul3A_952 : f32 to vector<16xf32>
    %mul3A_954 = arith.mulf %mul3A_953, %add3A_943 : vector<16xf32>
    %mul3A_955 = arith.mulf %mul3A_954, %bitcast3A_951 : vector<16xf32>
    %mul3A_956 = arith.mulf %mul3A_955, %bitcast3A_951 : vector<16xf32>
    %sub3A_957 = arith.constant 1.500000e+00 : f32
    %sub3A_958 = vector.broadcast %sub3A_957 : f32 to vector<16xf32>
    %sub3A_959 = arith.subf %sub3A_958, %mul3A_956 : vector<16xf32>
    %mul3A_960 = arith.mulf %bitcast3A_951, %sub3A_959 : vector<16xf32>
    %mul3A_961 = arith.constant 5.000000e-01 : f32
    %mul3A_962 = vector.broadcast %mul3A_961 : f32 to vector<16xf32>
    %mul3A_963 = arith.mulf %mul3A_962, %add3A_943 : vector<16xf32>
    %mul3A_964 = arith.mulf %mul3A_963, %mul3A_960 : vector<16xf32>
    %mul3A_965 = arith.mulf %mul3A_964, %mul3A_960 : vector<16xf32>
    %sub3A_966 = arith.constant 1.500000e+00 : f32
    %sub3A_967 = vector.broadcast %sub3A_966 : f32 to vector<16xf32>
    %sub3A_968 = arith.subf %sub3A_967, %mul3A_965 : vector<16xf32>
    %mul3A_969 = arith.mulf %mul3A_960, %sub3A_968 : vector<16xf32>
    %mul3A_970 = arith.constant 5.000000e-01 : f32
    %mul3A_971 = vector.broadcast %mul3A_970 : f32 to vector<16xf32>
    %mul3A_972 = arith.mulf %mul3A_971, %add3A_943 : vector<16xf32>
    %mul3A_973 = arith.mulf %mul3A_972, %mul3A_969 : vector<16xf32>
    %mul3A_974 = arith.mulf %mul3A_973, %mul3A_969 : vector<16xf32>
    %sub3A_975 = arith.constant 1.500000e+00 : f32
    %sub3A_976 = vector.broadcast %sub3A_975 : f32 to vector<16xf32>
    %sub3A_977 = arith.subf %sub3A_976, %mul3A_974 : vector<16xf32>
    %mul3A_978 = arith.mulf %mul3A_969, %sub3A_977 : vector<16xf32>
    %swap3A_979 = arith.constant 352 : index
    %swap3A_980 = tpu.vector_load %arg15[%swap3A_979] {strides = array<i32>} : memref<640xf32, #tpu.memory_space<vmem>>, vector<16xf32>,
    tpu.vector_store %arg15[%swap3A_979], %mul3A_978 {strides = array<i32>} : memref<640xf32, #tpu.memory_space<vmem>>, vector<16xf32>,
    %get3A_981 = arith.constant 368 : index
    %get3A_982 = tpu.vector_load %arg14[%get3A_981] {strides = array<i32>} : memref<640xf32, #tpu.memory_space<vmem>>, vector<16xf32>,
    %add3A_983 = arith.constant 1.000000e+00 : f32
    %add3A_984 = vector.broadcast %add3A_983 : f32 to vector<16xf32>
    %add3A_985 = arith.addf %get3A_982, %add3A_984 : vector<16xf32>
    %bitcast3A_986 = vector.bitcast %add3A_985 : vector<16xf32> to vector<16xi32>
    %shift_right_arithmetic3A_987 = arith.constant 1 : i32
    %shift_right_arithmetic3A_988 = vector.broadcast %shift_right_arithmetic3A_987 : i32 to vector<16xi32>
    %shift_right_arithmetic3A_989 = arith.shrsi %bitcast3A_986, %shift_right_arithmetic3A_988 : vector<16xi32>
    %sub3A_990 = arith.constant 1597463007 : i32
    %sub3A_991 = vector.broadcast %sub3A_990 : i32 to vector<16xi32>
    %sub3A_992 = arith.subi %sub3A_991, %shift_right_arithmetic3A_989 : vector<16xi32>
    %bitcast3A_993 = vector.bitcast %sub3A_992 : vector<16xi32> to vector<16xf32>
    %mul3A_994 = arith.constant 5.000000e-01 : f32
    %mul3A_995 = vector.broadcast %mul3A_994 : f32 to vector<16xf32>
    %mul3A_996 = arith.mulf %mul3A_995, %add3A_985 : vector<16xf32>
    %mul3A_997 = arith.mulf %mul3A_996, %bitcast3A_993 : vector<16xf32>
    %mul3A_998 = arith.mulf %mul3A_997, %bitcast3A_993 : vector<16xf32>
    %sub3A_999 = arith.constant 1.500000e+00 : f32
    %sub3A_1000 = vector.broadcast %sub3A_999 : f32 to vector<16xf32>
    %sub3A_1001 = arith.subf %sub3A_1000, %mul3A_998 : vector<16xf32>
    %mul3A_1002 = arith.mulf %bitcast3A_993, %sub3A_1001 : vector<16xf32>
    %mul3A_1003 = arith.constant 5.000000e-01 : f32
    %mul3A_1004 = vector.broadcast %mul3A_1003 : f32 to vector<16xf32>
    %mul3A_1005 = arith.mulf %mul3A_1004, %add3A_985 : vector<16xf32>
    %mul3A_1006 = arith.mulf %mul3A_1005, %mul3A_1002 : vector<16xf32>
    %mul3A_1007 = arith.mulf %mul3A_1006, %mul3A_1002 : vector<16xf32>
    %sub3A_1008 = arith.constant 1.500000e+00 : f32
    %sub3A_1009 = vector.broadcast %sub3A_1008 : f32 to vector<16xf32>
    %sub3A_1010 = arith.subf %sub3A_1009, %mul3A_1007 : vector<16xf32>
    %mul3A_1011 = arith.mulf %mul3A_1002, %sub3A_1010 : vector<16xf32>
    %mul3A_1012 = arith.constant 5.000000e-01 : f32
    %mul3A_1013 = vector.broadcast %mul3A_1012 : f32 to vector<16xf32>
    %mul3A_1014 = arith.mulf %mul3A_1013, %add3A_985 : vector<16xf32>
    %mul3A_1015 = arith.mulf %mul3A_1014, %mul3A_1011 : vector<16xf32>
    %mul3A_1016 = arith.mulf %mul3A_1015, %mul3A_1011 : vector<16xf32>
    %sub3A_1017 = arith.constant 1.500000e+00 : f32
    %sub3A_1018 = vector.broadcast %sub3A_1017 : f32 to vector<16xf32>
    %sub3A_1019 = arith.subf %sub3A_1018, %mul3A_1016 : vector<16xf32>
    %mul3A_1020 = arith.mulf %mul3A_1011, %sub3A_1019 : vector<16xf32>
    %swap3A_1021 = arith.constant 368 : index
    %swap3A_1022 = tpu.vector_load %arg15[%swap3A_1021] {strides = array<i32>} : memref<640xf32, #tpu.memory_space<vmem>>, vector<16xf32>,
    tpu.vector_store %arg15[%swap3A_1021], %mul3A_1020 {strides = array<i32>} : memref<640xf32, #tpu.memory_space<vmem>>, vector<16xf32>,
    %get3A_1023 = arith.constant 384 : index
    %get3A_1024 = tpu.vector_load %arg14[%get3A_1023] {strides = array<i32>} : memref<640xf32, #tpu.memory_space<vmem>>, vector<16xf32>,
    %add3A_1025 = arith.constant 1.000000e+00 : f32
    %add3A_1026 = vector.broadcast %add3A_1025 : f32 to vector<16xf32>
    %add3A_1027 = arith.addf %get3A_1024, %add3A_1026 : vector<16xf32>
    %bitcast3A_1028 = vector.bitcast %add3A_1027 : vector<16xf32> to vector<16xi32>
    %shift_right_arithmetic3A_1029 = arith.constant 1 : i32
    %shift_right_arithmetic3A_1030 = vector.broadcast %shift_right_arithmetic3A_1029 : i32 to vector<16xi32>
    %shift_right_arithmetic3A_1031 = arith.shrsi %bitcast3A_1028, %shift_right_arithmetic3A_1030 : vector<16xi32>
    %sub3A_1032 = arith.constant 1597463007 : i32
    %sub3A_1033 = vector.broadcast %sub3A_1032 : i32 to vector<16xi32>
    %sub3A_1034 = arith.subi %sub3A_1033, %shift_right_arithmetic3A_1031 : vector<16xi32>
    %bitcast3A_1035 = vector.bitcast %sub3A_1034 : vector<16xi32> to vector<16xf32>
    %mul3A_1036 = arith.constant 5.000000e-01 : f32
    %mul3A_1037 = vector.broadcast %mul3A_1036 : f32 to vector<16xf32>
    %mul3A_1038 = arith.mulf %mul3A_1037, %add3A_1027 : vector<16xf32>
    %mul3A_1039 = arith.mulf %mul3A_1038, %bitcast3A_1035 : vector<16xf32>
    %mul3A_1040 = arith.mulf %mul3A_1039, %bitcast3A_1035 : vector<16xf32>
    %sub3A_1041 = arith.constant 1.500000e+00 : f32
    %sub3A_1042 = vector.broadcast %sub3A_1041 : f32 to vector<16xf32>
    %sub3A_1043 = arith.subf %sub3A_1042, %mul3A_1040 : vector<16xf32>
    %mul3A_1044 = arith.mulf %bitcast3A_1035, %sub3A_1043 : vector<16xf32>
    %mul3A_1045 = arith.constant 5.000000e-01 : f32
    %mul3A_1046 = vector.broadcast %mul3A_1045 : f32 to vector<16xf32>
    %mul3A_1047 = arith.mulf %mul3A_1046, %add3A_1027 : vector<16xf32>
    %mul3A_1048 = arith.mulf %mul3A_1047, %mul3A_1044 : vector<16xf32>
    %mul3A_1049 = arith.mulf %mul3A_1048, %mul3A_1044 : vector<16xf32>
    %sub3A_1050 = arith.constant 1.500000e+00 : f32
    %sub3A_1051 = vector.broadcast %sub3A_1050 : f32 to vector<16xf32>
    %sub3A_1052 = arith.subf %sub3A_1051, %mul3A_1049 : vector<16xf32>
    %mul3A_1053 = arith.mulf %mul3A_1044, %sub3A_1052 : vector<16xf32>
    %mul3A_1054 = arith.constant 5.000000e-01 : f32
    %mul3A_1055 = vector.broadcast %mul3A_1054 : f32 to vector<16xf32>
    %mul3A_1056 = arith.mulf %mul3A_1055, %add3A_1027 : vector<16xf32>
    %mul3A_1057 = arith.mulf %mul3A_1056, %mul3A_1053 : vector<16xf32>
    %mul3A_1058 = arith.mulf %mul3A_1057, %mul3A_1053 : vector<16xf32>
    %sub3A_1059 = arith.constant 1.500000e+00 : f32
    %sub3A_1060 = vector.broadcast %sub3A_1059 : f32 to vector<16xf32>
    %sub3A_1061 = arith.subf %sub3A_1060, %mul3A_1058 : vector<16xf32>
    %mul3A_1062 = arith.mulf %mul3A_1053, %sub3A_1061 : vector<16xf32>
    %swap3A_1063 = arith.constant 384 : index
    %swap3A_1064 = tpu.vector_load %arg15[%swap3A_1063] {strides = array<i32>} : memref<640xf32, #tpu.memory_space<vmem>>, vector<16xf32>,
    tpu.vector_store %arg15[%swap3A_1063], %mul3A_1062 {strides = array<i32>} : memref<640xf32, #tpu.memory_space<vmem>>, vector<16xf32>,
    %get3A_1065 = arith.constant 400 : index
    %get3A_1066 = tpu.vector_load %arg14[%get3A_1065] {strides = array<i32>} : memref<640xf32, #tpu.memory_space<vmem>>, vector<16xf32>,
    %add3A_1067 = arith.constant 1.000000e+00 : f32
    %add3A_1068 = vector.broadcast %add3A_1067 : f32 to vector<16xf32>
    %add3A_1069 = arith.addf %get3A_1066, %add3A_1068 : vector<16xf32>
    %bitcast3A_1070 = vector.bitcast %add3A_1069 : vector<16xf32> to vector<16xi32>
    %shift_right_arithmetic3A_1071 = arith.constant 1 : i32
    %shift_right_arithmetic3A_1072 = vector.broadcast %shift_right_arithmetic3A_1071 : i32 to vector<16xi32>
    %shift_right_arithmetic3A_1073 = arith.shrsi %bitcast3A_1070, %shift_right_arithmetic3A_1072 : vector<16xi32>
    %sub3A_1074 = arith.constant 1597463007 : i32
    %sub3A_1075 = vector.broadcast %sub3A_1074 : i32 to vector<16xi32>
    %sub3A_1076 = arith.subi %sub3A_1075, %shift_right_arithmetic3A_1073 : vector<16xi32>
    %bitcast3A_1077 = vector.bitcast %sub3A_1076 : vector<16xi32> to vector<16xf32>
    %mul3A_1078 = arith.constant 5.000000e-01 : f32
    %mul3A_1079 = vector.broadcast %mul3A_1078 : f32 to vector<16xf32>
    %mul3A_1080 = arith.mulf %mul3A_1079, %add3A_1069 : vector<16xf32>
    %mul3A_1081 = arith.mulf %mul3A_1080, %bitcast3A_1077 : vector<16xf32>
    %mul3A_1082 = arith.mulf %mul3A_1081, %bitcast3A_1077 : vector<16xf32>
    %sub3A_1083 = arith.constant 1.500000e+00 : f32
    %sub3A_1084 = vector.broadcast %sub3A_1083 : f32 to vector<16xf32>
    %sub3A_1085 = arith.subf %sub3A_1084, %mul3A_1082 : vector<16xf32>
    %mul3A_1086 = arith.mulf %bitcast3A_1077, %sub3A_1085 : vector<16xf32>
    %mul3A_1087 = arith.constant 5.000000e-01 : f32
    %mul3A_1088 = vector.broadcast %mul3A_1087 : f32 to vector<16xf32>
    %mul3A_1089 = arith.mulf %mul3A_1088, %add3A_1069 : vector<16xf32>
    %mul3A_1090 = arith.mulf %mul3A_1089, %mul3A_1086 : vector<16xf32>
    %mul3A_1091 = arith.mulf %mul3A_1090, %mul3A_1086 : vector<16xf32>
    %sub3A_1092 = arith.constant 1.500000e+00 : f32
    %sub3A_1093 = vector.broadcast %sub3A_1092 : f32 to vector<16xf32>
    %sub3A_1094 = arith.subf %sub3A_1093, %mul3A_1091 : vector<16xf32>
    %mul3A_1095 = arith.mulf %mul3A_1086, %sub3A_1094 : vector<16xf32>
    %mul3A_1096 = arith.constant 5.000000e-01 : f32
    %mul3A_1097 = vector.broadcast %mul3A_1096 : f32 to vector<16xf32>
    %mul3A_1098 = arith.mulf %mul3A_1097, %add3A_1069 : vector<16xf32>
    %mul3A_1099 = arith.mulf %mul3A_1098, %mul3A_1095 : vector<16xf32>
    %mul3A_1100 = arith.mulf %mul3A_1099, %mul3A_1095 : vector<16xf32>
    %sub3A_1101 = arith.constant 1.500000e+00 : f32
    %sub3A_1102 = vector.broadcast %sub3A_1101 : f32 to vector<16xf32>
    %sub3A_1103 = arith.subf %sub3A_1102, %mul3A_1100 : vector<16xf32>
    %mul3A_1104 = arith.mulf %mul3A_1095, %sub3A_1103 : vector<16xf32>
    %swap3A_1105 = arith.constant 400 : index
    %swap3A_1106 = tpu.vector_load %arg15[%swap3A_1105] {strides = array<i32>} : memref<640xf32, #tpu.memory_space<vmem>>, vector<16xf32>,
    tpu.vector_store %arg15[%swap3A_1105], %mul3A_1104 {strides = array<i32>} : memref<640xf32, #tpu.memory_space<vmem>>, vector<16xf32>,
    %get3A_1107 = arith.constant 416 : index
    %get3A_1108 = tpu.vector_load %arg14[%get3A_1107] {strides = array<i32>} : memref<640xf32, #tpu.memory_space<vmem>>, vector<16xf32>,
    %add3A_1109 = arith.constant 1.000000e+00 : f32
    %add3A_1110 = vector.broadcast %add3A_1109 : f32 to vector<16xf32>
    %add3A_1111 = arith.addf %get3A_1108, %add3A_1110 : vector<16xf32>
    %bitcast3A_1112 = vector.bitcast %add3A_1111 : vector<16xf32> to vector<16xi32>
    %shift_right_arithmetic3A_1113 = arith.constant 1 : i32
    %shift_right_arithmetic3A_1114 = vector.broadcast %shift_right_arithmetic3A_1113 : i32 to vector<16xi32>
    %shift_right_arithmetic3A_1115 = arith.shrsi %bitcast3A_1112, %shift_right_arithmetic3A_1114 : vector<16xi32>
    %sub3A_1116 = arith.constant 1597463007 : i32
    %sub3A_1117 = vector.broadcast %sub3A_1116 : i32 to vector<16xi32>
    %sub3A_1118 = arith.subi %sub3A_1117, %shift_right_arithmetic3A_1115 : vector<16xi32>
    %bitcast3A_1119 = vector.bitcast %sub3A_1118 : vector<16xi32> to vector<16xf32>
    %mul3A_1120 = arith.constant 5.000000e-01 : f32
    %mul3A_1121 = vector.broadcast %mul3A_1120 : f32 to vector<16xf32>
    %mul3A_1122 = arith.mulf %mul3A_1121, %add3A_1111 : vector<16xf32>
    %mul3A_1123 = arith.mulf %mul3A_1122, %bitcast3A_1119 : vector<16xf32>
    %mul3A_1124 = arith.mulf %mul3A_1123, %bitcast3A_1119 : vector<16xf32>
    %sub3A_1125 = arith.constant 1.500000e+00 : f32
    %sub3A_1126 = vector.broadcast %sub3A_1125 : f32 to vector<16xf32>
    %sub3A_1127 = arith.subf %sub3A_1126, %mul3A_1124 : vector<16xf32>
    %mul3A_1128 = arith.mulf %bitcast3A_1119, %sub3A_1127 : vector<16xf32>
    %mul3A_1129 = arith.constant 5.000000e-01 : f32
    %mul3A_1130 = vector.broadcast %mul3A_1129 : f32 to vector<16xf32>
    %mul3A_1131 = arith.mulf %mul3A_1130, %add3A_1111 : vector<16xf32>
    %mul3A_1132 = arith.mulf %mul3A_1131, %mul3A_1128 : vector<16xf32>
    %mul3A_1133 = arith.mulf %mul3A_1132, %mul3A_1128 : vector<16xf32>
    %sub3A_1134 = arith.constant 1.500000e+00 : f32
    %sub3A_1135 = vector.broadcast %sub3A_1134 : f32 to vector<16xf32>
    %sub3A_1136 = arith.subf %sub3A_1135, %mul3A_1133 : vector<16xf32>
    %mul3A_1137 = arith.mulf %mul3A_1128, %sub3A_1136 : vector<16xf32>
    %mul3A_1138 = arith.constant 5.000000e-01 : f32
    %mul3A_1139 = vector.broadcast %mul3A_1138 : f32 to vector<16xf32>
    %mul3A_1140 = arith.mulf %mul3A_1139, %add3A_1111 : vector<16xf32>
    %mul3A_1141 = arith.mulf %mul3A_1140, %mul3A_1137 : vector<16xf32>
    %mul3A_1142 = arith.mulf %mul3A_1141, %mul3A_1137 : vector<16xf32>
    %sub3A_1143 = arith.constant 1.500000e+00 : f32
    %sub3A_1144 = vector.broadcast %sub3A_1143 : f32 to vector<16xf32>
    %sub3A_1145 = arith.subf %sub3A_1144, %mul3A_1142 : vector<16xf32>
    %mul3A_1146 = arith.mulf %mul3A_1137, %sub3A_1145 : vector<16xf32>
    %swap3A_1147 = arith.constant 416 : index
    %swap3A_1148 = tpu.vector_load %arg15[%swap3A_1147] {strides = array<i32>} : memref<640xf32, #tpu.memory_space<vmem>>, vector<16xf32>,
    tpu.vector_store %arg15[%swap3A_1147], %mul3A_1146 {strides = array<i32>} : memref<640xf32, #tpu.memory_space<vmem>>, vector<16xf32>,
    %get3A_1149 = arith.constant 432 : index
    %get3A_1150 = tpu.vector_load %arg14[%get3A_1149] {strides = array<i32>} : memref<640xf32, #tpu.memory_space<vmem>>, vector<16xf32>,
    %add3A_1151 = arith.constant 1.000000e+00 : f32
    %add3A_1152 = vector.broadcast %add3A_1151 : f32 to vector<16xf32>
    %add3A_1153 = arith.addf %get3A_1150, %add3A_1152 : vector<16xf32>
    %bitcast3A_1154 = vector.bitcast %add3A_1153 : vector<16xf32> to vector<16xi32>
    %shift_right_arithmetic3A_1155 = arith.constant 1 : i32
    %shift_right_arithmetic3A_1156 = vector.broadcast %shift_right_arithmetic3A_1155 : i32 to vector<16xi32>
    %shift_right_arithmetic3A_1157 = arith.shrsi %bitcast3A_1154, %shift_right_arithmetic3A_1156 : vector<16xi32>
    %sub3A_1158 = arith.constant 1597463007 : i32
    %sub3A_1159 = vector.broadcast %sub3A_1158 : i32 to vector<16xi32>
    %sub3A_1160 = arith.subi %sub3A_1159, %shift_right_arithmetic3A_1157 : vector<16xi32>
    %bitcast3A_1161 = vector.bitcast %sub3A_1160 : vector<16xi32> to vector<16xf32>
    %mul3A_1162 = arith.constant 5.000000e-01 : f32
    %mul3A_1163 = vector.broadcast %mul3A_1162 : f32 to vector<16xf32>
    %mul3A_1164 = arith.mulf %mul3A_1163, %add3A_1153 : vector<16xf32>
    %mul3A_1165 = arith.mulf %mul3A_1164, %bitcast3A_1161 : vector<16xf32>
    %mul3A_1166 = arith.mulf %mul3A_1165, %bitcast3A_1161 : vector<16xf32>
    %sub3A_1167 = arith.constant 1.500000e+00 : f32
    %sub3A_1168 = vector.broadcast %sub3A_1167 : f32 to vector<16xf32>
    %sub3A_1169 = arith.subf %sub3A_1168, %mul3A_1166 : vector<16xf32>
    %mul3A_1170 = arith.mulf %bitcast3A_1161, %sub3A_1169 : vector<16xf32>
    %mul3A_1171 = arith.constant 5.000000e-01 : f32
    %mul3A_1172 = vector.broadcast %mul3A_1171 : f32 to vector<16xf32>
    %mul3A_1173 = arith.mulf %mul3A_1172, %add3A_1153 : vector<16xf32>
    %mul3A_1174 = arith.mulf %mul3A_1173, %mul3A_1170 : vector<16xf32>
    %mul3A_1175 = arith.mulf %mul3A_1174, %mul3A_1170 : vector<16xf32>
    %sub3A_1176 = arith.constant 1.500000e+00 : f32
    %sub3A_1177 = vector.broadcast %sub3A_1176 : f32 to vector<16xf32>
    %sub3A_1178 = arith.subf %sub3A_1177, %mul3A_1175 : vector<16xf32>
    %mul3A_1179 = arith.mulf %mul3A_1170, %sub3A_1178 : vector<16xf32>
    %mul3A_1180 = arith.constant 5.000000e-01 : f32
    %mul3A_1181 = vector.broadcast %mul3A_1180 : f32 to vector<16xf32>
    %mul3A_1182 = arith.mulf %mul3A_1181, %add3A_1153 : vector<16xf32>
    %mul3A_1183 = arith.mulf %mul3A_1182, %mul3A_1179 : vector<16xf32>
    %mul3A_1184 = arith.mulf %mul3A_1183, %mul3A_1179 : vector<16xf32>
    %sub3A_1185 = arith.constant 1.500000e+00 : f32
    %sub3A_1186 = vector.broadcast %sub3A_1185 : f32 to vector<16xf32>
    %sub3A_1187 = arith.subf %sub3A_1186, %mul3A_1184 : vector<16xf32>
    %mul3A_1188 = arith.mulf %mul3A_1179, %sub3A_1187 : vector<16xf32>
    %swap3A_1189 = arith.constant 432 : index
    %swap3A_1190 = tpu.vector_load %arg15[%swap3A_1189] {strides = array<i32>} : memref<640xf32, #tpu.memory_space<vmem>>, vector<16xf32>,
    tpu.vector_store %arg15[%swap3A_1189], %mul3A_1188 {strides = array<i32>} : memref<640xf32, #tpu.memory_space<vmem>>, vector<16xf32>,
    %get3A_1191 = arith.constant 448 : index
    %get3A_1192 = tpu.vector_load %arg14[%get3A_1191] {strides = array<i32>} : memref<640xf32, #tpu.memory_space<vmem>>, vector<16xf32>,
    %add3A_1193 = arith.constant 1.000000e+00 : f32
    %add3A_1194 = vector.broadcast %add3A_1193 : f32 to vector<16xf32>
    %add3A_1195 = arith.addf %get3A_1192, %add3A_1194 : vector<16xf32>
    %bitcast3A_1196 = vector.bitcast %add3A_1195 : vector<16xf32> to vector<16xi32>
    %shift_right_arithmetic3A_1197 = arith.constant 1 : i32
    %shift_right_arithmetic3A_1198 = vector.broadcast %shift_right_arithmetic3A_1197 : i32 to vector<16xi32>
    %shift_right_arithmetic3A_1199 = arith.shrsi %bitcast3A_1196, %shift_right_arithmetic3A_1198 : vector<16xi32>
    %sub3A_1200 = arith.constant 1597463007 : i32
    %sub3A_1201 = vector.broadcast %sub3A_1200 : i32 to vector<16xi32>
    %sub3A_1202 = arith.subi %sub3A_1201, %shift_right_arithmetic3A_1199 : vector<16xi32>
    %bitcast3A_1203 = vector.bitcast %sub3A_1202 : vector<16xi32> to vector<16xf32>
    %mul3A_1204 = arith.constant 5.000000e-01 : f32
    %mul3A_1205 = vector.broadcast %mul3A_1204 : f32 to vector<16xf32>
    %mul3A_1206 = arith.mulf %mul3A_1205, %add3A_1195 : vector<16xf32>
    %mul3A_1207 = arith.mulf %mul3A_1206, %bitcast3A_1203 : vector<16xf32>
    %mul3A_1208 = arith.mulf %mul3A_1207, %bitcast3A_1203 : vector<16xf32>
    %sub3A_1209 = arith.constant 1.500000e+00 : f32
    %sub3A_1210 = vector.broadcast %sub3A_1209 : f32 to vector<16xf32>
    %sub3A_1211 = arith.subf %sub3A_1210, %mul3A_1208 : vector<16xf32>
    %mul3A_1212 = arith.mulf %bitcast3A_1203, %sub3A_1211 : vector<16xf32>
    %mul3A_1213 = arith.constant 5.000000e-01 : f32
    %mul3A_1214 = vector.broadcast %mul3A_1213 : f32 to vector<16xf32>
    %mul3A_1215 = arith.mulf %mul3A_1214, %add3A_1195 : vector<16xf32>
    %mul3A_1216 = arith.mulf %mul3A_1215, %mul3A_1212 : vector<16xf32>
    %mul3A_1217 = arith.mulf %mul3A_1216, %mul3A_1212 : vector<16xf32>
    %sub3A_1218 = arith.constant 1.500000e+00 : f32
    %sub3A_1219 = vector.broadcast %sub3A_1218 : f32 to vector<16xf32>
    %sub3A_1220 = arith.subf %sub3A_1219, %mul3A_1217 : vector<16xf32>
    %mul3A_1221 = arith.mulf %mul3A_1212, %sub3A_1220 : vector<16xf32>
    %mul3A_1222 = arith.constant 5.000000e-01 : f32
    %mul3A_1223 = vector.broadcast %mul3A_1222 : f32 to vector<16xf32>
    %mul3A_1224 = arith.mulf %mul3A_1223, %add3A_1195 : vector<16xf32>
    %mul3A_1225 = arith.mulf %mul3A_1224, %mul3A_1221 : vector<16xf32>
    %mul3A_1226 = arith.mulf %mul3A_1225, %mul3A_1221 : vector<16xf32>
    %sub3A_1227 = arith.constant 1.500000e+00 : f32
    %sub3A_1228 = vector.broadcast %sub3A_1227 : f32 to vector<16xf32>
    %sub3A_1229 = arith.subf %sub3A_1228, %mul3A_1226 : vector<16xf32>
    %mul3A_1230 = arith.mulf %mul3A_1221, %sub3A_1229 : vector<16xf32>
    %swap3A_1231 = arith.constant 448 : index
    %swap3A_1232 = tpu.vector_load %arg15[%swap3A_1231] {strides = array<i32>} : memref<640xf32, #tpu.memory_space<vmem>>, vector<16xf32>,
    tpu.vector_store %arg15[%swap3A_1231], %mul3A_1230 {strides = array<i32>} : memref<640xf32, #tpu.memory_space<vmem>>, vector<16xf32>,
    %get3A_1233 = arith.constant 464 : index
    %get3A_1234 = tpu.vector_load %arg14[%get3A_1233] {strides = array<i32>} : memref<640xf32, #tpu.memory_space<vmem>>, vector<16xf32>,
    %add3A_1235 = arith.constant 1.000000e+00 : f32
    %add3A_1236 = vector.broadcast %add3A_1235 : f32 to vector<16xf32>
    %add3A_1237 = arith.addf %get3A_1234, %add3A_1236 : vector<16xf32>
    %bitcast3A_1238 = vector.bitcast %add3A_1237 : vector<16xf32> to vector<16xi32>
    %shift_right_arithmetic3A_1239 = arith.constant 1 : i32
    %shift_right_arithmetic3A_1240 = vector.broadcast %shift_right_arithmetic3A_1239 : i32 to vector<16xi32>
    %shift_right_arithmetic3A_1241 = arith.shrsi %bitcast3A_1238, %shift_right_arithmetic3A_1240 : vector<16xi32>
    %sub3A_1242 = arith.constant 1597463007 : i32
    %sub3A_1243 = vector.broadcast %sub3A_1242 : i32 to vector<16xi32>
    %sub3A_1244 = arith.subi %sub3A_1243, %shift_right_arithmetic3A_1241 : vector<16xi32>
    %bitcast3A_1245 = vector.bitcast %sub3A_1244 : vector<16xi32> to vector<16xf32>
    %mul3A_1246 = arith.constant 5.000000e-01 : f32
    %mul3A_1247 = vector.broadcast %mul3A_1246 : f32 to vector<16xf32>
    %mul3A_1248 = arith.mulf %mul3A_1247, %add3A_1237 : vector<16xf32>
    %mul3A_1249 = arith.mulf %mul3A_1248, %bitcast3A_1245 : vector<16xf32>
    %mul3A_1250 = arith.mulf %mul3A_1249, %bitcast3A_1245 : vector<16xf32>
    %sub3A_1251 = arith.constant 1.500000e+00 : f32
    %sub3A_1252 = vector.broadcast %sub3A_1251 : f32 to vector<16xf32>
    %sub3A_1253 = arith.subf %sub3A_1252, %mul3A_1250 : vector<16xf32>
    %mul3A_1254 = arith.mulf %bitcast3A_1245, %sub3A_1253 : vector<16xf32>
    %mul3A_1255 = arith.constant 5.000000e-01 : f32
    %mul3A_1256 = vector.broadcast %mul3A_1255 : f32 to vector<16xf32>
    %mul3A_1257 = arith.mulf %mul3A_1256, %add3A_1237 : vector<16xf32>
    %mul3A_1258 = arith.mulf %mul3A_1257, %mul3A_1254 : vector<16xf32>
    %mul3A_1259 = arith.mulf %mul3A_1258, %mul3A_1254 : vector<16xf32>
    %sub3A_1260 = arith.constant 1.500000e+00 : f32
    %sub3A_1261 = vector.broadcast %sub3A_1260 : f32 to vector<16xf32>
    %sub3A_1262 = arith.subf %sub3A_1261, %mul3A_1259 : vector<16xf32>
    %mul3A_1263 = arith.mulf %mul3A_1254, %sub3A_1262 : vector<16xf32>
    %mul3A_1264 = arith.constant 5.000000e-01 : f32
    %mul3A_1265 = vector.broadcast %mul3A_1264 : f32 to vector<16xf32>
    %mul3A_1266 = arith.mulf %mul3A_1265, %add3A_1237 : vector<16xf32>
    %mul3A_1267 = arith.mulf %mul3A_1266, %mul3A_1263 : vector<16xf32>
    %mul3A_1268 = arith.mulf %mul3A_1267, %mul3A_1263 : vector<16xf32>
    %sub3A_1269 = arith.constant 1.500000e+00 : f32
    %sub3A_1270 = vector.broadcast %sub3A_1269 : f32 to vector<16xf32>
    %sub3A_1271 = arith.subf %sub3A_1270, %mul3A_1268 : vector<16xf32>
    %mul3A_1272 = arith.mulf %mul3A_1263, %sub3A_1271 : vector<16xf32>
    %swap3A_1273 = arith.constant 464 : index
    %swap3A_1274 = tpu.vector_load %arg15[%swap3A_1273] {strides = array<i32>} : memref<640xf32, #tpu.memory_space<vmem>>, vector<16xf32>,
    tpu.vector_store %arg15[%swap3A_1273], %mul3A_1272 {strides = array<i32>} : memref<640xf32, #tpu.memory_space<vmem>>, vector<16xf32>,
    %get3A_1275 = arith.constant 480 : index
    %get3A_1276 = tpu.vector_load %arg14[%get3A_1275] {strides = array<i32>} : memref<640xf32, #tpu.memory_space<vmem>>, vector<16xf32>,
    %add3A_1277 = arith.constant 1.000000e+00 : f32
    %add3A_1278 = vector.broadcast %add3A_1277 : f32 to vector<16xf32>
    %add3A_1279 = arith.addf %get3A_1276, %add3A_1278 : vector<16xf32>
    %bitcast3A_1280 = vector.bitcast %add3A_1279 : vector<16xf32> to vector<16xi32>
    %shift_right_arithmetic3A_1281 = arith.constant 1 : i32
    %shift_right_arithmetic3A_1282 = vector.broadcast %shift_right_arithmetic3A_1281 : i32 to vector<16xi32>
    %shift_right_arithmetic3A_1283 = arith.shrsi %bitcast3A_1280, %shift_right_arithmetic3A_1282 : vector<16xi32>
    %sub3A_1284 = arith.constant 1597463007 : i32
    %sub3A_1285 = vector.broadcast %sub3A_1284 : i32 to vector<16xi32>
    %sub3A_1286 = arith.subi %sub3A_1285, %shift_right_arithmetic3A_1283 : vector<16xi32>
    %bitcast3A_1287 = vector.bitcast %sub3A_1286 : vector<16xi32> to vector<16xf32>
    %mul3A_1288 = arith.constant 5.000000e-01 : f32
    %mul3A_1289 = vector.broadcast %mul3A_1288 : f32 to vector<16xf32>
    %mul3A_1290 = arith.mulf %mul3A_1289, %add3A_1279 : vector<16xf32>
    %mul3A_1291 = arith.mulf %mul3A_1290, %bitcast3A_1287 : vector<16xf32>
    %mul3A_1292 = arith.mulf %mul3A_1291, %bitcast3A_1287 : vector<16xf32>
    %sub3A_1293 = arith.constant 1.500000e+00 : f32
    %sub3A_1294 = vector.broadcast %sub3A_1293 : f32 to vector<16xf32>
    %sub3A_1295 = arith.subf %sub3A_1294, %mul3A_1292 : vector<16xf32>
    %mul3A_1296 = arith.mulf %bitcast3A_1287, %sub3A_1295 : vector<16xf32>
    %mul3A_1297 = arith.constant 5.000000e-01 : f32
    %mul3A_1298 = vector.broadcast %mul3A_1297 : f32 to vector<16xf32>
    %mul3A_1299 = arith.mulf %mul3A_1298, %add3A_1279 : vector<16xf32>
    %mul3A_1300 = arith.mulf %mul3A_1299, %mul3A_1296 : vector<16xf32>
    %mul3A_1301 = arith.mulf %mul3A_1300, %mul3A_1296 : vector<16xf32>
    %sub3A_1302 = arith.constant 1.500000e+00 : f32
    %sub3A_1303 = vector.broadcast %sub3A_1302 : f32 to vector<16xf32>
    %sub3A_1304 = arith.subf %sub3A_1303, %mul3A_1301 : vector<16xf32>
    %mul3A_1305 = arith.mulf %mul3A_1296, %sub3A_1304 : vector<16xf32>
    %mul3A_1306 = arith.constant 5.000000e-01 : f32
    %mul3A_1307 = vector.broadcast %mul3A_1306 : f32 to vector<16xf32>
    %mul3A_1308 = arith.mulf %mul3A_1307, %add3A_1279 : vector<16xf32>
    %mul3A_1309 = arith.mulf %mul3A_1308, %mul3A_1305 : vector<16xf32>
    %mul3A_1310 = arith.mulf %mul3A_1309, %mul3A_1305 : vector<16xf32>
    %sub3A_1311 = arith.constant 1.500000e+00 : f32
    %sub3A_1312 = vector.broadcast %sub3A_1311 : f32 to vector<16xf32>
    %sub3A_1313 = arith.subf %sub3A_1312, %mul3A_1310 : vector<16xf32>
    %mul3A_1314 = arith.mulf %mul3A_1305, %sub3A_1313 : vector<16xf32>
    %swap3A_1315 = arith.constant 480 : index
    %swap3A_1316 = tpu.vector_load %arg15[%swap3A_1315] {strides = array<i32>} : memref<640xf32, #tpu.memory_space<vmem>>, vector<16xf32>,
    tpu.vector_store %arg15[%swap3A_1315], %mul3A_1314 {strides = array<i32>} : memref<640xf32, #tpu.memory_space<vmem>>, vector<16xf32>,
    %get3A_1317 = arith.constant 496 : index
    %get3A_1318 = tpu.vector_load %arg14[%get3A_1317] {strides = array<i32>} : memref<640xf32, #tpu.memory_space<vmem>>, vector<16xf32>,
    %add3A_1319 = arith.constant 1.000000e+00 : f32
    %add3A_1320 = vector.broadcast %add3A_1319 : f32 to vector<16xf32>
    %add3A_1321 = arith.addf %get3A_1318, %add3A_1320 : vector<16xf32>
    %bitcast3A_1322 = vector.bitcast %add3A_1321 : vector<16xf32> to vector<16xi32>
    %shift_right_arithmetic3A_1323 = arith.constant 1 : i32
    %shift_right_arithmetic3A_1324 = vector.broadcast %shift_right_arithmetic3A_1323 : i32 to vector<16xi32>
    %shift_right_arithmetic3A_1325 = arith.shrsi %bitcast3A_1322, %shift_right_arithmetic3A_1324 : vector<16xi32>
    %sub3A_1326 = arith.constant 1597463007 : i32
    %sub3A_1327 = vector.broadcast %sub3A_1326 : i32 to vector<16xi32>
    %sub3A_1328 = arith.subi %sub3A_1327, %shift_right_arithmetic3A_1325 : vector<16xi32>
    %bitcast3A_1329 = vector.bitcast %sub3A_1328 : vector<16xi32> to vector<16xf32>
    %mul3A_1330 = arith.constant 5.000000e-01 : f32
    %mul3A_1331 = vector.broadcast %mul3A_1330 : f32 to vector<16xf32>
    %mul3A_1332 = arith.mulf %mul3A_1331, %add3A_1321 : vector<16xf32>
    %mul3A_1333 = arith.mulf %mul3A_1332, %bitcast3A_1329 : vector<16xf32>
    %mul3A_1334 = arith.mulf %mul3A_1333, %bitcast3A_1329 : vector<16xf32>
    %sub3A_1335 = arith.constant 1.500000e+00 : f32
    %sub3A_1336 = vector.broadcast %sub3A_1335 : f32 to vector<16xf32>
    %sub3A_1337 = arith.subf %sub3A_1336, %mul3A_1334 : vector<16xf32>
    %mul3A_1338 = arith.mulf %bitcast3A_1329, %sub3A_1337 : vector<16xf32>
    %mul3A_1339 = arith.constant 5.000000e-01 : f32
    %mul3A_1340 = vector.broadcast %mul3A_1339 : f32 to vector<16xf32>
    %mul3A_1341 = arith.mulf %mul3A_1340, %add3A_1321 : vector<16xf32>
    %mul3A_1342 = arith.mulf %mul3A_1341, %mul3A_1338 : vector<16xf32>
    %mul3A_1343 = arith.mulf %mul3A_1342, %mul3A_1338 : vector<16xf32>
    %sub3A_1344 = arith.constant 1.500000e+00 : f32
    %sub3A_1345 = vector.broadcast %sub3A_1344 : f32 to vector<16xf32>
    %sub3A_1346 = arith.subf %sub3A_1345, %mul3A_1343 : vector<16xf32>
    %mul3A_1347 = arith.mulf %mul3A_1338, %sub3A_1346 : vector<16xf32>
    %mul3A_1348 = arith.constant 5.000000e-01 : f32
    %mul3A_1349 = vector.broadcast %mul3A_1348 : f32 to vector<16xf32>
    %mul3A_1350 = arith.mulf %mul3A_1349, %add3A_1321 : vector<16xf32>
    %mul3A_1351 = arith.mulf %mul3A_1350, %mul3A_1347 : vector<16xf32>
    %mul3A_1352 = arith.mulf %mul3A_1351, %mul3A_1347 : vector<16xf32>
    %sub3A_1353 = arith.constant 1.500000e+00 : f32
    %sub3A_1354 = vector.broadcast %sub3A_1353 : f32 to vector<16xf32>
    %sub3A_1355 = arith.subf %sub3A_1354, %mul3A_1352 : vector<16xf32>
    %mul3A_1356 = arith.mulf %mul3A_1347, %sub3A_1355 : vector<16xf32>
    %swap3A_1357 = arith.constant 496 : index
    %swap3A_1358 = tpu.vector_load %arg15[%swap3A_1357] {strides = array<i32>} : memref<640xf32, #tpu.memory_space<vmem>>, vector<16xf32>,
    tpu.vector_store %arg15[%swap3A_1357], %mul3A_1356 {strides = array<i32>} : memref<640xf32, #tpu.memory_space<vmem>>, vector<16xf32>,
    %get3A_1359 = arith.constant 512 : index
    %get3A_1360 = tpu.vector_load %arg14[%get3A_1359] {strides = array<i32>} : memref<640xf32, #tpu.memory_space<vmem>>, vector<16xf32>,
    %add3A_1361 = arith.constant 1.000000e+00 : f32
    %add3A_1362 = vector.broadcast %add3A_1361 : f32 to vector<16xf32>
    %add3A_1363 = arith.addf %get3A_1360, %add3A_1362 : vector<16xf32>
    %bitcast3A_1364 = vector.bitcast %add3A_1363 : vector<16xf32> to vector<16xi32>
    %shift_right_arithmetic3A_1365 = arith.constant 1 : i32
    %shift_right_arithmetic3A_1366 = vector.broadcast %shift_right_arithmetic3A_1365 : i32 to vector<16xi32>
    %shift_right_arithmetic3A_1367 = arith.shrsi %bitcast3A_1364, %shift_right_arithmetic3A_1366 : vector<16xi32>
    %sub3A_1368 = arith.constant 1597463007 : i32
    %sub3A_1369 = vector.broadcast %sub3A_1368 : i32 to vector<16xi32>
    %sub3A_1370 = arith.subi %sub3A_1369, %shift_right_arithmetic3A_1367 : vector<16xi32>
    %bitcast3A_1371 = vector.bitcast %sub3A_1370 : vector<16xi32> to vector<16xf32>
    %mul3A_1372 = arith.constant 5.000000e-01 : f32
    %mul3A_1373 = vector.broadcast %mul3A_1372 : f32 to vector<16xf32>
    %mul3A_1374 = arith.mulf %mul3A_1373, %add3A_1363 : vector<16xf32>
    %mul3A_1375 = arith.mulf %mul3A_1374, %bitcast3A_1371 : vector<16xf32>
    %mul3A_1376 = arith.mulf %mul3A_1375, %bitcast3A_1371 : vector<16xf32>
    %sub3A_1377 = arith.constant 1.500000e+00 : f32
    %sub3A_1378 = vector.broadcast %sub3A_1377 : f32 to vector<16xf32>
    %sub3A_1379 = arith.subf %sub3A_1378, %mul3A_1376 : vector<16xf32>
    %mul3A_1380 = arith.mulf %bitcast3A_1371, %sub3A_1379 : vector<16xf32>
    %mul3A_1381 = arith.constant 5.000000e-01 : f32
    %mul3A_1382 = vector.broadcast %mul3A_1381 : f32 to vector<16xf32>
    %mul3A_1383 = arith.mulf %mul3A_1382, %add3A_1363 : vector<16xf32>
    %mul3A_1384 = arith.mulf %mul3A_1383, %mul3A_1380 : vector<16xf32>
    %mul3A_1385 = arith.mulf %mul3A_1384, %mul3A_1380 : vector<16xf32>
    %sub3A_1386 = arith.constant 1.500000e+00 : f32
    %sub3A_1387 = vector.broadcast %sub3A_1386 : f32 to vector<16xf32>
    %sub3A_1388 = arith.subf %sub3A_1387, %mul3A_1385 : vector<16xf32>
    %mul3A_1389 = arith.mulf %mul3A_1380, %sub3A_1388 : vector<16xf32>
    %mul3A_1390 = arith.constant 5.000000e-01 : f32
    %mul3A_1391 = vector.broadcast %mul3A_1390 : f32 to vector<16xf32>
    %mul3A_1392 = arith.mulf %mul3A_1391, %add3A_1363 : vector<16xf32>
    %mul3A_1393 = arith.mulf %mul3A_1392, %mul3A_1389 : vector<16xf32>
    %mul3A_1394 = arith.mulf %mul3A_1393, %mul3A_1389 : vector<16xf32>
    %sub3A_1395 = arith.constant 1.500000e+00 : f32
    %sub3A_1396 = vector.broadcast %sub3A_1395 : f32 to vector<16xf32>
    %sub3A_1397 = arith.subf %sub3A_1396, %mul3A_1394 : vector<16xf32>
    %mul3A_1398 = arith.mulf %mul3A_1389, %sub3A_1397 : vector<16xf32>
    %swap3A_1399 = arith.constant 512 : index
    %swap3A_1400 = tpu.vector_load %arg15[%swap3A_1399] {strides = array<i32>} : memref<640xf32, #tpu.memory_space<vmem>>, vector<16xf32>,
    tpu.vector_store %arg15[%swap3A_1399], %mul3A_1398 {strides = array<i32>} : memref<640xf32, #tpu.memory_space<vmem>>, vector<16xf32>,
    %get3A_1401 = arith.constant 528 : index
    %get3A_1402 = tpu.vector_load %arg14[%get3A_1401] {strides = array<i32>} : memref<640xf32, #tpu.memory_space<vmem>>, vector<16xf32>,
    %add3A_1403 = arith.constant 1.000000e+00 : f32
    %add3A_1404 = vector.broadcast %add3A_1403 : f32 to vector<16xf32>
    %add3A_1405 = arith.addf %get3A_1402, %add3A_1404 : vector<16xf32>
    %bitcast3A_1406 = vector.bitcast %add3A_1405 : vector<16xf32> to vector<16xi32>
    %shift_right_arithmetic3A_1407 = arith.constant 1 : i32
    %shift_right_arithmetic3A_1408 = vector.broadcast %shift_right_arithmetic3A_1407 : i32 to vector<16xi32>
    %shift_right_arithmetic3A_1409 = arith.shrsi %bitcast3A_1406, %shift_right_arithmetic3A_1408 : vector<16xi32>
    %sub3A_1410 = arith.constant 1597463007 : i32
    %sub3A_1411 = vector.broadcast %sub3A_1410 : i32 to vector<16xi32>
    %sub3A_1412 = arith.subi %sub3A_1411, %shift_right_arithmetic3A_1409 : vector<16xi32>
    %bitcast3A_1413 = vector.bitcast %sub3A_1412 : vector<16xi32> to vector<16xf32>
    %mul3A_1414 = arith.constant 5.000000e-01 : f32
    %mul3A_1415 = vector.broadcast %mul3A_1414 : f32 to vector<16xf32>
    %mul3A_1416 = arith.mulf %mul3A_1415, %add3A_1405 : vector<16xf32>
    %mul3A_1417 = arith.mulf %mul3A_1416, %bitcast3A_1413 : vector<16xf32>
    %mul3A_1418 = arith.mulf %mul3A_1417, %bitcast3A_1413 : vector<16xf32>
    %sub3A_1419 = arith.constant 1.500000e+00 : f32
    %sub3A_1420 = vector.broadcast %sub3A_1419 : f32 to vector<16xf32>
    %sub3A_1421 = arith.subf %sub3A_1420, %mul3A_1418 : vector<16xf32>
    %mul3A_1422 = arith.mulf %bitcast3A_1413, %sub3A_1421 : vector<16xf32>
    %mul3A_1423 = arith.constant 5.000000e-01 : f32
    %mul3A_1424 = vector.broadcast %mul3A_1423 : f32 to vector<16xf32>
    %mul3A_1425 = arith.mulf %mul3A_1424, %add3A_1405 : vector<16xf32>
    %mul3A_1426 = arith.mulf %mul3A_1425, %mul3A_1422 : vector<16xf32>
    %mul3A_1427 = arith.mulf %mul3A_1426, %mul3A_1422 : vector<16xf32>
    %sub3A_1428 = arith.constant 1.500000e+00 : f32
    %sub3A_1429 = vector.broadcast %sub3A_1428 : f32 to vector<16xf32>
    %sub3A_1430 = arith.subf %sub3A_1429, %mul3A_1427 : vector<16xf32>
    %mul3A_1431 = arith.mulf %mul3A_1422, %sub3A_1430 : vector<16xf32>
    %mul3A_1432 = arith.constant 5.000000e-01 : f32
    %mul3A_1433 = vector.broadcast %mul3A_1432 : f32 to vector<16xf32>
    %mul3A_1434 = arith.mulf %mul3A_1433, %add3A_1405 : vector<16xf32>
    %mul3A_1435 = arith.mulf %mul3A_1434, %mul3A_1431 : vector<16xf32>
    %mul3A_1436 = arith.mulf %mul3A_1435, %mul3A_1431 : vector<16xf32>
    %sub3A_1437 = arith.constant 1.500000e+00 : f32
    %sub3A_1438 = vector.broadcast %sub3A_1437 : f32 to vector<16xf32>
    %sub3A_1439 = arith.subf %sub3A_1438, %mul3A_1436 : vector<16xf32>
    %mul3A_1440 = arith.mulf %mul3A_1431, %sub3A_1439 : vector<16xf32>
    %swap3A_1441 = arith.constant 528 : index
    %swap3A_1442 = tpu.vector_load %arg15[%swap3A_1441] {strides = array<i32>} : memref<640xf32, #tpu.memory_space<vmem>>, vector<16xf32>,
    tpu.vector_store %arg15[%swap3A_1441], %mul3A_1440 {strides = array<i32>} : memref<640xf32, #tpu.memory_space<vmem>>, vector<16xf32>,
    %get3A_1443 = arith.constant 544 : index
    %get3A_1444 = tpu.vector_load %arg14[%get3A_1443] {strides = array<i32>} : memref<640xf32, #tpu.memory_space<vmem>>, vector<16xf32>,
    %add3A_1445 = arith.constant 1.000000e+00 : f32
    %add3A_1446 = vector.broadcast %add3A_1445 : f32 to vector<16xf32>
    %add3A_1447 = arith.addf %get3A_1444, %add3A_1446 : vector<16xf32>
    %bitcast3A_1448 = vector.bitcast %add3A_1447 : vector<16xf32> to vector<16xi32>
    %shift_right_arithmetic3A_1449 = arith.constant 1 : i32
    %shift_right_arithmetic3A_1450 = vector.broadcast %shift_right_arithmetic3A_1449 : i32 to vector<16xi32>
    %shift_right_arithmetic3A_1451 = arith.shrsi %bitcast3A_1448, %shift_right_arithmetic3A_1450 : vector<16xi32>
    %sub3A_1452 = arith.constant 1597463007 : i32
    %sub3A_1453 = vector.broadcast %sub3A_1452 : i32 to vector<16xi32>
    %sub3A_1454 = arith.subi %sub3A_1453, %shift_right_arithmetic3A_1451 : vector<16xi32>
    %bitcast3A_1455 = vector.bitcast %sub3A_1454 : vector<16xi32> to vector<16xf32>
    %mul3A_1456 = arith.constant 5.000000e-01 : f32
    %mul3A_1457 = vector.broadcast %mul3A_1456 : f32 to vector<16xf32>
    %mul3A_1458 = arith.mulf %mul3A_1457, %add3A_1447 : vector<16xf32>
    %mul3A_1459 = arith.mulf %mul3A_1458, %bitcast3A_1455 : vector<16xf32>
    %mul3A_1460 = arith.mulf %mul3A_1459, %bitcast3A_1455 : vector<16xf32>
    %sub3A_1461 = arith.constant 1.500000e+00 : f32
    %sub3A_1462 = vector.broadcast %sub3A_1461 : f32 to vector<16xf32>
    %sub3A_1463 = arith.subf %sub3A_1462, %mul3A_1460 : vector<16xf32>
    %mul3A_1464 = arith.mulf %bitcast3A_1455, %sub3A_1463 : vector<16xf32>
    %mul3A_1465 = arith.constant 5.000000e-01 : f32
    %mul3A_1466 = vector.broadcast %mul3A_1465 : f32 to vector<16xf32>
    %mul3A_1467 = arith.mulf %mul3A_1466, %add3A_1447 : vector<16xf32>
    %mul3A_1468 = arith.mulf %mul3A_1467, %mul3A_1464 : vector<16xf32>
    %mul3A_1469 = arith.mulf %mul3A_1468, %mul3A_1464 : vector<16xf32>
    %sub3A_1470 = arith.constant 1.500000e+00 : f32
    %sub3A_1471 = vector.broadcast %sub3A_1470 : f32 to vector<16xf32>
    %sub3A_1472 = arith.subf %sub3A_1471, %mul3A_1469 : vector<16xf32>
    %mul3A_1473 = arith.mulf %mul3A_1464, %sub3A_1472 : vector<16xf32>
    %mul3A_1474 = arith.constant 5.000000e-01 : f32
    %mul3A_1475 = vector.broadcast %mul3A_1474 : f32 to vector<16xf32>
    %mul3A_1476 = arith.mulf %mul3A_1475, %add3A_1447 : vector<16xf32>
    %mul3A_1477 = arith.mulf %mul3A_1476, %mul3A_1473 : vector<16xf32>
    %mul3A_1478 = arith.mulf %mul3A_1477, %mul3A_1473 : vector<16xf32>
    %sub3A_1479 = arith.constant 1.500000e+00 : f32
    %sub3A_1480 = vector.broadcast %sub3A_1479 : f32 to vector<16xf32>
    %sub3A_1481 = arith.subf %sub3A_1480, %mul3A_1478 : vector<16xf32>
    %mul3A_1482 = arith.mulf %mul3A_1473, %sub3A_1481 : vector<16xf32>
    %swap3A_1483 = arith.constant 544 : index
    %swap3A_1484 = tpu.vector_load %arg15[%swap3A_1483] {strides = array<i32>} : memref<640xf32, #tpu.memory_space<vmem>>, vector<16xf32>,
    tpu.vector_store %arg15[%swap3A_1483], %mul3A_1482 {strides = array<i32>} : memref<640xf32, #tpu.memory_space<vmem>>, vector<16xf32>,
    %get3A_1485 = arith.constant 560 : index
    %get3A_1486 = tpu.vector_load %arg14[%get3A_1485] {strides = array<i32>} : memref<640xf32, #tpu.memory_space<vmem>>, vector<16xf32>,
    %add3A_1487 = arith.constant 1.000000e+00 : f32
    %add3A_1488 = vector.broadcast %add3A_1487 : f32 to vector<16xf32>
    %add3A_1489 = arith.addf %get3A_1486, %add3A_1488 : vector<16xf32>
    %bitcast3A_1490 = vector.bitcast %add3A_1489 : vector<16xf32> to vector<16xi32>
    %shift_right_arithmetic3A_1491 = arith.constant 1 : i32
    %shift_right_arithmetic3A_1492 = vector.broadcast %shift_right_arithmetic3A_1491 : i32 to vector<16xi32>
    %shift_right_arithmetic3A_1493 = arith.shrsi %bitcast3A_1490, %shift_right_arithmetic3A_1492 : vector<16xi32>
    %sub3A_1494 = arith.constant 1597463007 : i32
    %sub3A_1495 = vector.broadcast %sub3A_1494 : i32 to vector<16xi32>
    %sub3A_1496 = arith.subi %sub3A_1495, %shift_right_arithmetic3A_1493 : vector<16xi32>
    %bitcast3A_1497 = vector.bitcast %sub3A_1496 : vector<16xi32> to vector<16xf32>
    %mul3A_1498 = arith.constant 5.000000e-01 : f32
    %mul3A_1499 = vector.broadcast %mul3A_1498 : f32 to vector<16xf32>
    %mul3A_1500 = arith.mulf %mul3A_1499, %add3A_1489 : vector<16xf32>
    %mul3A_1501 = arith.mulf %mul3A_1500, %bitcast3A_1497 : vector<16xf32>
    %mul3A_1502 = arith.mulf %mul3A_1501, %bitcast3A_1497 : vector<16xf32>
    %sub3A_1503 = arith.constant 1.500000e+00 : f32
    %sub3A_1504 = vector.broadcast %sub3A_1503 : f32 to vector<16xf32>
    %sub3A_1505 = arith.subf %sub3A_1504, %mul3A_1502 : vector<16xf32>
    %mul3A_1506 = arith.mulf %bitcast3A_1497, %sub3A_1505 : vector<16xf32>
    %mul3A_1507 = arith.constant 5.000000e-01 : f32
    %mul3A_1508 = vector.broadcast %mul3A_1507 : f32 to vector<16xf32>
    %mul3A_1509 = arith.mulf %mul3A_1508, %add3A_1489 : vector<16xf32>
    %mul3A_1510 = arith.mulf %mul3A_1509, %mul3A_1506 : vector<16xf32>
    %mul3A_1511 = arith.mulf %mul3A_1510, %mul3A_1506 : vector<16xf32>
    %sub3A_1512 = arith.constant 1.500000e+00 : f32
    %sub3A_1513 = vector.broadcast %sub3A_1512 : f32 to vector<16xf32>
    %sub3A_1514 = arith.subf %sub3A_1513, %mul3A_1511 : vector<16xf32>
    %mul3A_1515 = arith.mulf %mul3A_1506, %sub3A_1514 : vector<16xf32>
    %mul3A_1516 = arith.constant 5.000000e-01 : f32
    %mul3A_1517 = vector.broadcast %mul3A_1516 : f32 to vector<16xf32>
    %mul3A_1518 = arith.mulf %mul3A_1517, %add3A_1489 : vector<16xf32>
    %mul3A_1519 = arith.mulf %mul3A_1518, %mul3A_1515 : vector<16xf32>
    %mul3A_1520 = arith.mulf %mul3A_1519, %mul3A_1515 : vector<16xf32>
    %sub3A_1521 = arith.constant 1.500000e+00 : f32
    %sub3A_1522 = vector.broadcast %sub3A_1521 : f32 to vector<16xf32>
    %sub3A_1523 = arith.subf %sub3A_1522, %mul3A_1520 : vector<16xf32>
    %mul3A_1524 = arith.mulf %mul3A_1515, %sub3A_1523 : vector<16xf32>
    %swap3A_1525 = arith.constant 560 : index
    %swap3A_1526 = tpu.vector_load %arg15[%swap3A_1525] {strides = array<i32>} : memref<640xf32, #tpu.memory_space<vmem>>, vector<16xf32>,
    tpu.vector_store %arg15[%swap3A_1525], %mul3A_1524 {strides = array<i32>} : memref<640xf32, #tpu.memory_space<vmem>>, vector<16xf32>,
    %get3A_1527 = arith.constant 576 : index
    %get3A_1528 = tpu.vector_load %arg14[%get3A_1527] {strides = array<i32>} : memref<640xf32, #tpu.memory_space<vmem>>, vector<16xf32>,
    %add3A_1529 = arith.constant 1.000000e+00 : f32
    %add3A_1530 = vector.broadcast %add3A_1529 : f32 to vector<16xf32>
    %add3A_1531 = arith.addf %get3A_1528, %add3A_1530 : vector<16xf32>
    %bitcast3A_1532 = vector.bitcast %add3A_1531 : vector<16xf32> to vector<16xi32>
    %shift_right_arithmetic3A_1533 = arith.constant 1 : i32
    %shift_right_arithmetic3A_1534 = vector.broadcast %shift_right_arithmetic3A_1533 : i32 to vector<16xi32>
    %shift_right_arithmetic3A_1535 = arith.shrsi %bitcast3A_1532, %shift_right_arithmetic3A_1534 : vector<16xi32>
    %sub3A_1536 = arith.constant 1597463007 : i32
    %sub3A_1537 = vector.broadcast %sub3A_1536 : i32 to vector<16xi32>
    %sub3A_1538 = arith.subi %sub3A_1537, %shift_right_arithmetic3A_1535 : vector<16xi32>
    %bitcast3A_1539 = vector.bitcast %sub3A_1538 : vector<16xi32> to vector<16xf32>
    %mul3A_1540 = arith.constant 5.000000e-01 : f32
    %mul3A_1541 = vector.broadcast %mul3A_1540 : f32 to vector<16xf32>
    %mul3A_1542 = arith.mulf %mul3A_1541, %add3A_1531 : vector<16xf32>
    %mul3A_1543 = arith.mulf %mul3A_1542, %bitcast3A_1539 : vector<16xf32>
    %mul3A_1544 = arith.mulf %mul3A_1543, %bitcast3A_1539 : vector<16xf32>
    %sub3A_1545 = arith.constant 1.500000e+00 : f32
    %sub3A_1546 = vector.broadcast %sub3A_1545 : f32 to vector<16xf32>
    %sub3A_1547 = arith.subf %sub3A_1546, %mul3A_1544 : vector<16xf32>
    %mul3A_1548 = arith.mulf %bitcast3A_1539, %sub3A_1547 : vector<16xf32>
    %mul3A_1549 = arith.constant 5.000000e-01 : f32
    %mul3A_1550 = vector.broadcast %mul3A_1549 : f32 to vector<16xf32>
    %mul3A_1551 = arith.mulf %mul3A_1550, %add3A_1531 : vector<16xf32>
    %mul3A_1552 = arith.mulf %mul3A_1551, %mul3A_1548 : vector<16xf32>
    %mul3A_1553 = arith.mulf %mul3A_1552, %mul3A_1548 : vector<16xf32>
    %sub3A_1554 = arith.constant 1.500000e+00 : f32
    %sub3A_1555 = vector.broadcast %sub3A_1554 : f32 to vector<16xf32>
    %sub3A_1556 = arith.subf %sub3A_1555, %mul3A_1553 : vector<16xf32>
    %mul3A_1557 = arith.mulf %mul3A_1548, %sub3A_1556 : vector<16xf32>
    %mul3A_1558 = arith.constant 5.000000e-01 : f32
    %mul3A_1559 = vector.broadcast %mul3A_1558 : f32 to vector<16xf32>
    %mul3A_1560 = arith.mulf %mul3A_1559, %add3A_1531 : vector<16xf32>
    %mul3A_1561 = arith.mulf %mul3A_1560, %mul3A_1557 : vector<16xf32>
    %mul3A_1562 = arith.mulf %mul3A_1561, %mul3A_1557 : vector<16xf32>
    %sub3A_1563 = arith.constant 1.500000e+00 : f32
    %sub3A_1564 = vector.broadcast %sub3A_1563 : f32 to vector<16xf32>
    %sub3A_1565 = arith.subf %sub3A_1564, %mul3A_1562 : vector<16xf32>
    %mul3A_1566 = arith.mulf %mul3A_1557, %sub3A_1565 : vector<16xf32>
    %swap3A_1567 = arith.constant 576 : index
    %swap3A_1568 = tpu.vector_load %arg15[%swap3A_1567] {strides = array<i32>} : memref<640xf32, #tpu.memory_space<vmem>>, vector<16xf32>,
    tpu.vector_store %arg15[%swap3A_1567], %mul3A_1566 {strides = array<i32>} : memref<640xf32, #tpu.memory_space<vmem>>, vector<16xf32>,
    %get3A_1569 = arith.constant 592 : index
    %get3A_1570 = tpu.vector_load %arg14[%get3A_1569] {strides = array<i32>} : memref<640xf32, #tpu.memory_space<vmem>>, vector<16xf32>,
    %add3A_1571 = arith.constant 1.000000e+00 : f32
    %add3A_1572 = vector.broadcast %add3A_1571 : f32 to vector<16xf32>
    %add3A_1573 = arith.addf %get3A_1570, %add3A_1572 : vector<16xf32>
    %bitcast3A_1574 = vector.bitcast %add3A_1573 : vector<16xf32> to vector<16xi32>
    %shift_right_arithmetic3A_1575 = arith.constant 1 : i32
    %shift_right_arithmetic3A_1576 = vector.broadcast %shift_right_arithmetic3A_1575 : i32 to vector<16xi32>
    %shift_right_arithmetic3A_1577 = arith.shrsi %bitcast3A_1574, %shift_right_arithmetic3A_1576 : vector<16xi32>
    %sub3A_1578 = arith.constant 1597463007 : i32
    %sub3A_1579 = vector.broadcast %sub3A_1578 : i32 to vector<16xi32>
    %sub3A_1580 = arith.subi %sub3A_1579, %shift_right_arithmetic3A_1577 : vector<16xi32>
    %bitcast3A_1581 = vector.bitcast %sub3A_1580 : vector<16xi32> to vector<16xf32>
    %mul3A_1582 = arith.constant 5.000000e-01 : f32
    %mul3A_1583 = vector.broadcast %mul3A_1582 : f32 to vector<16xf32>
    %mul3A_1584 = arith.mulf %mul3A_1583, %add3A_1573 : vector<16xf32>
    %mul3A_1585 = arith.mulf %mul3A_1584, %bitcast3A_1581 : vector<16xf32>
    %mul3A_1586 = arith.mulf %mul3A_1585, %bitcast3A_1581 : vector<16xf32>
    %sub3A_1587 = arith.constant 1.500000e+00 : f32
    %sub3A_1588 = vector.broadcast %sub3A_1587 : f32 to vector<16xf32>
    %sub3A_1589 = arith.subf %sub3A_1588, %mul3A_1586 : vector<16xf32>
    %mul3A_1590 = arith.mulf %bitcast3A_1581, %sub3A_1589 : vector<16xf32>
    %mul3A_1591 = arith.constant 5.000000e-01 : f32
    %mul3A_1592 = vector.broadcast %mul3A_1591 : f32 to vector<16xf32>
    %mul3A_1593 = arith.mulf %mul3A_1592, %add3A_1573 : vector<16xf32>
    %mul3A_1594 = arith.mulf %mul3A_1593, %mul3A_1590 : vector<16xf32>
    %mul3A_1595 = arith.mulf %mul3A_1594, %mul3A_1590 : vector<16xf32>
    %sub3A_1596 = arith.constant 1.500000e+00 : f32
    %sub3A_1597 = vector.broadcast %sub3A_1596 : f32 to vector<16xf32>
    %sub3A_1598 = arith.subf %sub3A_1597, %mul3A_1595 : vector<16xf32>
    %mul3A_1599 = arith.mulf %mul3A_1590, %sub3A_1598 : vector<16xf32>
    %mul3A_1600 = arith.constant 5.000000e-01 : f32
    %mul3A_1601 = vector.broadcast %mul3A_1600 : f32 to vector<16xf32>
    %mul3A_1602 = arith.mulf %mul3A_1601, %add3A_1573 : vector<16xf32>
    %mul3A_1603 = arith.mulf %mul3A_1602, %mul3A_1599 : vector<16xf32>
    %mul3A_1604 = arith.mulf %mul3A_1603, %mul3A_1599 : vector<16xf32>
    %sub3A_1605 = arith.constant 1.500000e+00 : f32
    %sub3A_1606 = vector.broadcast %sub3A_1605 : f32 to vector<16xf32>
    %sub3A_1607 = arith.subf %sub3A_1606, %mul3A_1604 : vector<16xf32>
    %mul3A_1608 = arith.mulf %mul3A_1599, %sub3A_1607 : vector<16xf32>
    %swap3A_1609 = arith.constant 592 : index
    %swap3A_1610 = tpu.vector_load %arg15[%swap3A_1609] {strides = array<i32>} : memref<640xf32, #tpu.memory_space<vmem>>, vector<16xf32>,
    tpu.vector_store %arg15[%swap3A_1609], %mul3A_1608 {strides = array<i32>} : memref<640xf32, #tpu.memory_space<vmem>>, vector<16xf32>,
    %get3A_1611 = arith.constant 608 : index
    %get3A_1612 = tpu.vector_load %arg14[%get3A_1611] {strides = array<i32>} : memref<640xf32, #tpu.memory_space<vmem>>, vector<16xf32>,
    %add3A_1613 = arith.constant 1.000000e+00 : f32
    %add3A_1614 = vector.broadcast %add3A_1613 : f32 to vector<16xf32>
    %add3A_1615 = arith.addf %get3A_1612, %add3A_1614 : vector<16xf32>
    %bitcast3A_1616 = vector.bitcast %add3A_1615 : vector<16xf32> to vector<16xi32>
    %shift_right_arithmetic3A_1617 = arith.constant 1 : i32
    %shift_right_arithmetic3A_1618 = vector.broadcast %shift_right_arithmetic3A_1617 : i32 to vector<16xi32>
    %shift_right_arithmetic3A_1619 = arith.shrsi %bitcast3A_1616, %shift_right_arithmetic3A_1618 : vector<16xi32>
    %sub3A_1620 = arith.constant 1597463007 : i32
    %sub3A_1621 = vector.broadcast %sub3A_1620 : i32 to vector<16xi32>
    %sub3A_1622 = arith.subi %sub3A_1621, %shift_right_arithmetic3A_1619 : vector<16xi32>
    %bitcast3A_1623 = vector.bitcast %sub3A_1622 : vector<16xi32> to vector<16xf32>
    %mul3A_1624 = arith.constant 5.000000e-01 : f32
    %mul3A_1625 = vector.broadcast %mul3A_1624 : f32 to vector<16xf32>
    %mul3A_1626 = arith.mulf %mul3A_1625, %add3A_1615 : vector<16xf32>
    %mul3A_1627 = arith.mulf %mul3A_1626, %bitcast3A_1623 : vector<16xf32>
    %mul3A_1628 = arith.mulf %mul3A_1627, %bitcast3A_1623 : vector<16xf32>
    %sub3A_1629 = arith.constant 1.500000e+00 : f32
    %sub3A_1630 = vector.broadcast %sub3A_1629 : f32 to vector<16xf32>
    %sub3A_1631 = arith.subf %sub3A_1630, %mul3A_1628 : vector<16xf32>
    %mul3A_1632 = arith.mulf %bitcast3A_1623, %sub3A_1631 : vector<16xf32>
    %mul3A_1633 = arith.constant 5.000000e-01 : f32
    %mul3A_1634 = vector.broadcast %mul3A_1633 : f32 to vector<16xf32>
    %mul3A_1635 = arith.mulf %mul3A_1634, %add3A_1615 : vector<16xf32>
    %mul3A_1636 = arith.mulf %mul3A_1635, %mul3A_1632 : vector<16xf32>
    %mul3A_1637 = arith.mulf %mul3A_1636, %mul3A_1632 : vector<16xf32>
    %sub3A_1638 = arith.constant 1.500000e+00 : f32
    %sub3A_1639 = vector.broadcast %sub3A_1638 : f32 to vector<16xf32>
    %sub3A_1640 = arith.subf %sub3A_1639, %mul3A_1637 : vector<16xf32>
    %mul3A_1641 = arith.mulf %mul3A_1632, %sub3A_1640 : vector<16xf32>
    %mul3A_1642 = arith.constant 5.000000e-01 : f32
    %mul3A_1643 = vector.broadcast %mul3A_1642 : f32 to vector<16xf32>
    %mul3A_1644 = arith.mulf %mul3A_1643, %add3A_1615 : vector<16xf32>
    %mul3A_1645 = arith.mulf %mul3A_1644, %mul3A_1641 : vector<16xf32>
    %mul3A_1646 = arith.mulf %mul3A_1645, %mul3A_1641 : vector<16xf32>
    %sub3A_1647 = arith.constant 1.500000e+00 : f32
    %sub3A_1648 = vector.broadcast %sub3A_1647 : f32 to vector<16xf32>
    %sub3A_1649 = arith.subf %sub3A_1648, %mul3A_1646 : vector<16xf32>
    %mul3A_1650 = arith.mulf %mul3A_1641, %sub3A_1649 : vector<16xf32>
    %swap3A_1651 = arith.constant 608 : index
    %swap3A_1652 = tpu.vector_load %arg15[%swap3A_1651] {strides = array<i32>} : memref<640xf32, #tpu.memory_space<vmem>>, vector<16xf32>,
    tpu.vector_store %arg15[%swap3A_1651], %mul3A_1650 {strides = array<i32>} : memref<640xf32, #tpu.memory_space<vmem>>, vector<16xf32>,
    %get3A_1653 = arith.constant 624 : index
    %get3A_1654 = tpu.vector_load %arg14[%get3A_1653] {strides = array<i32>} : memref<640xf32, #tpu.memory_space<vmem>>, vector<16xf32>,
    %add3A_1655 = arith.constant 1.000000e+00 : f32
    %add3A_1656 = vector.broadcast %add3A_1655 : f32 to vector<16xf32>
    %add3A_1657 = arith.addf %get3A_1654, %add3A_1656 : vector<16xf32>
    %bitcast3A_1658 = vector.bitcast %add3A_1657 : vector<16xf32> to vector<16xi32>
    %shift_right_arithmetic3A_1659 = arith.constant 1 : i32
    %shift_right_arithmetic3A_1660 = vector.broadcast %shift_right_arithmetic3A_1659 : i32 to vector<16xi32>
    %shift_right_arithmetic3A_1661 = arith.shrsi %bitcast3A_1658, %shift_right_arithmetic3A_1660 : vector<16xi32>
    %sub3A_1662 = arith.constant 1597463007 : i32
    %sub3A_1663 = vector.broadcast %sub3A_1662 : i32 to vector<16xi32>
    %sub3A_1664 = arith.subi %sub3A_1663, %shift_right_arithmetic3A_1661 : vector<16xi32>
    %bitcast3A_1665 = vector.bitcast %sub3A_1664 : vector<16xi32> to vector<16xf32>
    %mul3A_1666 = arith.constant 5.000000e-01 : f32
    %mul3A_1667 = vector.broadcast %mul3A_1666 : f32 to vector<16xf32>
    %mul3A_1668 = arith.mulf %mul3A_1667, %add3A_1657 : vector<16xf32>
    %mul3A_1669 = arith.mulf %mul3A_1668, %bitcast3A_1665 : vector<16xf32>
    %mul3A_1670 = arith.mulf %mul3A_1669, %bitcast3A_1665 : vector<16xf32>
    %sub3A_1671 = arith.constant 1.500000e+00 : f32
    %sub3A_1672 = vector.broadcast %sub3A_1671 : f32 to vector<16xf32>
    %sub3A_1673 = arith.subf %sub3A_1672, %mul3A_1670 : vector<16xf32>
    %mul3A_1674 = arith.mulf %bitcast3A_1665, %sub3A_1673 : vector<16xf32>
    %mul3A_1675 = arith.constant 5.000000e-01 : f32
    %mul3A_1676 = vector.broadcast %mul3A_1675 : f32 to vector<16xf32>
    %mul3A_1677 = arith.mulf %mul3A_1676, %add3A_1657 : vector<16xf32>
    %mul3A_1678 = arith.mulf %mul3A_1677, %mul3A_1674 : vector<16xf32>
    %mul3A_1679 = arith.mulf %mul3A_1678, %mul3A_1674 : vector<16xf32>
    %sub3A_1680 = arith.constant 1.500000e+00 : f32
    %sub3A_1681 = vector.broadcast %sub3A_1680 : f32 to vector<16xf32>
    %sub3A_1682 = arith.subf %sub3A_1681, %mul3A_1679 : vector<16xf32>
    %mul3A_1683 = arith.mulf %mul3A_1674, %sub3A_1682 : vector<16xf32>
    %mul3A_1684 = arith.constant 5.000000e-01 : f32
    %mul3A_1685 = vector.broadcast %mul3A_1684 : f32 to vector<16xf32>
    %mul3A_1686 = arith.mulf %mul3A_1685, %add3A_1657 : vector<16xf32>
    %mul3A_1687 = arith.mulf %mul3A_1686, %mul3A_1683 : vector<16xf32>
    %mul3A_1688 = arith.mulf %mul3A_1687, %mul3A_1683 : vector<16xf32>
    %sub3A_1689 = arith.constant 1.500000e+00 : f32
    %sub3A_1690 = vector.broadcast %sub3A_1689 : f32 to vector<16xf32>
    %sub3A_1691 = arith.subf %sub3A_1690, %mul3A_1688 : vector<16xf32>
    %mul3A_1692 = arith.mulf %mul3A_1683, %sub3A_1691 : vector<16xf32>
    %swap3A_1693 = arith.constant 624 : index
    %swap3A_1694 = tpu.vector_load %arg15[%swap3A_1693] {strides = array<i32>} : memref<640xf32, #tpu.memory_space<vmem>>, vector<16xf32>,
    tpu.vector_store %arg15[%swap3A_1693], %mul3A_1692 {strides = array<i32>} : memref<640xf32, #tpu.memory_space<vmem>>, vector<16xf32>,
    %mul3A_1695 = arith.constant 640 : i32
    %mul3A_1696 = arith.muli %arg1, %mul3A_1695 : i32
    "tpu.region"() ({
      %run_scoped3A = tpu.sem_alloc : memref<!tpu.dma_semaphore, #tpu.memory_space<semaphore_mem>>
      %dma_start3A = tpu.memref_slice %arg17[%mul3A_1696] : memref<10240xf32, #tpu.memory_space<vmem_shared>> -> memref<640xf32, #tpu.memory_space<vmem_shared>>
      %dma_start3A_1721 = tpu.memref_slice %arg17[%mul3A_1696] : memref<10240xf32, #tpu.memory_space<vmem_shared>> -> memref<640xf32, #tpu.memory_space<vmem_shared>>
      tpu.enqueue_dma source(%arg15 : memref<640xf32, #tpu.memory_space<vmem>>) target(%dma_start3A_1721 : memref<640xf32, #tpu.memory_space<vmem_shared>>) target_semaphore(%run_scoped3A : memref<!tpu.dma_semaphore, #tpu.memory_space<semaphore_mem>>)
      %dma_wait3A = tpu.memref_slice %arg17[%mul3A_1696] : memref<10240xf32, #tpu.memory_space<vmem_shared>> -> memref<640xf32, #tpu.memory_space<vmem_shared>>
      %dma_wait3A_1722 = tpu.memref_slice %arg17[%mul3A_1696] : memref<10240xf32, #tpu.memory_space<vmem_shared>> -> memref<640xf32, #tpu.memory_space<vmem_shared>>
      tpu.wait_dma2 semaphore(%run_scoped3A : memref<!tpu.dma_semaphore, #tpu.memory_space<semaphore_mem>>) src(%arg15 : memref<640xf32, #tpu.memory_space<vmem>>) dst(%dma_wait3A_1722 : memref<640xf32, #tpu.memory_space<vmem_shared>>)
      tpu.yield
    }) : () -> ()
    %mul3A_1697 = arith.constant 640 : i32
    %mul3A_1698 = arith.muli %arg1, %mul3A_1697 : i32
    %mul3A_1699 = arith.constant 640 : i32
    %mul3A_1700 = arith.muli %arg1, %mul3A_1699 : i32
    "tpu.region"() ({
      %run_scoped3A = tpu.sem_alloc : memref<!tpu.dma_semaphore, #tpu.memory_space<semaphore_mem>>
      %dma_start3A = tpu.memref_slice %arg16[%mul3A_1700] : memref<10240xf32, #tpu.memory_space<vmem_shared>> -> memref<640xf32, #tpu.memory_space<vmem_shared>>
      %dma_start3A_1721 = tpu.memref_slice %arg5[%mul3A_1698] : memref<10240xf32, #tpu.memory_space<hbm>> -> memref<640xf32, #tpu.memory_space<hbm>>
      tpu.enqueue_dma source(%dma_start3A_1721 : memref<640xf32, #tpu.memory_space<hbm>>) target(%dma_start3A : memref<640xf32, #tpu.memory_space<vmem_shared>>) target_semaphore(%run_scoped3A : memref<!tpu.dma_semaphore, #tpu.memory_space<semaphore_mem>>)
      %dma_wait3A = tpu.memref_slice %arg16[%mul3A_1700] : memref<10240xf32, #tpu.memory_space<vmem_shared>> -> memref<640xf32, #tpu.memory_space<vmem_shared>>
      %dma_wait3A_1722 = tpu.memref_slice %arg5[%mul3A_1698] : memref<10240xf32, #tpu.memory_space<hbm>> -> memref<640xf32, #tpu.memory_space<hbm>>
      tpu.wait_dma2 semaphore(%run_scoped3A : memref<!tpu.dma_semaphore, #tpu.memory_space<semaphore_mem>>) src(%dma_wait3A_1722 : memref<640xf32, #tpu.memory_space<hbm>>) dst(%dma_wait3A : memref<640xf32, #tpu.memory_space<vmem_shared>>)
      tpu.yield
    }) : () -> ()
    "tpu.region"() ({
      %run_scoped3A = tpu.sem_alloc : memref<!tpu.dma_semaphore, #tpu.memory_space<semaphore_mem>>
      %dma_start3A = arith.constant 0 : i32
      %dma_start3A_1721 = tpu.memref_slice %arg9[%dma_start3A] : memref<20224xi32, #tpu.memory_space<vmem>> -> memref<10112xi32, #tpu.memory_space<vmem>>
      %dma_start3A_1722 = arith.constant 0 : i32
      %dma_start3A_1723 = tpu.memref_slice %arg3[%add3A, %dma_start3A_1722] : memref<32x10112xi32, #tpu.memory_space<hbm>> -> memref<1x10112xi32, #tpu.memory_space<hbm>>
      %dma_start3A_1724 = tpu.memref_squeeze %dma_start3A_1723 : memref<1x10112xi32, #tpu.memory_space<hbm>> -> memref<10112xi32, #tpu.memory_space<hbm>>
      %dma_start3A_1725 = arith.constant 0 : i32
      %dma_start3A_1726 = tpu.memref_slice %arg9[%dma_start3A_1725] : memref<20224xi32, #tpu.memory_space<vmem>> -> memref<10112xi32, #tpu.memory_space<vmem>>
      %dma_start3A_1727 = arith.constant 0 : i32
      %dma_start3A_1728 = tpu.memref_slice %arg3[%add3A, %dma_start3A_1727] : memref<32x10112xi32, #tpu.memory_space<hbm>> -> memref<1x10112xi32, #tpu.memory_space<hbm>>
      %dma_start3A_1729 = tpu.memref_squeeze %dma_start3A_1728 : memref<1x10112xi32, #tpu.memory_space<hbm>> -> memref<10112xi32, #tpu.memory_space<hbm>>
      tpu.enqueue_dma source(%dma_start3A_1729 : memref<10112xi32, #tpu.memory_space<hbm>>) target(%dma_start3A_1726 : memref<10112xi32, #tpu.memory_space<vmem>>) target_semaphore(%run_scoped3A : memref<!tpu.dma_semaphore, #tpu.memory_space<semaphore_mem>>)
      %dma_wait3A = arith.constant 0 : i32
      %dma_wait3A_1730 = tpu.memref_slice %arg9[%dma_wait3A] : memref<20224xi32, #tpu.memory_space<vmem>> -> memref<10112xi32, #tpu.memory_space<vmem>>
      %dma_wait3A_1731 = arith.constant 0 : i32
      %dma_wait3A_1732 = tpu.memref_slice %arg3[%add3A, %dma_wait3A_1731] : memref<32x10112xi32, #tpu.memory_space<hbm>> -> memref<1x10112xi32, #tpu.memory_space<hbm>>
      %dma_wait3A_1733 = tpu.memref_squeeze %dma_wait3A_1732 : memref<1x10112xi32, #tpu.memory_space<hbm>> -> memref<10112xi32, #tpu.memory_space<hbm>>
      %dma_wait3A_1734 = arith.constant 0 : i32
      %dma_wait3A_1735 = tpu.memref_slice %arg9[%dma_wait3A_1734] : memref<20224xi32, #tpu.memory_space<vmem>> -> memref<10112xi32, #tpu.memory_space<vmem>>
      %dma_wait3A_1736 = arith.constant 0 : i32
      %dma_wait3A_1737 = tpu.memref_slice %arg3[%add3A, %dma_wait3A_1736] : memref<32x10112xi32, #tpu.memory_space<hbm>> -> memref<1x10112xi32, #tpu.memory_space<hbm>>
      %dma_wait3A_1738 = tpu.memref_squeeze %dma_wait3A_1737 : memref<1x10112xi32, #tpu.memory_space<hbm>> -> memref<10112xi32, #tpu.memory_space<hbm>>
      tpu.wait_dma2 semaphore(%run_scoped3A : memref<!tpu.dma_semaphore, #tpu.memory_space<semaphore_mem>>) src(%dma_wait3A_1738 : memref<10112xi32, #tpu.memory_space<hbm>>) dst(%dma_wait3A_1735 : memref<10112xi32, #tpu.memory_space<vmem>>)
      tpu.yield
    }) : () -> ()
    "tpu.region"() ({
      %run_scoped3A = tpu.sem_alloc : memref<!tpu.dma_semaphore, #tpu.memory_space<semaphore_mem>>
      %dma_start3A = arith.constant 0 : i32
      %dma_start3A_1721 = tpu.memref_slice %arg4[%add3A, %dma_start3A] : memref<32x10112xi32, #tpu.memory_space<hbm>> -> memref<1x10112xi32, #tpu.memory_space<hbm>>
      %dma_start3A_1722 = tpu.memref_squeeze %dma_start3A_1721 : memref<1x10112xi32, #tpu.memory_space<hbm>> -> memref<10112xi32, #tpu.memory_space<hbm>>
      %dma_start3A_1723 = arith.constant 0 : i32
      %dma_start3A_1724 = tpu.memref_slice %arg4[%add3A, %dma_start3A_1723] : memref<32x10112xi32, #tpu.memory_space<hbm>> -> memref<1x10112xi32, #tpu.memory_space<hbm>>
      %dma_start3A_1725 = tpu.memref_squeeze %dma_start3A_1724 : memref<1x10112xi32, #tpu.memory_space<hbm>> -> memref<10112xi32, #tpu.memory_space<hbm>>
      tpu.enqueue_dma source(%dma_start3A_1725 : memref<10112xi32, #tpu.memory_space<hbm>>) target(%arg10 : memref<10112xi32, #tpu.memory_space<vmem>>) target_semaphore(%run_scoped3A : memref<!tpu.dma_semaphore, #tpu.memory_space<semaphore_mem>>)
      %dma_wait3A = arith.constant 0 : i32
      %dma_wait3A_1726 = tpu.memref_slice %arg4[%add3A, %dma_wait3A] : memref<32x10112xi32, #tpu.memory_space<hbm>> -> memref<1x10112xi32, #tpu.memory_space<hbm>>
      %dma_wait3A_1727 = tpu.memref_squeeze %dma_wait3A_1726 : memref<1x10112xi32, #tpu.memory_space<hbm>> -> memref<10112xi32, #tpu.memory_space<hbm>>
      %dma_wait3A_1728 = arith.constant 0 : i32
      %dma_wait3A_1729 = tpu.memref_slice %arg4[%add3A, %dma_wait3A_1728] : memref<32x10112xi32, #tpu.memory_space<hbm>> -> memref<1x10112xi32, #tpu.memory_space<hbm>>
      %dma_wait3A_1730 = tpu.memref_squeeze %dma_wait3A_1729 : memref<1x10112xi32, #tpu.memory_space<hbm>> -> memref<10112xi32, #tpu.memory_space<hbm>>
      tpu.wait_dma2 semaphore(%run_scoped3A : memref<!tpu.dma_semaphore, #tpu.memory_space<semaphore_mem>>) src(%dma_wait3A_1730 : memref<10112xi32, #tpu.memory_space<hbm>>) dst(%arg10 : memref<10112xi32, #tpu.memory_space<vmem>>)
      tpu.yield
    }) : () -> ()
    "tpu.region"() ({
      %run_scoped3A = tpu.sem_alloc : memref<!tpu.dma_semaphore, #tpu.memory_space<semaphore_mem>>
      tpu.enqueue_dma source(%arg5 : memref<10240xf32, #tpu.memory_space<hbm>>) target(%arg12 : memref<10240xf32, #tpu.memory_space<vmem>>) target_semaphore(%run_scoped3A : memref<!tpu.dma_semaphore, #tpu.memory_space<semaphore_mem>>)
      tpu.wait_dma2 semaphore(%run_scoped3A : memref<!tpu.dma_semaphore, #tpu.memory_space<semaphore_mem>>) src(%arg5 : memref<10240xf32, #tpu.memory_space<hbm>>) dst(%arg12 : memref<10240xf32, #tpu.memory_space<vmem>>)
      tpu.yield
    }) : () -> ()
    %barrier3A_1701 = arith.constant 0 : index
    tpu.barrier barrier_id(%barrier3A_1701)
    "tpu.region"() ({
      %run_scoped3A = tpu.sem_alloc : memref<!tpu.dma_semaphore, #tpu.memory_space<semaphore_mem>>
      tpu.enqueue_dma source(%arg17 : memref<10240xf32, #tpu.memory_space<vmem_shared>>) target(%arg11 : memref<10240xf32, #tpu.memory_space<vmem>>) target_semaphore(%run_scoped3A : memref<!tpu.dma_semaphore, #tpu.memory_space<semaphore_mem>>)
      tpu.wait_dma2 semaphore(%run_scoped3A : memref<!tpu.dma_semaphore, #tpu.memory_space<semaphore_mem>>) src(%arg17 : memref<10240xf32, #tpu.memory_space<vmem_shared>>) dst(%arg11 : memref<10240xf32, #tpu.memory_space<vmem>>)
      tpu.yield
    }) : () -> ()
    %scan3A_1702 = arith.constant 0 : i32
    %scan3A_1703 = arith.constant 0 : i32
    %scan3A_1704 = arith.constant 632 : i32
    %scan3A_1705 = arith.addi %scan3A_1703, %scan3A_1704 : i32
    %scan3A_1706 = arith.constant 1 : i32
    scf.for %scan3A_1721 = %scan3A_1703 to %scan3A_1705 step %scan3A_1706  : i32 {
      %mul3A_1722 = arith.constant 16 : i32
      %mul3A_1723 = arith.muli %scan3A_1721, %mul3A_1722 : i32
      %get3A_1724 = arith.index_cast %mul3A_1723 : i32 to index
      %get3A_1725 = tpu.vector_load %arg9[%get3A_1724] {strides = array<i32>} : memref<20224xi32, #tpu.memory_space<vmem>>, vector<16xi32>,
      %mul3A_1726 = arith.constant 16 : i32
      %mul3A_1727 = arith.muli %scan3A_1721, %mul3A_1726 : i32
      %get3A_1728 = arith.index_cast %mul3A_1727 : i32 to index
      %get3A_1729 = tpu.vector_load %arg10[%get3A_1728] {strides = array<i32>} : memref<10112xi32, #tpu.memory_space<vmem>>, vector<16xi32>,
      %gather3A = tpu.vector_load_idx %arg11[%get3A_1725] : memref<10240xf32, #tpu.memory_space<vmem>>[vector<16xi32>], vector<16xf32>,
      tpu.vector_store_idx %arg12[%get3A_1729], %gather3A {add = true} : memref<10240xf32, #tpu.memory_space<vmem>>[vector<16xi32>], vector<16xf32>,
    }
    %scan3A_1707 = arith.constant 632 : i32
    %scan3A_1708 = arith.constant 0 : i32
    %scan3A_1709 = arith.constant 0 : i32
    %scan3A_1710 = arith.constant 80 : i32
    %scan3A_1711 = arith.addi %scan3A_1709, %scan3A_1710 : i32
    %scan3A_1712 = arith.constant 1 : i32
    scf.for %scan3A_1721 = %scan3A_1709 to %scan3A_1711 step %scan3A_1712  : i32 {
      %mul3A_1722 = arith.constant 128 : i32
      %mul3A_1723 = arith.muli %scan3A_1721, %mul3A_1722 : i32
      "tpu.region"() ({
        %run_scoped3A = tpu.sem_alloc : memref<!tpu.dma_semaphore, #tpu.memory_space<semaphore_mem>>
        %dma_start3A = tpu.memref_slice %arg12[%mul3A_1723] : memref<10240xf32, #tpu.memory_space<vmem>> -> memref<128xf32, #tpu.memory_space<vmem>>
        %dma_start3A_1724 = arith.constant 0 : i32
        %dma_start3A_1725 = tpu.memref_slice %arg13[%scan3A_1721, %dma_start3A_1724] : memref<80x128xi32, #tpu.memory_space<vmem>> -> memref<1x128xi32, #tpu.memory_space<vmem>>
        %dma_start3A_1726 = tpu.memref_squeeze %dma_start3A_1725 : memref<1x128xi32, #tpu.memory_space<vmem>> -> memref<128xi32, #tpu.memory_space<vmem>>
        %dma_start3A_1727 = arith.constant 0 : i32
        %dma_start3A_1728 = tpu.memref_slice %arg16[%dma_start3A_1727] : memref<10240xf32, #tpu.memory_space<vmem_shared>> -> memref<10240xf32, #tpu.memory_space<vmem_shared>>
        tpu.enqueue_indirect_dma source(%dma_start3A : memref<128xf32, #tpu.memory_space<vmem>>) target(%dma_start3A_1728 : memref<10240xf32, #tpu.memory_space<vmem_shared>>) offsets(%dma_start3A_1726 : memref<128xi32, #tpu.memory_space<vmem>>) semaphore(%run_scoped3A : memref<!tpu.dma_semaphore, #tpu.memory_space<semaphore_mem>>) {add = true}
        %dma_wait3A = tpu.memref_slice %arg12[%mul3A_1723] : memref<10240xf32, #tpu.memory_space<vmem>> -> memref<128xf32, #tpu.memory_space<vmem>>
        %dma_wait3A_1729 = arith.constant 0 : i32
        %dma_wait3A_1730 = tpu.memref_slice %arg13[%scan3A_1721, %dma_wait3A_1729] : memref<80x128xi32, #tpu.memory_space<vmem>> -> memref<1x128xi32, #tpu.memory_space<vmem>>
        %dma_wait3A_1731 = tpu.memref_squeeze %dma_wait3A_1730 : memref<1x128xi32, #tpu.memory_space<vmem>> -> memref<128xi32, #tpu.memory_space<vmem>>
        %dma_wait3A_1732 = arith.constant 0 : i32
        %dma_wait3A_1733 = tpu.memref_slice %arg16[%dma_wait3A_1732] : memref<10240xf32, #tpu.memory_space<vmem_shared>> -> memref<10240xf32, #tpu.memory_space<vmem_shared>>
        tpu.wait_indirect_dma semaphore(%run_scoped3A : memref<!tpu.dma_semaphore, #tpu.memory_space<semaphore_mem>>) src(%dma_wait3A : memref<128xf32, #tpu.memory_space<vmem>>) dst(%dma_wait3A_1733 : memref<10240xf32, #tpu.memory_space<vmem_shared>>)
        tpu.yield
      }) : () -> ()
    }
    %scan3A_1713 = arith.constant 80 : i32
    %barrier3A_1714 = arith.constant 0 : index
    tpu.barrier barrier_id(%barrier3A_1714)
    %mul3A_1715 = arith.constant 640 : i32
    %mul3A_1716 = arith.muli %arg1, %mul3A_1715 : i32
    %mul3A_1717 = arith.constant 640 : i32
    %mul3A_1718 = arith.muli %arg1, %mul3A_1717 : i32
    "tpu.region"() ({
      %run_scoped3A = tpu.sem_alloc : memref<!tpu.dma_semaphore, #tpu.memory_space<semaphore_mem>>
      %dma_start3A = arith.constant 0 : i32
      %dma_start3A_1721 = tpu.memref_slice %arg7[%arg0, %dma_start3A] : memref<2x10240xf32, #tpu.memory_space<hbm>> -> memref<1x10240xf32, #tpu.memory_space<hbm>>
      %dma_start3A_1722 = tpu.memref_squeeze %dma_start3A_1721 : memref<1x10240xf32, #tpu.memory_space<hbm>> -> memref<10240xf32, #tpu.memory_space<hbm>>
      %dma_start3A_1723 = tpu.memref_slice %dma_start3A_1722[%mul3A_1718] : memref<10240xf32, #tpu.memory_space<hbm>> -> memref<640xf32, #tpu.memory_space<hbm>>
      %dma_start3A_1724 = tpu.memref_slice %arg16[%mul3A_1716] : memref<10240xf32, #tpu.memory_space<vmem_shared>> -> memref<640xf32, #tpu.memory_space<vmem_shared>>
      tpu.enqueue_dma source(%dma_start3A_1724 : memref<640xf32, #tpu.memory_space<vmem_shared>>) target(%dma_start3A_1723 : memref<640xf32, #tpu.memory_space<hbm>>) target_semaphore(%run_scoped3A : memref<!tpu.dma_semaphore, #tpu.memory_space<semaphore_mem>>)
      %dma_wait3A = arith.constant 0 : i32
      %dma_wait3A_1725 = tpu.memref_slice %arg7[%arg0, %dma_wait3A] : memref<2x10240xf32, #tpu.memory_space<hbm>> -> memref<1x10240xf32, #tpu.memory_space<hbm>>
      %dma_wait3A_1726 = tpu.memref_squeeze %dma_wait3A_1725 : memref<1x10240xf32, #tpu.memory_space<hbm>> -> memref<10240xf32, #tpu.memory_space<hbm>>
      %dma_wait3A_1727 = tpu.memref_slice %dma_wait3A_1726[%mul3A_1718] : memref<10240xf32, #tpu.memory_space<hbm>> -> memref<640xf32, #tpu.memory_space<hbm>>
      %dma_wait3A_1728 = tpu.memref_slice %arg16[%mul3A_1716] : memref<10240xf32, #tpu.memory_space<vmem_shared>> -> memref<640xf32, #tpu.memory_space<vmem_shared>>
      tpu.wait_dma2 semaphore(%run_scoped3A : memref<!tpu.dma_semaphore, #tpu.memory_space<semaphore_mem>>) src(%dma_wait3A_1728 : memref<640xf32, #tpu.memory_space<vmem_shared>>) dst(%dma_wait3A_1727 : memref<640xf32, #tpu.memory_space<hbm>>)
      tpu.yield
    }) : () -> ()
    %eq3A = arith.constant 0 : i32
    %eq3A_1719 = arith.cmpi eq, %arg0, %eq3A : i32
    %convert_element_type3A = arith.extui %eq3A_1719 : i1 to i32
    %cond3A = arith.constant 0 : i32
    %cond3A_1720 = arith.cmpi ne, %convert_element_type3A, %cond3A : i32
    scf.if %cond3A_1720 {
      %mul3A_1721 = arith.constant 640 : i32
      %mul3A_1722 = arith.muli %arg1, %mul3A_1721 : i32
      "tpu.region"() ({
        %run_scoped3A = tpu.sem_alloc : memref<!tpu.dma_semaphore, #tpu.memory_space<semaphore_mem>>
        %dma_start3A = tpu.memref_slice %arg8[%mul3A_1722] : memref<10240xf32, #tpu.memory_space<hbm>> -> memref<640xf32, #tpu.memory_space<hbm>>
        %dma_start3A_1723 = tpu.memref_slice %arg8[%mul3A_1722] : memref<10240xf32, #tpu.memory_space<hbm>> -> memref<640xf32, #tpu.memory_space<hbm>>
        tpu.enqueue_dma source(%arg15 : memref<640xf32, #tpu.memory_space<vmem>>) target(%dma_start3A_1723 : memref<640xf32, #tpu.memory_space<hbm>>) target_semaphore(%run_scoped3A : memref<!tpu.dma_semaphore, #tpu.memory_space<semaphore_mem>>)
        %dma_wait3A = tpu.memref_slice %arg8[%mul3A_1722] : memref<10240xf32, #tpu.memory_space<hbm>> -> memref<640xf32, #tpu.memory_space<hbm>>
        %dma_wait3A_1724 = tpu.memref_slice %arg8[%mul3A_1722] : memref<10240xf32, #tpu.memory_space<hbm>> -> memref<640xf32, #tpu.memory_space<hbm>>
        tpu.wait_dma2 semaphore(%run_scoped3A : memref<!tpu.dma_semaphore, #tpu.memory_space<semaphore_mem>>) src(%arg15 : memref<640xf32, #tpu.memory_space<vmem>>) dst(%dma_wait3A_1724 : memref<640xf32, #tpu.memory_space<hbm>>)
        tpu.yield
      }) : () -> ()
    } else {
    }
    return
  }
}

module attributes {stable_mosaic.version = 14 : i64} {
  func.func @_mm_body(%arg0: i32, %arg1: memref<1280x128xf32, #tpu.memory_space<vmem>>, %arg2: memref<128x128xf32, #tpu.memory_space<vmem>>, %arg3: memref<1x1280x1xf32, #tpu.memory_space<vmem>>, %arg4: memref<1x1280x1xf32, #tpu.memory_space<vmem>>, %arg5: memref<1280x1xf32, #tpu.memory_space<vmem>>, %arg6: memref<1280x128xf32, #tpu.memory_space<vmem>>, %arg7: memref<1280x128xf32, #tpu.memory_space<vmem>>, %arg8: memref<1280x1xf32, #tpu.memory_space<vmem>>, %arg9: memref<1280x1xf32, #tpu.memory_space<vmem>>) attributes {dimension_semantics = [#tpu.dimension_semantics<arbitrary>], iteration_bounds = array<i64: 8>, scalar_prefetch = 0 : i64, scratch_operands = 0 : i64, tpu.core_type = #tpu.core_type<tc>, window_params = [{transform_indices = @transform_0, window_bounds = array<i64: 1280, 128>}, {pipeline_mode = #tpu.pipeline_mode<synchronous>, transform_indices = @transform_1, window_bounds = array<i64: 128, 128>}, {transform_indices = @transform_2, window_bounds = array<i64: 1, 1280, 1>}, {transform_indices = @transform_3, window_bounds = array<i64: 1, 1280, 1>}, {transform_indices = @transform_4, window_bounds = array<i64: 1280, 1>}, {transform_indices = @transform_5, window_bounds = array<i64: 1280, 128>}, {transform_indices = @transform_6, window_bounds = array<i64: 1280, 128>}, {transform_indices = @transform_7, window_bounds = array<i64: 1280, 1>}, {transform_indices = @transform_8, window_bounds = array<i64: 1280, 1>}]} {
    %get3A = arith.constant 0 : index
    %get3A_0 = arith.constant 0 : index
    %get3A_1 = vector.load %arg1[%get3A, %get3A_0] : memref<1280x128xf32, #tpu.memory_space<vmem>>, vector<1280x128xf32>
    %get3A_2 = arith.constant 0 : index
    %get3A_3 = arith.constant 0 : index
    %get3A_4 = vector.load %arg2[%get3A_2, %get3A_3] : memref<128x128xf32, #tpu.memory_space<vmem>>, vector<128x128xf32>
    %dot_general3A = arith.constant dense<0.000000e+00> : vector<1280x128xf32>
    %dot_general3A_5 = tpu.matmul %get3A_1, %get3A_4, %dot_general3A {dimension_numbers = #tpu.dot_dimension_numbers<[1], [0], [0], [1], [0, 0, 1, 1], [], []>, transpose_lhs_hint = false} : vector<1280x128xf32>, vector<128x128xf32>, vector<1280x128xf32> -> vector<1280x128xf32>
    %get3A_6 = arith.constant 0 : index
    %get3A_7 = arith.constant 0 : index
    %get3A_8 = vector.load %arg5[%get3A_6, %get3A_7] : memref<1280x1xf32, #tpu.memory_space<vmem>>, vector<1280x1xf32>
    %get3A_9 = arith.constant 0 : index
    %get3A_10 = arith.constant 0 : index
    %get3A_11 = arith.constant 0 : index
    %get3A_12 = vector.load %arg3[%get3A_9, %get3A_10, %get3A_11] : memref<1x1280x1xf32, #tpu.memory_space<vmem>>, vector<1x1280x1xf32>
    %get3A_13 = vector.shape_cast %get3A_12 : vector<1x1280x1xf32> to vector<1280x1xf32>
    %get3A_14 = arith.constant 0 : index
    %get3A_15 = arith.constant 0 : index
    %get3A_16 = arith.constant 0 : index
    %get3A_17 = vector.load %arg4[%get3A_14, %get3A_15, %get3A_16] : memref<1x1280x1xf32, #tpu.memory_space<vmem>>, vector<1x1280x1xf32>
    %get3A_18 = vector.shape_cast %get3A_17 : vector<1x1280x1xf32> to vector<1280x1xf32>
    %add3A = arith.addf %get3A_13, %get3A_18 : vector<1280x1xf32>
    %mul3A = arith.mulf %get3A_8, %add3A : vector<1280x1xf32>
    %mul3A_19 = arith.mulf %get3A_8, %get3A_8 : vector<1280x1xf32>
    %add3A_20 = arith.addf %mul3A, %mul3A_19 : vector<1280x1xf32>
    %add3A_21 = arith.constant 2.000000e+00 : f32
    %add3A_22 = vector.broadcast %add3A_21 : f32 to vector<1280x1xf32>
    %add3A_23 = arith.addf %add3A_20, %add3A_22 : vector<1280x1xf32>
    %rsqrt3A = math.rsqrt %add3A_23 : vector<1280x1xf32>
    %mul3A_24 = arith.mulf %get3A_8, %rsqrt3A : vector<1280x1xf32>
    %swap3A = arith.constant 0 : index
    %swap3A_25 = arith.constant 0 : index
    %swap3A_26 = vector.load %arg6[%swap3A, %swap3A_25] : memref<1280x128xf32, #tpu.memory_space<vmem>>, vector<1280x128xf32>
    tpu.vector_store %arg6[%swap3A, %swap3A_25], %dot_general3A_5 {strides = array<i32>} : memref<1280x128xf32, #tpu.memory_space<vmem>>, vector<1280x128xf32>,
    %mul3A_27 = vector.broadcast %mul3A_24 : vector<1280x1xf32> to vector<1280x128xf32>
    %mul3A_28 = arith.mulf %mul3A_27, %dot_general3A_5 : vector<1280x128xf32>
    %swap3A_29 = arith.constant 0 : index
    %swap3A_30 = arith.constant 0 : index
    %swap3A_31 = vector.load %arg7[%swap3A_29, %swap3A_30] : memref<1280x128xf32, #tpu.memory_space<vmem>>, vector<1280x128xf32>
    tpu.vector_store %arg7[%swap3A_29, %swap3A_30], %mul3A_28 {strides = array<i32>} : memref<1280x128xf32, #tpu.memory_space<vmem>>, vector<1280x128xf32>,
    %swap3A_32 = arith.constant 0 : index
    %swap3A_33 = arith.constant 0 : index
    %swap3A_34 = vector.load %arg8[%swap3A_32, %swap3A_33] : memref<1280x1xf32, #tpu.memory_space<vmem>>, vector<1280x1xf32>
    tpu.vector_store %arg8[%swap3A_32, %swap3A_33], %mul3A_24 {strides = array<i32>} : memref<1280x1xf32, #tpu.memory_space<vmem>>, vector<1280x1xf32>,
    %mul3A_35 = arith.mulf %mul3A_24, %mul3A_24 : vector<1280x1xf32>
    %mul3A_36 = arith.mulf %rsqrt3A, %rsqrt3A : vector<1280x1xf32>
    %mul3A_37 = arith.constant 2.000000e+00 : f32
    %mul3A_38 = vector.broadcast %mul3A_37 : f32 to vector<1280x1xf32>
    %mul3A_39 = arith.mulf %mul3A_38, %mul3A_36 : vector<1280x1xf32>
    %add3A_40 = arith.addf %mul3A_35, %mul3A_39 : vector<1280x1xf32>
    %swap3A_41 = arith.constant 0 : index
    %swap3A_42 = arith.constant 0 : index
    %swap3A_43 = vector.load %arg9[%swap3A_41, %swap3A_42] : memref<1280x1xf32, #tpu.memory_space<vmem>>, vector<1280x1xf32>
    tpu.vector_store %arg9[%swap3A_41, %swap3A_42], %add3A_40 {strides = array<i32>} : memref<1280x1xf32, #tpu.memory_space<vmem>>, vector<1280x1xf32>,
    return
  }
  func.func @transform_0(%arg0: i32) -> (i32, i32) {
    %c0_i32 = arith.constant 0 : i32
    %c0_i32_0 = arith.constant 0 : i32
    return %arg0, %c0_i32 : i32, i32
  }
  func.func @transform_1(%arg0: i32) -> (i32, i32) {
    %c0_i32 = arith.constant 0 : i32
    %c0_i32_0 = arith.constant 0 : i32
    %c0_i32_1 = arith.constant 0 : i32
    return %c0_i32, %c0_i32_0 : i32, i32
  }
  func.func @transform_2(%arg0: i32) -> (i32, i32, i32) {
    %c0_i32 = arith.constant 0 : i32
    %c0_i32_0 = arith.constant 0 : i32
    %c0_i32_1 = arith.constant 0 : i32
    return %c0_i32, %arg0, %c0_i32_0 : i32, i32, i32
  }
  func.func @transform_3(%arg0: i32) -> (i32, i32, i32) {
    %c1_i32 = arith.constant 1 : i32
    %c0_i32 = arith.constant 0 : i32
    %c0_i32_0 = arith.constant 0 : i32
    return %c1_i32, %arg0, %c0_i32 : i32, i32, i32
  }
  func.func @transform_4(%arg0: i32) -> (i32, i32) {
    %c0_i32 = arith.constant 0 : i32
    %c0_i32_0 = arith.constant 0 : i32
    return %arg0, %c0_i32 : i32, i32
  }
  func.func @transform_5(%arg0: i32) -> (i32, i32) {
    %c0_i32 = arith.constant 0 : i32
    %c0_i32_0 = arith.constant 0 : i32
    return %arg0, %c0_i32 : i32, i32
  }
  func.func @transform_6(%arg0: i32) -> (i32, i32) {
    %c0_i32 = arith.constant 0 : i32
    %c0_i32_0 = arith.constant 0 : i32
    return %arg0, %c0_i32 : i32, i32
  }
  func.func @transform_7(%arg0: i32) -> (i32, i32) {
    %c0_i32 = arith.constant 0 : i32
    %c0_i32_0 = arith.constant 0 : i32
    return %arg0, %c0_i32 : i32, i32
  }
  func.func @transform_8(%arg0: i32) -> (i32, i32) {
    %c0_i32 = arith.constant 0 : i32
    %c0_i32_0 = arith.constant 0 : i32
    return %arg0, %c0_i32 : i32, i32
  }
}

module attributes {stable_mosaic.version = 14 : i64} {
  func.func @_fin_body(%arg0: i32, %arg1: memref<2x1280x128xf32, #tpu.memory_space<vmem>>, %arg2: memref<1280x128xf32, #tpu.memory_space<vmem>>, %arg3: memref<1280x128xf32, #tpu.memory_space<vmem>>, %arg4: memref<1280x1xf32, #tpu.memory_space<vmem>>, %arg5: memref<1280x1xf32, #tpu.memory_space<vmem>>, %arg6: memref<2x128xf32, #tpu.memory_space<vmem>>, %arg7: memref<1280x128xf32, #tpu.memory_space<vmem>>) attributes {dimension_semantics = [#tpu.dimension_semantics<arbitrary>], iteration_bounds = array<i64: 8>, scalar_prefetch = 0 : i64, scratch_operands = 0 : i64, tpu.core_type = #tpu.core_type<tc>, window_params = [{transform_indices = @transform_0, window_bounds = array<i64: 2, 1280, 128>}, {transform_indices = @transform_1, window_bounds = array<i64: 1280, 128>}, {transform_indices = @transform_2, window_bounds = array<i64: 1280, 128>}, {transform_indices = @transform_3, window_bounds = array<i64: 1280, 1>}, {transform_indices = @transform_4, window_bounds = array<i64: 1280, 1>}, {pipeline_mode = #tpu.pipeline_mode<synchronous>, transform_indices = @transform_5, window_bounds = array<i64: 2, 128>}, {transform_indices = @transform_6, window_bounds = array<i64: 1280, 128>}]} {
    %get3A = arith.constant 0 : index
    %get3A_0 = arith.constant 0 : index
    %get3A_1 = vector.load %arg4[%get3A, %get3A_0] : memref<1280x1xf32, #tpu.memory_space<vmem>>, vector<1280x1xf32>
    %get3A_2 = arith.constant 0 : index
    %get3A_3 = arith.constant 0 : index
    %get3A_4 = arith.constant 0 : index
    %get3A_5 = vector.load %arg1[%get3A_2, %get3A_3, %get3A_4] : memref<2x1280x128xf32, #tpu.memory_space<vmem>>, vector<1x1280x128xf32>
    %get3A_6 = vector.shape_cast %get3A_5 : vector<1x1280x128xf32> to vector<1280x128xf32>
    %get3A_7 = arith.constant 1 : index
    %get3A_8 = arith.constant 0 : index
    %get3A_9 = arith.constant 0 : index
    %get3A_10 = vector.load %arg1[%get3A_7, %get3A_8, %get3A_9] : memref<2x1280x128xf32, #tpu.memory_space<vmem>>, vector<1x1280x128xf32>
    %get3A_11 = vector.shape_cast %get3A_10 : vector<1x1280x128xf32> to vector<1280x128xf32>
    %add3A = arith.addf %get3A_6, %get3A_11 : vector<1280x128xf32>
    %mul3A = vector.broadcast %get3A_1 : vector<1280x1xf32> to vector<1280x128xf32>
    %mul3A_12 = arith.mulf %mul3A, %add3A : vector<1280x128xf32>
    %get3A_13 = arith.constant 0 : index
    %get3A_14 = arith.constant 0 : index
    %get3A_15 = vector.load %arg5[%get3A_13, %get3A_14] : memref<1280x1xf32, #tpu.memory_space<vmem>>, vector<1280x1xf32>
    %get3A_16 = arith.constant 0 : index
    %get3A_17 = arith.constant 0 : index
    %get3A_18 = vector.load %arg2[%get3A_16, %get3A_17] : memref<1280x128xf32, #tpu.memory_space<vmem>>, vector<1280x128xf32>
    %mul3A_19 = vector.broadcast %get3A_15 : vector<1280x1xf32> to vector<1280x128xf32>
    %mul3A_20 = arith.mulf %mul3A_19, %get3A_18 : vector<1280x128xf32>
    %add3A_21 = arith.addf %mul3A_12, %mul3A_20 : vector<1280x128xf32>
    %get3A_22 = arith.constant 0 : index
    %get3A_23 = arith.constant 0 : index
    %get3A_24 = vector.load %arg6[%get3A_22, %get3A_23] : memref<2x128xf32, #tpu.memory_space<vmem>>, vector<1x128xf32>
    %mul3A_25 = vector.broadcast %get3A_24 : vector<1x128xf32> to vector<1280x128xf32>
    %mul3A_26 = arith.mulf %add3A_21, %mul3A_25 : vector<1280x128xf32>
    %get3A_27 = arith.constant 1 : index
    %get3A_28 = arith.constant 0 : index
    %get3A_29 = vector.load %arg6[%get3A_27, %get3A_28] : memref<2x128xf32, #tpu.memory_space<vmem>>, vector<1x128xf32>
    %add3A_30 = vector.broadcast %get3A_29 : vector<1x128xf32> to vector<1280x128xf32>
    %add3A_31 = arith.addf %mul3A_26, %add3A_30 : vector<1280x128xf32>
    %max3A = arith.constant 0.000000e+00 : f32
    %max3A_32 = vector.broadcast %max3A : f32 to vector<1280x128xf32>
    %max3A_33 = arith.maximumf %add3A_31, %max3A_32 : vector<1280x128xf32>
    %get3A_34 = arith.constant 0 : index
    %get3A_35 = arith.constant 0 : index
    %get3A_36 = vector.load %arg3[%get3A_34, %get3A_35] : memref<1280x128xf32, #tpu.memory_space<vmem>>, vector<1280x128xf32>
    %add3A_37 = arith.addf %max3A_33, %get3A_36 : vector<1280x128xf32>
    %max3A_38 = arith.constant 0.000000e+00 : f32
    %max3A_39 = vector.broadcast %max3A_38 : f32 to vector<1280x128xf32>
    %max3A_40 = arith.maximumf %add3A_37, %max3A_39 : vector<1280x128xf32>
    %swap3A = arith.constant 0 : index
    %swap3A_41 = arith.constant 0 : index
    %swap3A_42 = vector.load %arg7[%swap3A, %swap3A_41] : memref<1280x128xf32, #tpu.memory_space<vmem>>, vector<1280x128xf32>
    tpu.vector_store %arg7[%swap3A, %swap3A_41], %max3A_40 {strides = array<i32>} : memref<1280x128xf32, #tpu.memory_space<vmem>>, vector<1280x128xf32>,
    return
  }
  func.func @transform_0(%arg0: i32) -> (i32, i32, i32) {
    %c0_i32 = arith.constant 0 : i32
    %c0_i32_0 = arith.constant 0 : i32
    %c0_i32_1 = arith.constant 0 : i32
    return %c0_i32, %arg0, %c0_i32_0 : i32, i32, i32
  }
  func.func @transform_1(%arg0: i32) -> (i32, i32) {
    %c0_i32 = arith.constant 0 : i32
    %c0_i32_0 = arith.constant 0 : i32
    return %arg0, %c0_i32 : i32, i32
  }
  func.func @transform_2(%arg0: i32) -> (i32, i32) {
    %c0_i32 = arith.constant 0 : i32
    %c0_i32_0 = arith.constant 0 : i32
    return %arg0, %c0_i32 : i32, i32
  }
  func.func @transform_3(%arg0: i32) -> (i32, i32) {
    %c0_i32 = arith.constant 0 : i32
    %c0_i32_0 = arith.constant 0 : i32
    return %arg0, %c0_i32 : i32, i32
  }
  func.func @transform_4(%arg0: i32) -> (i32, i32) {
    %c0_i32 = arith.constant 0 : i32
    %c0_i32_0 = arith.constant 0 : i32
    return %arg0, %c0_i32 : i32, i32
  }
  func.func @transform_5(%arg0: i32) -> (i32, i32) {
    %c0_i32 = arith.constant 0 : i32
    %c0_i32_0 = arith.constant 0 : i32
    %c0_i32_1 = arith.constant 0 : i32
    return %c0_i32, %c0_i32_0 : i32, i32
  }
  func.func @transform_6(%arg0: i32) -> (i32, i32) {
    %c0_i32 = arith.constant 0 : i32
    %c0_i32_0 = arith.constant 0 : i32
    return %arg0, %c0_i32 : i32, i32
  }
}

</mosaic_0001>

<sc_bundles>
// kernel: kernel.6.cloned.1.call-start
scs
__scs_entry_jumppad:
0x0: {  	(pc) =	sbr.rel $0x88, $3  }
0x1: {  	(tag) =	ssettag $0x0;
	lr =	simm.s32 $0x1  }
0x2: {  	[smem:$0x3F9B] =	sst lr;
	_ =	strace $0xD0000000  }
0x3: {  	_ = 	snop  }
0x4: {  	_ = 	snop  }
0x5: {  	_ = 	snop  }
0x6: {  	_ = 	snop  }
0x7: {  	_ = 	snop  }
__scs_overlays_trampoline_lowered:
0x8: {  	[smem:$0x3FAA] =	sst s0  }
0x9: {  	[smem:$0x3FAB] =	sst s1  }
0xa: {  	[smem:$0x3FAC] =	sst s2  }
0xb: {  	[smem:$0x3FAD] =	sst s3  }
0xc: {  	[smem:$0x3FAE] =	sst s4  }
0xd: {  	[smem:$0x3FAF] =	sst s5  }
0xe: {  	[smem:$0x3FB0] =	sst s6  }
0xf: {  	[smem:$0x3FB1] =	sst s7  }
0x10: {  	[smem:$0x3FB2] =	sst s8  }
0x11: {  	[smem:$0x3FB3] =	sst s9;
	s0 =	simm.s32 @!p0 $0x0  }
0x12: {  	s1 =	sld [smem:$0x3F99];
	s0 =	simm.s32 @p0 $0x1  }
0x13: {  	[smem:$0x3FB4] =	sst s0;
	s0 =	simm.s32 @!p1 $0x0  }
0x14: {  	s2 =	sld [smem:$0x3F98];
	s0 =	simm.s32 @p1 $0x1  }
0x15: {  	[smem:$0x3FB5] =	sst s0;
	s0 =	simm.s32 @!p2 $0x0  }
0x16: {  	s3 =	sld [smem:$0x3FDB];
	s0 =	simm.s32 @p2 $0x1  }
0x17: {  	s4 =	simm.s32 $0x1BF5;
	[smem:$0x3FB7] =	sst s0  }
0x18: {  	s0 =	sld [smem:$0x3F9A];
	_ =	swait.ge [sflag:s4], $0x0  }
0x19: {  	s7 =	sld [smem:$0x3F9B]  }
0x1a: {  	s8 =	sadd.s32 $0xFFFFE003, lr  }
0x1b: {  	s9 =	sadd.s32 $0xFFFFFEF7, lr;
	s5 =	simm.s32 $0xFFFFFFFF;
	p2 =	slt.u32 s8, $0xFFFFF086  }
0x1c: {  	p1 =	slt.u32 s9, $0xF7A;
	s5 =	simm.s32 @!p2 $0x0  }
0x1d: {  	s5 =	simm.s32 @p1 $0x1;
	p0 =	seq.s32 s7, s2  }
0x1e: {  	s7 =	smul.u32 @!p0 $0xF7A, s2;
	p2 =	seq.s32 @!p0 s5, $0x0  }
0x1f: {  	s9 =	smul.u32 $0xF7A, s1;
	s8 =	simm.s32 @!p0 $0x1BF5;
	p2 =	por !p2, p0  }
0x20: {  	[sflag:s8] =	ssyncset.s32 @!p0 $0xFFFFF086;
	s6 =	sadd.s32 @!p0 s3, s7;
	s7 =	simm.s32 @!p0 $0x108  }
0x21: {  	s3 =	sadd.s32 s3, s9;
	s6 =	sadd.s32 @!p0 $0x88, s6;
	s7 =	simm.s32 @p2 $0x1082  }
0x22: {  	[simem:s7], [sflag:s8] =	dma.local @!p0 [hbm:s6], $0xF7A  }
0x23: {  	s9 =	sor.u32 $0xD0000000, s2;
	s6 =	simm.s32 $0x108;
	_ =	swait.ge @!p0 [sflag:s8], $0x0  }
0x24: {  	s3 =	sadd.s32 $0x88, s3;
	s6 =	simm.s32 @!p1 $0x1082;
	[sflag:s4] =	ssyncset.s32 $0xFFFFF086  }
0x25: {  	[simem:s6], [sflag:s4] =	dma.local [hbm:s3], $0xF7A  }
0x26: {  	[smem:$0x3F9B] =	sst s1;
	(tag) =	ssettag s2;
	_ =	strace s9  }
0x27: {  	s1 =	sld [smem:$0x3FAB]  }
0x28: {  	s2 =	sld [smem:$0x3FAC]  }
0x29: {  	s4 =	sld [smem:$0x3FAE]  }
0x2a: {  	p0 =	seq.s32 s5, $0x0;
	s5 =	sld [smem:$0x3FAF]  }
0x2b: {  	s6 =	sld [smem:$0x3FB0]  }
0x2c: {  	s7 =	sld [smem:$0x3FB1]  }
0x2d: {  	s3 =	simm.s32 $0x108;
	s8 =	sld [smem:$0x3FB2]  }
0x2e: {  	s3 =	simm.s32 @!p0 $0x1082;
	s9 =	sld [smem:$0x3FB3]  }
0x2f: {  	lr =	sadd.s32 s0, s3;
	s0 =	sld [smem:$0x3FAA]  }
0x30: {  	s3 =	sld [smem:$0x3FAD]  }
0x31: {  	[smem:$0x3FB6] =	sst s10  }
0x32: {  	s10 =	sld [smem:$0x3FB4];
	_ =	sdelay $0x3  }
0x33: {  	p0 =	seq.s32 s10, $0x1;
	s10 =	sld [smem:$0x3FB6];
	_ =	sdelay $0x3  }
0x34: {  	[smem:$0x3FB6] =	sst s10  }
0x35: {  	s10 =	sld [smem:$0x3FB5];
	_ =	sdelay $0x3  }
0x36: {  	p1 =	seq.s32 s10, $0x1;
	s10 =	sld [smem:$0x3FB6];
	_ =	sdelay $0x3  }
0x37: {  	[smem:$0x3FB6] =	sst s10  }
0x38: {  	s10 =	sld [smem:$0x3FB7]  }
0x39: {  	_ = 	snop;
	(pc) =	sbr.ind lr, $3  }
0x3a: {  	_ = 	snop  }
0x3b: {  	_ = 	snop  }
0x3c: {  	p2 =	seq.s32 s10, $0x1;
	s10 =	sld [smem:$0x3FB6]  }
0x3d: {  	_ =	shalt  }
0x3e: {  	_ =	shalt  }
0x3f: {  	_ =	shalt  }
0x40: {  	_ =	shalt  }
0x41: {  	_ =	shalt  }
0x42: {  	_ =	shalt  }
0x43: {  	_ =	shalt  }
0x44: {  	_ =	shalt  }
0x45: {  	_ =	shalt  }
0x46: {  	_ =	shalt  }
0x47: {  	_ =	shalt  }
0x48: {  	_ =	shalt  }
0x49: {  	_ =	shalt  }
0x4a: {  	_ =	shalt  }
0x4b: {  	_ =	shalt  }
0x4c: {  	_ =	shalt  }
0x4d: {  	_ =	shalt  }
0x4e: {  	_ =	shalt  }
0x4f: {  	_ =	shalt  }
0x50: {  	_ =	shalt  }
0x51: {  	_ =	shalt  }
0x52: {  	_ =	shalt  }
0x53: {  	_ =	shalt  }
0x54: {  	_ =	shalt  }
0x55: {  	_ =	shalt  }
0x56: {  	_ =	shalt  }
0x57: {  	_ =	shalt  }
0x58: {  	_ =	shalt  }
0x59: {  	_ =	shalt  }
0x5a: {  	_ =	shalt  }
0x5b: {  	_ =	shalt  }
0x5c: {  	_ =	shalt  }
0x5d: {  	_ =	shalt  }
0x5e: {  	_ =	shalt  }
0x5f: {  	_ =	shalt  }
0x60: {  	_ =	shalt  }
0x61: {  	_ =	shalt  }
0x62: {  	_ =	shalt  }
0x63: {  	_ =	shalt  }
0x64: {  	_ =	shalt  }
0x65: {  	_ =	shalt  }
0x66: {  	_ =	shalt  }
0x67: {  	_ =	shalt  }
0x68: {  	_ =	shalt  }
0x69: {  	_ =	shalt  }
0x6a: {  	_ =	shalt  }
0x6b: {  	_ =	shalt  }
0x6c: {  	_ =	shalt  }
0x6d: {  	_ =	shalt  }
0x6e: {  	_ =	shalt  }
0x6f: {  	_ =	shalt  }
0x70: {  	_ =	shalt  }
0x71: {  	_ =	shalt  }
0x72: {  	_ =	shalt  }
0x73: {  	_ =	shalt  }
0x74: {  	_ =	shalt  }
0x75: {  	_ =	shalt  }
0x76: {  	_ =	shalt  }
0x77: {  	_ =	shalt  }
0x78: {  	_ =	shalt  }
0x79: {  	_ =	shalt  }
0x7a: {  	_ =	shalt  }
0x7b: {  	_ =	shalt  }
0x7c: {  	_ =	shalt  }
0x7d: {  	_ =	shalt  }
0x7e: {  	_ =	shalt  }
0x7f: {  	_ =	shalt  }
0x80: {  	_ =	shalt  }
0x81: {  	_ =	shalt  }
0x82: {  	_ =	shalt  }
0x83: {  	_ =	shalt  }
0x84: {  	_ =	shalt  }
0x85: {  	_ =	shalt  }
0x86: {  	_ =	shalt  }
0x87: {  	_ =	shalt  }
.Lfunc_end0:
.L_simem_size_0:
called_computation_lowered:
.L_overlay_start_0:
0x88: {  	s2 =	sld [smem:$0x3FD9]  }
0x89: {  	s3 =	sld [smem:$0x3FFE];
	_ =	sdelay $0x1  }
0x8a: {  	s1 =	srdreg.scid  }
0x8b: {  	s0 =	sand.u32 $0x1, s1  }
0x8c: {  	s16 =	sshll.u32 s0, $0xA;
	s2 =	sadd.s32 s3, s2  }
0x8d: {  	s2 =	sadd.s32 s2, s16  }
0x8e: {  	[smem:$0x3FC2] =	sst s2  }
0x8f: {  	_ = 	snop  }
0x90: {  	(tm) =	ssettm $0x1  }
0x91: {  	s17 =	sld [smem:$0x3FFB];
	_ =	sdelay $0x3  }
0x92: {  	_ =	strace s17  }
0x93: {  	s2 =	sld [smem:$0x3FFC];
	_ =	sdelay $0x3  }
0x94: {  	_ =	strace s2  }
0x95: {  	s2 =	sld [smem:$0x3FFD];
	_ =	sdelay $0x3  }
0x96: {  	_ =	strace s2  }
0x97: {  	_ =	strace $0x8FFFFFFF  }
0x98: {  	s18 =	sld [smem:$0x3FDB];
	_ =	sdelay $0x1  }
0x99: {  	s19 =	simm.s32 $_scs_section_size  }
0x9a: {  	s4 =	simm.s32 $_size__tile_overlayer_lowered;
	s5 =	simm.s32 $_tile_overlayer_lowered  }
0x9b: {  	s22 =	simm.s32 $0x1BFF;
	s21 =	sshll.u32 s5, $0x1;
	s2 =	sadd.s32 s19, s18  }
0x9c: {  	s6 =	simm.s32 $0x0;
	s20 =	sshll.u32 s4, $0x1;
	s4 =	sadd.s32 s21, s2  }
0x9d: {  	[timem:s6], [sflag:s22] =	dma.local [hbm:s4], s20  }
0x9e: {  	_ =	swait.ge [sflag:s22], s20  }
0x9f: {  	s3 =	ssub.s32 $0x0, s20;
	[sflag:s22] =	ssyncset.done $0x0  }
0xa0: {  	[sflag:s22] =	ssyncadd.s32 s3;
	_ =	sdelay $0x1  }
0xa1: {  	s23 =	simm.s32 $0x1B8B  }
0xa2: {  	_ =	swait.ge [sflag:s23], $0x1  }
0xa3: {  	[sflag:s23] =	ssyncset.done $0x0  }
0xa4: {  	s25 =	simm.s32 $0x1B8E;
	s24 =	sld [smem:$0x3FFE];
	[sflag:s23] =	ssyncadd.s32 $0xFFFFFFFF  }
0xa5: {  	s26 =	simm.s32 $execute0_lowered;
	[smem:$0x3FD2] =	sst s25  }
0xa6: {  	s4 =	sshll.u32 s26, $0x1;
	_ =	strace $0x80000046;
	[dreg:$0x1] =	wrdreg $0xFFFFFFFF  }
0xa7: {  	s28 =	simm.s32 $_size_execute0_lowered;
	s2 =	sadd.s32 s2, s4;
	[dreg:$0x0] =	wrdreg $0x0  }
0xa8: {  	s4 =	sshll.u32 s28, $0x1;
	[dreg:$0x2] =	wrdreg s2  }
0xa9: {  	[dreg:$0x3] =	wrdreg s4  }
0xaa: {  	[dreg:$0x4] =	wrdreg $0xC0  }
0xab: {  	_ =	task [dreg:s6], $0x5FFFF  }
0xac: {  	[dreg:$0x1] =	wrdreg $0xFFFFFFFF  }
0xad: {  	[dreg:$0x0] =	wrdreg $0x60  }
0xae: {  	[dreg:$0x2] =	wrdreg s24  }
0xaf: {  	[dreg:$0x3] =	wrdreg $0xF3800  }
0xb0: {  	[dreg:$0x4] =	wrdreg $0xF6000  }
0xb1: {  	[dreg:$0x5] =	wrdreg $0x9  }
0xb2: {  	_ =	task.clear_ibuf [dreg:s6], $0x6FFFF;
	_ =	strace $0x90000046  }
0xb3: {  	s29 =	simm.s32 $0x9;
	_ =	strace $0x80000048  }
0xb4: {  	_ =	swait.ge [sflag:s29], $0x1  }
0xb5: {  	[sflag:s29] =	ssyncadd.s32 $0xFFFFFFFF  }
0xb6: {  	_ =	strace $0x90000048  }
0xb7: {  	_ =	sfence  }
0xb8: {  	s30 =	sld [smem:$0x0];
	_ =	sdelay $0x2  }
0xb9: {  	s31 =	sshll.u32 s1, $0xD;
	s1 =	sshrl.u32 s1, $0x2  }
0xba: {  	s3 =	sand.u32 $0x4000, s31;
	s1 =	sadd.s32 s1, s30  }
0xbb: {  	s0 =	sor.u32 s3, s0;
	s1 =	sshll.u32 s1, $0x11  }
0xbc: {  	s0 =	sor.u32 s1, s0  }
0xbd: {  	s0 =	sadd.s32 $0x8F2B, s0  }
0xbe: {  	[sflag:s0] =	ssyncadd.remote.s32 $0x1  }
0xbf: {  	_ =	sfence.sel $0xFFFF  }
0xc0: {  	[dreg:$0x0] =	wrdreg $0xFFFFFFFF;
	(pc) =	sbr.abs _section_cstart, $3  }
0xc1: {  	[dreg:$0x1] =	wrdreg $0xFFFFFFFF  }
0xc2: {  	_ =	task.clear_ibuf [dreg:s6], $0x2FFFF;
	_ =	strace $0x9FFFFFFF  }
0xc3: {  	(tm) =	ssettm $0x7FFFFFFF  }
tec
execute0_lowered:
.L_overlay_start_1:
0x0: {  	(tag) =	ssettag $0x1  }
0x1: {  	s0 =	srdreg.scid;
	s1 =	rddreg [dreg:$0x0]  }
0x2: {  	s2 =	rddreg [dreg:$0x1];
	s22 =	stileid.u32  }
0x3: {  	s3 =	rddreg [dreg:$0x2];
	s15 =	simm.s32 $0x80;
	s16 =	simm.s32 $0x400  }
0x4: {  	s17 =	simm.s32 $0x1;
	s18 =	simm.s32 $0x9E80;
	s19 =	simm.s32 $0xC680  }
0x5: {  	s21 =	simm.s32 $0xEE80;
	s28 =	simm.s32 $0x10;
	s29 =	simm.s32 $0x0  }
0x6: {  	s23 =	sand.u32 $0x1, s0;
	s4 =	sshrl.u32 s22, $0x3;
	s10 =	smul.u32 $0x280, s22  }
0x7: {  	s8 =	sshll.u32 s22, $0x7;
	s25 =	smul.u32 $0xA0, s22;
	s31 =	sshll.u32 s22, $0x6  }
0x8: {  	s7 =	sshll.u32 s23, $0x4;
	s6 =	smul.u32 $0x27800, s4;
	s4 =	simm.s32 $0x0  }
0x9: {  	s8 =	sand.u32 $0x380, s8;
	s11 =	ssub.s32 $0x2, s23;
	s20 =	sor.u32 $0x1C01, s31  }
0xa: {  	p0 =	sne.s32 s23, $0x0;
	s23 =	simm.s32 $0x4F00;
	s5 =	sor.u32 s22, s7  }
0xb: {  	[smem:$0x7FF] =	sst s4;
	s9 =	sshrl.u32 s10, $0x3;
	s13 =	sadd.s32 s7, s1  }
0xc: {  	s30 =	sshrl.u32 s11, $0x1;
	s22 =	simm.s32 $0xF100;
	s5 =	sshrl.u32 s5, $0x3  }
0xd: {  	_ =	strace $0x80000047;
	s6 =	sor.u32 s8, s6;
	s14 =	ssub.s32 s11, s30  }
0xe: {  	s24 =	sadd.s32 $0x20C00, s13;
	s5 =	smul.u32 $0x13C00, s5;
	s6 =	sshrl.u32 s6, $0x3  }
0xf: {  	s14 =	smax.u32 s14, $0x1;
	s24 =	sadd.s32 s25, s24;
	s25 =	simm.s32 $0x7680  }
0x10: {  	s26 =	sadd.s32 s6, s1;
	s6 =	sadd.s32 $0x16200, s1;
	s5 =	sor.u32 s8, s5  }
0x11: {  	s7 =	sadd.s32 $0xC400, s26;
	s8 =	sadd.s32 s10, s2;
	s5 =	sshrl.u32 s5, $0x3  }
0x12: {  	s10 =	sadd.s32 s10, s3;
	s12 =	sadd.s32 s5, s1;
	s5 =	sadd.s32 $0x20600, s1  }
0x13: {  	s26 =	simm.s32 $0x20;
	s1 =	sadd.s32 s9, s1;
	s9 =	sadd.s32 s5, s9  }
0x14: {  	v0 =	vimm.f32 $1.000000000e+00;
	s11 =	sadd.s32 $0x2600, s12;
	s12 =	sadd.s32 $0x16800, s12;
	s13 =	sadd.s32 $0x21600, s1  }
.LBB2_1:
0x15: {  	[tilespmem:s4], [sflag:$0x1] =	stream.strided.gather [hbm4b:s7+s15], $0x4F00, s16, s15, $0x38;
	[tilespmem:$0xF880] =	vst v63  }
0x16: {  	_ =	swait.ge [sflag:s17], $0x4F00  }
0x17: {  	[sflag:s17] =	ssyncset.done $0x0  }
0x18: {  	[sflag:s17] =	ssyncadd.s32 $0xFFFFB100  }
0x19: {  	[tilespmem:s18], [sflag:$0x1] =	stream.linear.gather [hbm4b:s5+s4], $0x2800, $0x38;
	[tilespmem:$0xF880] =	vst v63  }
0x1a: {  	_ =	swait.ge [sflag:s17], $0x2800  }
0x1b: {  	[sflag:s17] =	ssyncset.done $0x0  }
0x1c: {  	[sflag:s17] =	ssyncadd.s32 $0xFFFFD800  }
0x1d: {  	[tilespmem:s19], [sflag:$0x1] =	stream.linear.gather [hbm4b:s6+s4], $0x2800, $0x38;
	[tilespmem:$0xF880] =	vst v63  }
0x1e: {  	_ =	swait.ge [sflag:s17], $0x2800  }
0x1f: {  	[sflag:s17] =	ssyncset.done $0x0  }
0x20: {  	s30 =	sshrl.u32 s8, $0x3;
	[sflag:s17] =	ssyncadd.s32 $0xFFFFD800  }
0x21: {  	[spmem:s30], [sflag:s20] =	dma.local [hbm:s9], $0x50  }
0x22: {  	_ =	swait.ge [sflag:s17], $0x50  }
0x23: {  	[sflag:s17] =	ssyncset.done $0x0  }
0x24: {  	s31 =	simm.s32 $0x0;
	s1 =	simm.s32 $0x40;
	[sflag:s17] =	ssyncadd.s32 $0xFFFFFFB0  }
.LBB2_2:
0x25: {  	p1 =	sne.s32 s1, $0x13BC0;
	v1 =	vld [tilespmem:s31+$0x0];
	_ =	sdelay $0x3  }
.Ltmp0:
0x26: {  	(pc) =	sbr.rel @p1 .LBB2_2-.Ltmp0, $2  }
0x27: {  	_ =	sdelay $0x2  }
0x28: {  	s31 =	sshra.s32 s1, $0x2;
	s1 =	sadd.s32 $0x40, s1;
	[tilespmem:v1+s18+$0x0] =	vst.idx.add.f32.msk $0xffff, v0  }
0x29: {  	v1 =	vld [tilespmem:s31+$0x0];
	_ =	sdelay $0x7  }
0x2a: {  	[tilespmem:v1+s18+$0x0] =	vst.idx.add.f32.msk $0xffff, v0  }
0x2b: {  	s1 =	simm.s32 $0x9E80;
	s31 =	simm.s32 $0xC680;
	[bflag:$0x0] =	sbarrier.arrive $0xFFFF  }
0x2c: {  	[spmem:s2] =	stream.indirect.scatter.add.f32 [tilespmem:s1], [sflag:$0x1], $0x1, s31, s15, $0xb8;
	[tilespmem:$0xF880] =	vst v63  }
0x2d: {  	s31 =	simm.s32 $0x200;
	_ =	swait.ge [sflag:s17], $0x80  }
.LBB2_4:
0x2e: {  	s1 =	sshra.s32 s31, $0x2  }
0x2f: {  	[sflag:s17] =	ssyncset.done $0x0;
	p1 =	sne.s32 s31, $0x9E00;
	s0 =	sadd.s32 $0x9E80, s1  }
.Ltmp1:
0x30: {  	s1 =	sadd.s32 $0xC680, s1;
	[sflag:s17] =	ssyncadd.s32 $0xFFFFFF80;
	(pc) =	sbr.rel @p1 .LBB2_4-.Ltmp1, $3  }
0x31: {  	[spmem:s2] =	stream.indirect.scatter.add.f32 [tilespmem:s0], [sflag:$0x1], $0x1, s1, s15, $0xb8;
	[tilespmem:$0xF880] =	vst v63  }
0x32: {  	s31 =	sadd.s32 $0x200, s31;
	_ =	sdelay $0x1  }
0x33: {  	_ =	swait.ge [sflag:s17], $0x80  }
0x34: {  	[sflag:s17] =	ssyncset.done $0x0  }
0x35: {  	[sflag:s17] =	ssyncadd.s32 $0xFFFFFF80  }
0x36: {  	[bflag:$0x0] =	sbarrier.arrive $0xFFFF  }
0x37: {  	[tilespmem:s21], [sflag:$0x1] =	stream.linear.gather [spmem:s8], $0x280, $0x38;
	[tilespmem:$0xF880] =	vst v63  }
0x38: {  	_ =	swait.ge [sflag:s17], $0x280  }
0x39: {  	[sflag:s17] =	ssyncset.done $0x0  }
0x3a: {  	[sflag:s17] =	ssyncadd.s32 $0xFFFFFD80  }
0x3b: {  	v1 =	vld [tilespmem:$0xEE80]  }
0x3c: {  	v2 =	vld [tilespmem:$0xEE90];
	_ =	sdelay $0x3  }
0x3d: {  	v1 =	vadd.f32 $1.000000000e+00, v1  }
0x3e: {  	v2 =	vadd.f32 $1.000000000e+00, v2  }
0x3f: {  	v3 =	vshra.s32 v1, $0x1;
	v1 =	vmul.f32 $5.000000000e-01, v1  }
0x40: {  	v7 =	vld [tilespmem:$0xEEA0];
	v5 =	vshra.s32 v2, $0x1;
	v2 =	vmul.f32 $5.000000000e-01, v2;
	v3 =	vsub.s32 $0x5F3759DF, v3  }
0x41: {  	v8 =	vld [tilespmem:$0xEEB0];
	v5 =	vsub.s32 $0x5F3759DF, v5;
	v4 =	vmul.f32 v3, v1  }
0x42: {  	v6 =	vmul.f32 v5, v2  }
0x43: {  	v4 =	vmul.f32 v3, v4  }
0x44: {  	v6 =	vmul.f32 v5, v6  }
0x45: {  	v30 =	vadd.f32 $1.000000000e+00, v7;
	v4 =	vsub.f32 $1.500000000e+00, v4  }
0x46: {  	v31 =	vadd.f32 $1.000000000e+00, v8;
	v28 =	vsub.f32 $1.500000000e+00, v6  }
0x47: {  	v19 =	vld [tilespmem:$0xEF00];
	v9 =	vshra.s32 v30, $0x1;
	v3 =	vmul.f32 v3, v4  }
0x48: {  	v38 =	vld [tilespmem:$0xEED0];
	v10 =	vshra.s32 v31, $0x1;
	v7 =	vmul.f32 $5.000000000e-01, v31;
	v4 =	vmul.f32 v5, v28  }
0x49: {  	v10 =	vsub.s32 $0x5F3759DF, v10;
	v5 =	vmul.f32 $5.000000000e-01, v30;
	v29 =	vmul.f32 v3, v1  }
0x4a: {  	v35 =	vld [tilespmem:$0xEEC0];
	v9 =	vsub.s32 $0x5F3759DF, v9;
	v12 =	vmul.f32 v10, v7;
	v32 =	vmul.f32 v4, v2  }
0x4b: {  	v11 =	vmul.f32 v9, v5;
	v6 =	vmul.f32 v29, v3  }
0x4c: {  	v59 =	vadd.f32 $1.000000000e+00, v19;
	v34 =	vmul.f32 v10, v12;
	v8 =	vmul.f32 v32, v4  }
0x4d: {  	v33 =	vmul.f32 v9, v11;
	v11 =	vadd.f32 $1.000000000e+00, v38;
	v6 =	vsub.f32 $1.500000000e+00, v6  }
0x4e: {  	v63 =	vmul.f32 $5.000000000e-01, v59;
	v36 =	vsub.f32 $1.500000000e+00, v34;
	v8 =	vsub.f32 $1.500000000e+00, v8  }
0x4f: {  	v46 =	vld [tilespmem:$0xEEF0];
	v37 =	vadd.f32 $1.000000000e+00, v35;
	v45 =	vmul.f32 $5.000000000e-01, v11;
	v3 =	vmul.f32 v6, v3  }
0x50: {  	v6 =	vsub.f32 $1.500000000e+00, v33;
	v4 =	vmul.f32 v8, v4;
	v8 =	vmul.f32 v10, v36  }
0x51: {  	v13 =	vshra.s32 v37, $0x1;
	v10 =	vmul.f32 $5.000000000e-01, v37;
	v1 =	vmul.f32 v3, v1  }
0x52: {  	v13 =	vsub.s32 $0x5F3759DF, v13;
	v6 =	vmul.f32 v9, v6;
	v2 =	vmul.f32 v4, v2  }
0x53: {  	v42 =	vld [tilespmem:$0xEEE0];
	v44 =	vshra.s32 v11, $0x1;
	v39 =	vmul.f32 v8, v7;
	v40 =	vmul.f32 v13, v10  }
0x54: {  	v11 =	vadd.f32 $1.000000000e+00, v46;
	v1 =	vmul.f32 v1, v3;
	v9 =	vmul.f32 v6, v5  }
0x55: {  	v2 =	vmul.f32 v2, v4;
	v12 =	vmul.f32 v39, v8  }
0x56: {  	v50 =	vshra.s32 v11, $0x1;
	v1 =	vsub.f32 $1.500000000e+00, v1;
	v9 =	vmul.f32 v9, v6  }
0x57: {  	v43 =	vmul.f32 v13, v40;
	v14 =	vsub.f32 $1.500000000e+00, v2;
	v41 =	vsub.f32 $1.500000000e+00, v12  }
0x58: {  	v12 =	vadd.f32 $1.000000000e+00, v42;
	v2 =	vmul.f32 v1, v3;
	v3 =	vsub.f32 $1.500000000e+00, v9  }
0x59: {  	v1 =	vmul.f32 v14, v4;
	v4 =	vmul.f32 v41, v8;
	v8 =	vsub.s32 $0x5F3759DF, v44  }
0x5a: {  	v11 =	vmul.f32 $5.000000000e-01, v11;
	v15 =	vshra.s32 v12, $0x1;
	v47 =	vmul.f32 v8, v45  }
0x5b: {  	v12 =	vmul.f32 $5.000000000e-01, v12;
	v3 =	vmul.f32 v3, v6;
	v6 =	vsub.f32 $1.500000000e+00, v43  }
0x5c: {  	v7 =	vmul.f32 v4, v7;
	v48 =	vmul.f32 v8, v47  }
0x5d: {  	v15 =	vsub.s32 $0x5F3759DF, v15;
	v5 =	vmul.f32 v3, v5;
	v6 =	vmul.f32 v13, v6  }
0x5e: {  	v16 =	vmul.f32 v15, v12;
	v7 =	vmul.f32 v7, v4;
	v13 =	vsub.f32 $1.500000000e+00, v48  }
0x5f: {  	v5 =	vmul.f32 v5, v3;
	v49 =	vmul.f32 v6, v10  }
0x60: {  	v16 =	vmul.f32 v15, v16;
	v7 =	vsub.f32 $1.500000000e+00, v7;
	v8 =	vmul.f32 v8, v13  }
0x61: {  	v55 =	vld [tilespmem:$0xEF10];
	v13 =	vsub.s32 $0x5F3759DF, v50;
	v5 =	vsub.f32 $1.500000000e+00, v5;
	v14 =	vmul.f32 v49, v6  }
0x62: {  	v52 =	vsub.f32 $1.500000000e+00, v16;
	v18 =	vmul.f32 v13, v11;
	v17 =	vmul.f32 v8, v45  }
0x63: {  	v4 =	vmul.f32 v7, v4;
	v14 =	vsub.f32 $1.500000000e+00, v14;
	v3 =	vmul.f32 v5, v3  }
0x64: {  	v54 =	vmul.f32 v13, v18;
	v53 =	vmul.f32 v17, v8  }
0x65: {  	v62 =	vshra.s32 v59, $0x1;
	v51 =	vmul.f32 v14, v6;
	v6 =	vmul.f32 v15, v52  }
0x66: {  	v57 =	vsub.f32 $1.500000000e+00, v54;
	v14 =	vsub.s32 $0x5F3759DF, v62;
	v15 =	vadd.f32 $1.000000000e+00, v55  }
0x67: {  	v20 =	vld [tilespmem:$0xEF20];
	v56 =	vsub.f32 $1.500000000e+00, v53;
	v24 =	vmul.f32 v14, v63;
	v10 =	vmul.f32 v51, v10  }
0x68: {  	v58 =	vmul.f32 v6, v12;
	v60 =	vmul.f32 v13, v57  }
0x69: {  	v42 =	vld [tilespmem:$0xEF50];
	v25 =	vshra.s32 v15, $0x1;
	v15 =	vmul.f32 $5.000000000e-01, v15;
	v7 =	vmul.f32 v56, v8  }
0x6a: {  	v26 =	vmul.f32 v14, v24;
	v10 =	vmul.f32 v10, v51  }
0x6b: {  	v27 =	vsub.s32 $0x5F3759DF, v25;
	v61 =	vmul.f32 v58, v6;
	v23 =	vmul.f32 v60, v11  }
0x6c: {  	v31 =	vadd.f32 $1.000000000e+00, v20;
	v19 =	vmul.f32 v27, v15;
	v9 =	vmul.f32 v7, v45  }
0x6d: {  	v13 =	vsub.f32 $1.500000000e+00, v61;
	v17 =	vmul.f32 v23, v60;
	v10 =	vsub.f32 $1.500000000e+00, v10  }
0x6e: {  	v28 =	vmul.f32 v27, v19;
	v19 =	vadd.f32 $1.000000000e+00, v42;
	v9 =	vmul.f32 v9, v7  }
0x6f: {  	v32 =	vld [tilespmem:$0xEF30];
	v13 =	vmul.f32 v13, v6;
	v17 =	vsub.f32 $1.500000000e+00, v17;
	v6 =	vsub.f32 $1.500000000e+00, v26  }
0x70: {  	v5 =	vmul.f32 v10, v51;
	v8 =	vsub.f32 $1.500000000e+00, v28;
	v44 =	vshra.s32 v19, $0x1  }
0x71: {  	v19 =	vmul.f32 $5.000000000e-01, v19;
	v9 =	vsub.f32 $1.500000000e+00, v9;
	v12 =	vmul.f32 v13, v12  }
0x72: {  	v58 =	vld [tilespmem:$0xEF70];
	v17 =	vmul.f32 v17, v60;
	v29 =	vmul.f32 v14, v6  }
0x73: {  	v33 =	vshra.s32 v31, $0x1;
	v51 =	vld [tilespmem:$0xEF60];
	v18 =	vmul.f32 v27, v8;
	v6 =	vmul.f32 v9, v7  }
0x74: {  	v14 =	vadd.f32 $1.000000000e+00, v32;
	v9 =	vmul.f32 $5.000000000e-01, v31;
	v12 =	vmul.f32 v12, v13  }
0x75: {  	v35 =	vsub.s32 $0x5F3759DF, v33;
	v11 =	vmul.f32 v17, v11;
	v30 =	vmul.f32 v29, v63  }
0x76: {  	v34 =	vmul.f32 v18, v15;
	v41 =	vshra.s32 v14, $0x1;
	v14 =	vmul.f32 $5.000000000e-01, v14  }
0x77: {  	v31 =	vadd.f32 $1.000000000e+00, v58;
	v37 =	vmul.f32 v35, v9;
	v11 =	vmul.f32 v11, v17  }
0x78: {  	v39 =	vld [tilespmem:$0xEF40];
	v57 =	vadd.f32 $1.000000000e+00, v51;
	v12 =	vsub.f32 $1.500000000e+00, v12;
	v7 =	vmul.f32 v30, v29  }
0x79: {  	v38 =	vmul.f32 v34, v18;
	v34 =	vld [tilespmem:$0xEF90];
	v40 =	vmul.f32 v35, v37;
	v11 =	vsub.f32 $1.500000000e+00, v11  }
0x7a: {  	v8 =	vmul.f32 v12, v13;
	v36 =	vsub.f32 $1.500000000e+00, v7;
	v13 =	vsub.s32 $0x5F3759DF, v41  }
0x7b: {  	v59 =	vshra.s32 v57, $0x1;
	v12 =	vsub.f32 $1.500000000e+00, v40;
	v43 =	vmul.f32 v13, v14  }
0x7c: {  	v7 =	vmul.f32 v11, v17;
	v10 =	vmul.f32 v36, v29;
	v11 =	vsub.f32 $1.500000000e+00, v38  }
0x7d: {  	v17 =	vadd.f32 $1.000000000e+00, v39;
	v12 =	vmul.f32 v35, v12;
	v35 =	vmul.f32 $5.000000000e-01, v31  }
0x7e: {  	v41 =	vadd.f32 $1.000000000e+00, v34;
	v16 =	vmul.f32 v10, v63;
	v11 =	vmul.f32 v11, v18  }
0x7f: {  	v61 =	vld [tilespmem:$0xEF80];
	v18 =	vmul.f32 v13, v43;
	v21 =	vshra.s32 v17, $0x1;
	v17 =	vmul.f32 $5.000000000e-01, v17  }
0x80: {  	v20 =	vmul.f32 v12, v9;
	v21 =	vsub.s32 $0x5F3759DF, v21;
	v28 =	vmul.f32 $5.000000000e-01, v41  }
0x81: {  	v27 =	vshra.s32 v41, $0x1;
	v16 =	vmul.f32 v16, v10;
	v15 =	vmul.f32 v11, v15  }
0x82: {  	v18 =	vsub.f32 $1.500000000e+00, v18;
	v22 =	vmul.f32 v21, v17;
	v27 =	vsub.s32 $0x5F3759DF, v27  }
0x83: {  	v60 =	vsub.s32 $0x5F3759DF, v59;
	v20 =	vmul.f32 v20, v12;
	v43 =	vmul.f32 v27, v28  }
0x84: {  	v38 =	vadd.f32 $1.000000000e+00, v61;
	v13 =	vmul.f32 v13, v18;
	v22 =	vmul.f32 v21, v22  }
0x85: {  	v18 =	vsub.s32 $0x5F3759DF, v44;
	v15 =	vmul.f32 v15, v11;
	v20 =	vsub.f32 $1.500000000e+00, v20  }
0x86: {  	v40 =	vshra.s32 v38, $0x1;
	v24 =	vmul.f32 v18, v19;
	v23 =	vmul.f32 v13, v14  }
0x87: {  	v16 =	vsub.f32 $1.500000000e+00, v16;
	v45 =	vsub.f32 $1.500000000e+00, v22;
	v12 =	vmul.f32 v20, v12  }
0x88: {  	v15 =	vsub.f32 $1.500000000e+00, v15;
	v47 =	vmul.f32 v18, v24;
	v46 =	vmul.f32 v23, v13  }
0x89: {  	v20 =	vmul.f32 v21, v45;
	v21 =	vshra.s32 v31, $0x1;
	v48 =	vmul.f32 v12, v9  }
0x8a: {  	v29 =	vld [tilespmem:$0xEFA0];
	v9 =	vmul.f32 v16, v10;
	v50 =	vsub.f32 $1.500000000e+00, v47;
	v10 =	vmul.f32 v15, v11  }
0x8b: {  	v15 =	vmul.f32 $5.000000000e-01, v57;
	v37 =	vsub.s32 $0x5F3759DF, v21;
	v21 =	vmul.f32 $5.000000000e-01, v38  }
0x8c: {  	v25 =	vsub.s32 $0x5F3759DF, v40;
	v53 =	vmul.f32 v20, v17;
	v39 =	vmul.f32 v37, v35  }
0x8d: {  	v49 =	vsub.f32 $1.500000000e+00, v46;
	v52 =	vmul.f32 v48, v12;
	v16 =	vmul.f32 v18, v50  }
0x8e: {  	v62 =	vmul.f32 v60, v15;
	v26 =	vmul.f32 v25, v21  }
0x8f: {  	v48 =	vadd.f32 $1.000000000e+00, v29;
	v13 =	vmul.f32 v49, v13;
	v55 =	vmul.f32 v53, v20  }
0x90: {  	v23 =	vmul.f32 v37, v39;
	v49 =	vld [tilespmem:$0xEFB0];
	v54 =	vsub.f32 $1.500000000e+00, v52;
	v18 =	vmul.f32 v16, v19  }
0x91: {  	v33 =	vmul.f32 v60, v62;
	v26 =	vmul.f32 v25, v26;
	v52 =	vshra.s32 v48, $0x1  }
0x92: {  	v14 =	vmul.f32 v13, v14;
	v56 =	vsub.f32 $1.500000000e+00, v55;
	v18 =	vmul.f32 v18, v16  }
0x93: {  	v11 =	vmul.f32 v54, v12;
	v36 =	vsub.f32 $1.500000000e+00, v33;
	v45 =	vsub.f32 $1.500000000e+00, v26  }
0x94: {  	v14 =	vmul.f32 v14, v13;
	v20 =	vmul.f32 v56, v20;
	v18 =	vsub.f32 $1.500000000e+00, v18  }
0x95: {  	v22 =	vmul.f32 v60, v36;
	v47 =	vmul.f32 v25, v45;
	v25 =	vadd.f32 $1.000000000e+00, v49  }
0x96: {  	v14 =	vsub.f32 $1.500000000e+00, v14;
	v17 =	vmul.f32 v20, v17;
	v63 =	vmul.f32 v18, v16  }
0x97: {  	v23 =	vsub.f32 $1.500000000e+00, v23;
	v42 =	vmul.f32 v22, v15;
	v51 =	vmul.f32 v47, v21  }
0x98: {  	v58 =	vshra.s32 v25, $0x1;
	v25 =	vmul.f32 $5.000000000e-01, v25;
	v12 =	vmul.f32 v14, v13  }
0x99: {  	v26 =	vsub.s32 $0x5F3759DF, v52;
	v32 =	vmul.f32 v17, v20;
	v17 =	vmul.f32 v37, v23  }
0x9a: {  	v23 =	vmul.f32 v27, v43;
	v60 =	vsub.s32 $0x5F3759DF, v58;
	v19 =	vmul.f32 v63, v19  }
0x9b: {  	v18 =	vmul.f32 v42, v22;
	v29 =	vmul.f32 v60, v25;
	v16 =	vsub.f32 $1.500000000e+00, v32  }
0x9c: {  	v46 =	vmul.f32 v17, v35;
	v50 =	vsub.f32 $1.500000000e+00, v23;
	v19 =	vmul.f32 v19, v63  }
0x9d: {  	v23 =	vmul.f32 v51, v47;
	v18 =	vsub.f32 $1.500000000e+00, v18;
	v61 =	vmul.f32 v60, v29  }
0x9e: {  	v62 =	vld [tilespmem:$0xEFC0];
	v13 =	vmul.f32 v16, v20;
	v20 =	vmul.f32 v46, v17;
	v44 =	vsub.f32 $1.500000000e+00, v19  }
0x9f: {  	v30 =	vld [tilespmem:$0xEFD0];
	v55 =	vsub.f32 $1.500000000e+00, v23;
	v18 =	vmul.f32 v18, v22;
	v19 =	vmul.f32 $5.000000000e-01, v48  }
0xa0: {  	v22 =	vmul.f32 v27, v50;
	v16 =	vsub.f32 $1.500000000e+00, v61;
	v14 =	vmul.f32 v44, v63  }
0xa1: {  	v20 =	vsub.f32 $1.500000000e+00, v20;
	v15 =	vmul.f32 v18, v15;
	v53 =	vmul.f32 v26, v19  }
0xa2: {  	v54 =	vmul.f32 v22, v28;
	v23 =	vmul.f32 v60, v16  }
0xa3: {  	v36 =	vadd.f32 $1.000000000e+00, v62;
	v17 =	vmul.f32 v20, v17;
	v20 =	vmul.f32 v55, v47  }
0xa4: {  	v40 =	vadd.f32 $1.000000000e+00, v30;
	v15 =	vmul.f32 v15, v18;
	v56 =	vmul.f32 v26, v53  }
0xa5: {  	v39 =	vshra.s32 v36, $0x1;
	v57 =	vmul.f32 v54, v22;
	v24 =	vmul.f32 v17, v35  }
0xa6: {  	v38 =	vmul.f32 v23, v25;
	v21 =	vmul.f32 v20, v21;
	v59 =	vsub.f32 $1.500000000e+00, v56  }
0xa7: {  	v34 =	vld [tilespmem:$0xEFE0];
	v27 =	vsub.f32 $1.500000000e+00, v57;
	v15 =	vsub.f32 $1.500000000e+00, v15;
	v24 =	vmul.f32 v24, v17  }
0xa8: {  	v42 =	vshra.s32 v40, $0x1;
	v21 =	vmul.f32 v21, v20;
	v26 =	vmul.f32 v26, v59  }
0xa9: {  	v31 =	vsub.s32 $0x5F3759DF, v42;
	v22 =	vmul.f32 v27, v22;
	v15 =	vmul.f32 v15, v18  }
0xaa: {  	v27 =	vmul.f32 $5.000000000e-01, v40;
	v32 =	vsub.f32 $1.500000000e+00, v24;
	v24 =	vmul.f32 $5.000000000e-01, v36  }
0xab: {  	v21 =	vsub.f32 $1.500000000e+00, v21;
	v63 =	vmul.f32 v26, v19;
	v28 =	vmul.f32 v22, v28  }
0xac: {  	v29 =	vadd.f32 $1.000000000e+00, v34;
	v18 =	vmul.f32 v31, v27;
	v16 =	vmul.f32 v32, v17  }
0xad: {  	v41 =	vsub.s32 $0x5F3759DF, v39;
	v17 =	vmul.f32 v21, v20;
	v21 =	vmul.f32 v38, v23  }
0xae: {  	v43 =	vmul.f32 v41, v24;
	v32 =	vshra.s32 v29, $0x1;
	v29 =	vmul.f32 $5.000000000e-01, v29  }
0xaf: {  	v33 =	vmul.f32 v63, v26;
	v28 =	vmul.f32 v28, v22;
	v45 =	vsub.s32 $0x5F3759DF, v32  }
0xb0: {  	v46 =	vmul.f32 v31, v18;
	v21 =	vsub.f32 $1.500000000e+00, v21;
	v34 =	vmul.f32 v45, v29  }
0xb1: {  	v44 =	vmul.f32 v41, v43;
	v35 =	vsub.f32 $1.500000000e+00, v33;
	v37 =	vsub.f32 $1.500000000e+00, v28;
	v33 =	vld [tilespmem:$0xEFF0]  }
0xb2: {  	v39 =	vld [tilespmem:$0xF020];
	v49 =	vsub.f32 $1.500000000e+00, v46;
	v21 =	vmul.f32 v21, v23;
	v50 =	vmul.f32 v45, v34  }
0xb3: {  	v46 =	vld [tilespmem:$0xF030];
	v47 =	vsub.f32 $1.500000000e+00, v44;
	v26 =	vmul.f32 v35, v26;
	v18 =	vmul.f32 v37, v22  }
0xb4: {  	v23 =	vmul.f32 v31, v49;
	v48 =	vmul.f32 v21, v25  }
0xb5: {  	v35 =	vld [tilespmem:$0xF000];
	v20 =	vmul.f32 v41, v47;
	v25 =	vsub.f32 $1.500000000e+00, v50;
	v19 =	vmul.f32 v26, v19  }
0xb6: {  	v37 =	vld [tilespmem:$0xF010];
	v54 =	vmul.f32 v23, v27;
	v51 =	vadd.f32 $1.000000000e+00, v33;
	v22 =	vmul.f32 v48, v21  }
0xb7: {  	v52 =	vmul.f32 v20, v24;
	v25 =	vmul.f32 v45, v25;
	v45 =	vadd.f32 $1.000000000e+00, v39  }
0xb8: {  	v50 =	vadd.f32 $1.000000000e+00, v46;
	v19 =	vmul.f32 v19, v26;
	v33 =	vmul.f32 v54, v23  }
0xb9: {  	v53 =	vshra.s32 v51, $0x1;
	v28 =	vmul.f32 $5.000000000e-01, v51;
	v31 =	vmul.f32 v52, v20  }
0xba: {  	v56 =	vmul.f32 v25, v29;
	v22 =	vsub.f32 $1.500000000e+00, v22;
	v36 =	vadd.f32 $1.000000000e+00, v35  }
0xbb: {  	v41 =	vadd.f32 $1.000000000e+00, v37;
	v55 =	vsub.s32 $0x5F3759DF, v53;
	v19 =	vsub.f32 $1.500000000e+00, v19  }
0xbc: {  	v33 =	vsub.f32 $1.500000000e+00, v33;
	v32 =	vmul.f32 v55, v28;
	v34 =	vmul.f32 v56, v25  }
0xbd: {  	v31 =	vsub.f32 $1.500000000e+00, v31;
	v30 =	vmul.f32 $5.000000000e-01, v36;
	v19 =	vmul.f32 v19, v26  }
0xbe: {  	v48 =	vshra.s32 v45, $0x1;
	v59 =	vmul.f32 v33, v23;
	v26 =	vmul.f32 $5.000000000e-01, v41  }
0xbf: {  	v35 =	vsub.s32 $0x5F3759DF, v48;
	v32 =	vmul.f32 v55, v32;
	v57 =	vmul.f32 v31, v20  }
0xc0: {  	v20 =	vmul.f32 v22, v21;
	v60 =	vsub.f32 $1.500000000e+00, v34;
	v31 =	vmul.f32 $5.000000000e-01, v45  }
0xc1: {  	v27 =	vmul.f32 v59, v27;
	v58 =	vsub.f32 $1.500000000e+00, v32;
	v61 =	vmul.f32 v57, v24  }
0xc2: {  	v38 =	vshra.s32 v36, $0x1;
	v25 =	vmul.f32 v60, v25;
	v36 =	vmul.f32 v35, v31  }
0xc3: {  	v37 =	vshra.s32 v50, $0x1;
	v27 =	vmul.f32 v27, v59;
	v62 =	vmul.f32 v55, v58  }
0xc4: {  	v32 =	vsub.s32 $0x5F3759DF, v38;
	v29 =	vmul.f32 v25, v29;
	v52 =	vmul.f32 v35, v36  }
0xc5: {  	v44 =	vshra.s32 v41, $0x1;
	v40 =	vmul.f32 v32, v30;
	v34 =	vmul.f32 v62, v28  }
0xc6: {  	v63 =	vmul.f32 v61, v57;
	v29 =	vmul.f32 v29, v25;
	v54 =	vsub.f32 $1.500000000e+00, v52  }
0xc7: {  	v27 =	vsub.f32 $1.500000000e+00, v27;
	v43 =	vmul.f32 v32, v40;
	v23 =	vmul.f32 v34, v62  }
0xc8: {  	v42 =	vsub.f32 $1.500000000e+00, v29;
	v29 =	vsub.s32 $0x5F3759DF, v44;
	v33 =	vmul.f32 v35, v54  }
0xc9: {  	v53 =	vld [tilespmem:$0xF040];
	v21 =	vmul.f32 v27, v59;
	v47 =	vmul.f32 v29, v26;
	v23 =	vsub.f32 $1.500000000e+00, v23  }
0xca: {  	v38 =	vld [tilespmem:$0xF050];
	v22 =	vsub.f32 $1.500000000e+00, v63;
	v27 =	vmul.f32 $5.000000000e-01, v50;
	v60 =	vmul.f32 v33, v31  }
0xcb: {  	v55 =	vsub.s32 $0x5F3759DF, v37;
	v34 =	vmul.f32 v29, v47;
	v24 =	vmul.f32 v23, v62  }
0xcc: {  	v22 =	vmul.f32 v22, v57;
	v56 =	vmul.f32 v55, v27;
	v23 =	vsub.f32 $1.500000000e+00, v43  }
0xcd: {  	v36 =	vmul.f32 v60, v33;
	v51 =	vsub.f32 $1.500000000e+00, v34;
	v28 =	vmul.f32 v24, v28  }
0xce: {  	v58 =	vadd.f32 $1.000000000e+00, v53;
	v32 =	vmul.f32 v32, v23;
	v23 =	vmul.f32 v42, v25  }
0xcf: {  	v63 =	vsub.f32 $1.500000000e+00, v36;
	v42 =	vadd.f32 $1.000000000e+00, v38;
	v29 =	vmul.f32 v29, v51  }
0xd0: {  	v61 =	vshra.s32 v58, $0x1;
	v28 =	vmul.f32 v28, v24;
	v49 =	vmul.f32 v32, v30  }
0xd1: {  	v33 =	vmul.f32 v63, v33;
	v38 =	vshra.s32 v42, $0x1;
	v57 =	vmul.f32 v29, v26  }
0xd2: {  	v36 =	vmul.f32 $5.000000000e-01, v42;
	v28 =	vsub.f32 $1.500000000e+00, v28;
	v25 =	vmul.f32 v49, v32  }
0xd3: {  	v38 =	vsub.s32 $0x5F3759DF, v38;
	v31 =	vmul.f32 v33, v31;
	v59 =	vmul.f32 v57, v29  }
0xd4: {  	v43 =	vld [tilespmem:$0xF060];
	v24 =	vmul.f32 v28, v24;
	v25 =	vsub.f32 $1.500000000e+00, v25;
	v28 =	vmul.f32 v55, v56  }
0xd5: {  	v45 =	vmul.f32 v38, v36;
	v31 =	vmul.f32 v31, v33;
	v35 =	vsub.f32 $1.500000000e+00, v59  }
0xd6: {  	v25 =	vmul.f32 v25, v32;
	v28 =	vsub.f32 $1.500000000e+00, v28;
	v32 =	vmul.f32 $5.000000000e-01, v58  }
0xd7: {  	v37 =	vsub.s32 $0x5F3759DF, v61;
	v46 =	vmul.f32 v38, v45;
	v29 =	vmul.f32 v35, v29  }
0xd8: {  	v28 =	vmul.f32 v55, v28;
	v62 =	vmul.f32 v37, v32  }
0xd9: {  	v48 =	vld [tilespmem:$0xF070];
	v47 =	vadd.f32 $1.000000000e+00, v43;
	v30 =	vmul.f32 v25, v30;
	v26 =	vmul.f32 v29, v26  }
0xda: {  	v40 =	vmul.f32 v28, v27;
	v34 =	vmul.f32 v37, v62  }
0xdb: {  	v51 =	vshra.s32 v47, $0x1;
	v30 =	vmul.f32 v30, v25;
	v26 =	vmul.f32 v26, v29  }
0xdc: {  	v56 =	vld [tilespmem:$0xF090];
	v31 =	vsub.f32 $1.500000000e+00, v31;
	v41 =	vmul.f32 v40, v28;
	v34 =	vsub.f32 $1.500000000e+00, v34  }
0xdd: {  	v53 =	vsub.s32 $0x5F3759DF, v51;
	v30 =	vsub.f32 $1.500000000e+00, v30;
	v26 =	vsub.f32 $1.500000000e+00, v26  }
0xde: {  	v55 =	vadd.f32 $1.000000000e+00, v48;
	v35 =	vsub.f32 $1.500000000e+00, v41;
	v34 =	vmul.f32 v37, v34  }
0xdf: {  	v25 =	vmul.f32 v30, v25;
	v26 =	vmul.f32 v26, v29;
	v29 =	vsub.f32 $1.500000000e+00, v46  }
0xe0: {  	v52 =	vld [tilespmem:$0xF080];
	v40 =	vshra.s32 v55, $0x1;
	v28 =	vmul.f32 v35, v28;
	v44 =	vmul.f32 v34, v32  }
0xe1: {  	v30 =	vmul.f32 $5.000000000e-01, v47;
	v37 =	vadd.f32 $1.000000000e+00, v56;
	v29 =	vmul.f32 v38, v29  }
0xe2: {  	v40 =	vsub.s32 $0x5F3759DF, v40;
	v39 =	vmul.f32 v28, v27;
	v35 =	vmul.f32 v44, v34  }
0xe3: {  	v27 =	vmul.f32 v31, v33;
	v44 =	vshra.s32 v37, $0x1;
	v37 =	vmul.f32 $5.000000000e-01, v37  }
0xe4: {  	v38 =	vmul.f32 v29, v36;
	v44 =	vsub.s32 $0x5F3759DF, v44;
	v49 =	vmul.f32 v39, v28  }
0xe5: {  	v50 =	vsub.f32 $1.500000000e+00, v35;
	v35 =	vmul.f32 v53, v30;
	v39 =	vadd.f32 $1.000000000e+00, v52  }
0xe6: {  	v45 =	vmul.f32 v44, v37;
	v38 =	vmul.f32 v38, v29;
	v31 =	vsub.f32 $1.500000000e+00, v49  }
0xe7: {  	v33 =	vmul.f32 v50, v34;
	v35 =	vmul.f32 v53, v35;
	v42 =	vshra.s32 v39, $0x1  }
0xe8: {  	v39 =	vmul.f32 $5.000000000e-01, v39;
	v60 =	vmul.f32 v44, v45;
	v57 =	vsub.s32 $0x5F3759DF, v42  }
0xe9: {  	v54 =	vmul.f32 v33, v32;
	v32 =	vmul.f32 $5.000000000e-01, v55;
	v35 =	vsub.f32 $1.500000000e+00, v35  }
0xea: {  	v38 =	vsub.f32 $1.500000000e+00, v38;
	v28 =	vmul.f32 v31, v28;
	v42 =	vmul.f32 v57, v39  }
0xeb: {  	v41 =	vmul.f32 v40, v32;
	v34 =	vmul.f32 v53, v35  }
0xec: {  	v62 =	vsub.f32 $1.500000000e+00, v60;
	v38 =	vmul.f32 v38, v29;
	v42 =	vmul.f32 v57, v42  }
0xed: {  	v41 =	vmul.f32 v40, v41;
	v43 =	vmul.f32 v34, v30  }
0xee: {  	v31 =	vmul.f32 v54, v33;
	v44 =	vmul.f32 v44, v62;
	v58 =	vsub.f32 $1.500000000e+00, v42  }
0xef: {  	v49 =	vld [tilespmem:$0xF0A0];
	v36 =	vmul.f32 v38, v36;
	v41 =	vsub.f32 $1.500000000e+00, v41;
	v43 =	vmul.f32 v43, v34  }
0xf0: {  	v50 =	vsub.f32 $1.500000000e+00, v31;
	v54 =	vmul.f32 v44, v37;
	v35 =	vmul.f32 v57, v58  }
0xf1: {  	v51 =	vmul.f32 v36, v38;
	v40 =	vmul.f32 v40, v41;
	v59 =	vsub.f32 $1.500000000e+00, v43  }
0xf2: {  	v29 =	vmul.f32 v50, v33;
	v48 =	vmul.f32 v35, v39  }
0xf3: {  	v47 =	vld [tilespmem:$0xF0D0];
	v61 =	vmul.f32 v40, v32;
	v34 =	vmul.f32 v59, v34  }
0xf4: {  	v57 =	vmul.f32 v54, v44;
	v58 =	vadd.f32 $1.000000000e+00, v49;
	v53 =	vmul.f32 v48, v35;
	v59 =	vld [tilespmem:$0xF0B0]  }
0xf5: {  	v31 =	vsub.f32 $1.500000000e+00, v51;
	v63 =	vmul.f32 v61, v40;
	v30 =	vmul.f32 v34, v30  }
0xf6: {  	v33 =	vmul.f32 $5.000000000e-01, v58;
	v56 =	vsub.f32 $1.500000000e+00, v53;
	v61 =	vshra.s32 v58, $0x1  }
0xf7: {  	v52 =	vsub.f32 $1.500000000e+00, v63;
	v55 =	vmul.f32 v30, v34;
	v30 =	vmul.f32 v31, v38  }
0xf8: {  	v35 =	vmul.f32 v56, v35;
	v31 =	vsub.f32 $1.500000000e+00, v57;
	v56 =	vadd.f32 $1.000000000e+00, v47  }
0xf9: {  	v54 =	vld [tilespmem:$0xF0F0];
	v38 =	vadd.f32 $1.000000000e+00, v59;
	v36 =	vmul.f32 v52, v40;
	v60 =	vsub.f32 $1.500000000e+00, v55  }
0xfa: {  	v63 =	vld [tilespmem:$0xF0C0];
	v39 =	vmul.f32 v35, v39;
	v40 =	vsub.s32 $0x5F3759DF, v61;
	v31 =	vmul.f32 v31, v44  }
0xfb: {  	[tilespmem:$0xF160] =	vst v8;
	v59 =	vshra.s32 v56, $0x1;
	v8 =	vmul.f32 $5.000000000e-01, v56;
	v62 =	vmul.f32 v40, v33  }
0xfc: {  	[tilespmem:$0xF100] =	vst v2;
	v46 =	vshra.s32 v38, $0x1;
	v38 =	vmul.f32 $5.000000000e-01, v38;
	v32 =	vmul.f32 v36, v32  }
0xfd: {  	[tilespmem:$0xF180] =	vst v9;
	v52 =	vld [tilespmem:$0xF0E0];
	v9 =	vsub.s32 $0x5F3759DF, v59;
	v34 =	vmul.f32 v60, v34;
	v39 =	vmul.f32 v39, v35  }
0xfe: {  	[tilespmem:$0xF110] =	vst v1;
	v44 =	vmul.f32 v31, v37;
	v49 =	vsub.s32 $0x5F3759DF, v46;
	v45 =	vmul.f32 v40, v62  }
0xff: {  	[tilespmem:$0xF130] =	vst v4;
	v50 =	vmul.f32 v49, v38;
	v51 =	vadd.f32 $1.000000000e+00, v63;
	v62 =	vadd.f32 $1.000000000e+00, v54  }
0x100: {  	[tilespmem:$0xF120] =	vst v3;
	v63 =	vmul.f32 v9, v8;
	v32 =	vmul.f32 v32, v36;
	v1 =	vsub.f32 $1.500000000e+00, v39  }
0x101: {  	[tilespmem:$0xF140] =	vst v5;
	v3 =	vmul.f32 v44, v31;
	v48 =	vsub.f32 $1.500000000e+00, v45;
	v4 =	vmul.f32 v49, v50  }
0x102: {  	[tilespmem:$0xF150] =	vst v6;
	v55 =	vshra.s32 v51, $0x1;
	v60 =	vadd.f32 $1.000000000e+00, v52;
	v42 =	vshra.s32 v62, $0x1  }
0x103: {  	[tilespmem:$0xF1A0] =	vst v11;
	v11 =	vmul.f32 v9, v63;
	v2 =	vsub.f32 $1.500000000e+00, v32;
	v1 =	vmul.f32 v1, v35  }
0x104: {  	[tilespmem:$0xF170] =	vst v7;
	v3 =	vsub.f32 $1.500000000e+00, v3;
	v35 =	vmul.f32 $5.000000000e-01, v51;
	v6 =	vsub.s32 $0x5F3759DF, v55  }
0x105: {  	[tilespmem:$0xF190] =	vst v10;
	v53 =	vmul.f32 v40, v48;
	v4 =	vsub.f32 $1.500000000e+00, v4;
	v2 =	vmul.f32 v2, v36  }
0x106: {  	[tilespmem:$0xF1B0] =	vst v12;
	v40 =	vshra.s32 v60, $0x1;
	v3 =	vmul.f32 v3, v31;
	v36 =	vmul.f32 $5.000000000e-01, v60  }
0x107: {  	[tilespmem:$0xF1C0] =	vst v13;
	v58 =	vmul.f32 v6, v35;
	v41 =	vsub.s32 $0x5F3759DF, v40;
	v31 =	vmul.f32 $5.000000000e-01, v62  }
0x108: {  	[tilespmem:$0xF1D0] =	vst v14;
	v32 =	vsub.s32 $0x5F3759DF, v42;
	v57 =	vmul.f32 v53, v33;
	v43 =	vmul.f32 v41, v36  }
0x109: {  	[tilespmem:$0xF1E0] =	vst v15;
	v11 =	vsub.f32 $1.500000000e+00, v11;
	v4 =	vmul.f32 v49, v4;
	v61 =	vmul.f32 v6, v58  }
0x10a: {  	[tilespmem:$0xF1F0] =	vst v16;
	v44 =	vmul.f32 v32, v31;
	v13 =	vmul.f32 v41, v43  }
0x10b: {  	[tilespmem:$0xF200] =	vst v17;
	v9 =	vmul.f32 v9, v11;
	v45 =	vmul.f32 v4, v38;
	v10 =	vsub.f32 $1.500000000e+00, v61  }
0x10c: {  	[tilespmem:$0xF210] =	vst v18;
	v7 =	vmul.f32 v57, v53;
	v14 =	vmul.f32 v32, v44;
	v46 =	vsub.f32 $1.500000000e+00, v13  }
0x10d: {  	[tilespmem:$0xF220] =	vst v19;
	v50 =	vmul.f32 v9, v8;
	v6 =	vmul.f32 v6, v10  }
0x10e: {  	[tilespmem:$0xF230] =	vst v20;
	v47 =	vmul.f32 v45, v4;
	v48 =	vsub.f32 $1.500000000e+00, v14;
	v10 =	vmul.f32 v41, v46  }
0x10f: {  	[tilespmem:$0xF250] =	vst v21;
	v7 =	vsub.f32 $1.500000000e+00, v7;
	v14 =	vmul.f32 v50, v9;
	v49 =	vmul.f32 v6, v35  }
0x110: {  	[tilespmem:$0xF240] =	vst v22;
	v13 =	vmul.f32 v32, v48;
	v51 =	vmul.f32 v10, v36  }
0x111: {  	[tilespmem:$0xF260] =	vst v23;
	v11 =	vsub.f32 $1.500000000e+00, v47;
	v5 =	vmul.f32 v7, v53;
	v12 =	vmul.f32 v49, v6  }
0x112: {  	[tilespmem:$0xF270] =	vst v24;
	v14 =	vsub.f32 $1.500000000e+00, v14;
	v52 =	vmul.f32 v13, v31;
	v15 =	vmul.f32 v51, v10  }
0x113: {  	[tilespmem:$0xF280] =	vst v25;
	v4 =	vmul.f32 v11, v4;
	v55 =	vmul.f32 v5, v33;
	v12 =	vsub.f32 $1.500000000e+00, v12  }
0x114: {  	[tilespmem:$0xF290] =	vst v26;
	v9 =	vmul.f32 v14, v9;
	v16 =	vmul.f32 v52, v13;
	v53 =	vsub.f32 $1.500000000e+00, v15  }
0x115: {  	[tilespmem:$0xF2A0] =	vst v27;
	v56 =	vmul.f32 v4, v38;
	v6 =	vmul.f32 v12, v6  }
0x116: {  	[tilespmem:$0xF2B0] =	vst v28;
	v8 =	vmul.f32 v9, v8;
	v54 =	vsub.f32 $1.500000000e+00, v16;
	v7 =	vmul.f32 v53, v10  }
0x117: {  	[tilespmem:$0xF2C0] =	vst v29;
	v10 =	vmul.f32 v55, v5;
	v57 =	vmul.f32 v6, v35  }
0x118: {  	[tilespmem:$0xF2D0] =	vst v30;
	v12 =	vmul.f32 v56, v4;
	v11 =	vmul.f32 v54, v13  }
0x119: {  	[tilespmem:$0xF2E0] =	vst v34;
	v10 =	vsub.f32 $1.500000000e+00, v10;
	v13 =	vmul.f32 v57, v6;
	v58 =	vmul.f32 v7, v36  }
0x11a: {  	[tilespmem:$0xF2F0] =	vst v2;
	v8 =	vmul.f32 v8, v9;
	v2 =	vsub.f32 $1.500000000e+00, v12;
	v59 =	vmul.f32 v11, v31  }
0x11b: {  	[tilespmem:$0xF300] =	vst v1;
	v1 =	vmul.f32 v10, v5;
	v60 =	vsub.f32 $1.500000000e+00, v13;
	v61 =	vmul.f32 v58, v7  }
0x11c: {  	[tilespmem:$0xF310] =	vst v3;
	v3 =	vsub.f32 $1.500000000e+00, v8;
	v2 =	vmul.f32 v2, v4;
	v62 =	vmul.f32 v59, v11  }
0x11d: {  	[tilespmem:$0xF320] =	vst v1;
	v1 =	vmul.f32 v60, v6;
	v63 =	vsub.f32 $1.500000000e+00, v61  }
0x11e: {  	[tilespmem:$0xF330] =	vst v2;
	v2 =	vmul.f32 v3, v9;
	v3 =	vsub.f32 $1.500000000e+00, v62  }
0x11f: {  	[tilespmem:$0xF340] =	vst v1;
	v1 =	vmul.f32 v63, v7  }
0x120: {  	[tilespmem:$0xF350] =	vst v2;
	v2 =	vmul.f32 v3, v11  }
0x121: {  	[tilespmem:$0xF360] =	vst v1  }
0x122: {  	[tilespmem:$0xF370] =	vst v2  }
0x123: {  	[spmem:s10] =	stream.linear.scatter [tilespmem:s22], [sflag:$0x1], $0x280, $0x38;
	[tilespmem:$0xF880] =	vst v63  }
0x124: {  	_ =	swait.ge [sflag:s17], $0x280  }
0x125: {  	[sflag:s17] =	ssyncset.done $0x0  }
0x126: {  	[sflag:s17] =	ssyncadd.s32 $0xFFFFFD80  }
0x127: {  	[spmem:s30], [sflag:s20] =	dma.local [hbm:s9], $0x50  }
0x128: {  	_ =	swait.ge [sflag:s17], $0x50  }
0x129: {  	[sflag:s17] =	ssyncset.done $0x0  }
0x12a: {  	s0 =	simm.s32 $0x0;
	[sflag:s17] =	ssyncadd.s32 $0xFFFFFFB0  }
0x12b: {  	[tilespmem:s0], [sflag:$0x1] =	stream.strided.gather [hbm4b:s11+s15], $0x2780, s16, s15, $0x38;
	[tilespmem:$0xF880] =	vst v63  }
0x12c: {  	_ =	swait.ge [sflag:s17], $0x2780  }
0x12d: {  	[sflag:s17] =	ssyncset.done $0x0  }
0x12e: {  	[sflag:s17] =	ssyncadd.s32 $0xFFFFD880  }
0x12f: {  	[tilespmem:s23], [sflag:$0x1] =	stream.strided.gather [hbm4b:s12+s15], $0x2780, s16, s15, $0x38;
	[tilespmem:$0xF880] =	vst v63  }
0x130: {  	_ =	swait.ge [sflag:s17], $0x2780  }
0x131: {  	[sflag:s17] =	ssyncset.done $0x0  }
0x132: {  	[sflag:s17] =	ssyncadd.s32 $0xFFFFD880  }
0x133: {  	[tilespmem:s18], [sflag:$0x1] =	stream.linear.gather [hbm4b:s5+s0], $0x2800, $0x38;
	[tilespmem:$0xF880] =	vst v63  }
0x134: {  	_ =	swait.ge [sflag:s17], $0x2800  }
0x135: {  	[sflag:s17] =	ssyncset.done $0x0  }
0x136: {  	[sflag:s17] =	ssyncadd.s32 $0xFFFFD800  }
0x137: {  	[bflag:$0x0] =	sbarrier.arrive $0xFFFF  }
0x138: {  	[tilespmem:s25], [sflag:$0x1] =	stream.linear.gather [spmem:s3], $0x2800, $0x38;
	[tilespmem:$0xF880] =	vst v63  }
0x139: {  	_ =	swait.ge [sflag:s17], $0x2800  }
0x13a: {  	[sflag:s17] =	ssyncset.done $0x0  }
0x13b: {  	s1 =	simm.s32 $0x0;
	s31 =	simm.s32 $0x40;
	[sflag:s17] =	ssyncadd.s32 $0xFFFFD800  }
.LBB2_6:
0x13c: {  	p1 =	sne.s32 s31, $0x9DC0;
	v1 =	vld [tilespmem:s1+$0x0];
	_ =	sdelay $0x5  }
0x13d: {  	v2 =	vld [tilespmem:s1+$0x4F00];
	_ =	sdelay $0x1  }
0x13e: {  	v1 =	vld.idx.msk [tilespmem:v1+s25+$0x0], $0xffff;
	_ =	sdelay $0x1  }
.Ltmp2:
0x13f: {  	(pc) =	sbr.rel @p1 .LBB2_6-.Ltmp2, $2  }
0x140: {  	_ =	sdelay $0x2  }
0x141: {  	s1 =	sshra.s32 s31, $0x2;
	s31 =	sadd.s32 $0x40, s31;
	[tilespmem:v2+s18+$0x0] =	vst.idx.add.f32.msk $0xffff, v1  }
0x142: {  	v1 =	vld [tilespmem:s1+$0x0];
	_ =	sdelay $0x4  }
0x143: {  	v2 =	vld [tilespmem:s1+$0x4F00];
	_ =	sdelay $0x2  }
0x144: {  	v1 =	vld.idx.msk [tilespmem:v1+s25+$0x0], $0xffff;
	_ =	sdelay $0x4  }
0x145: {  	s0 =	simm.s32 $0x9E80;
	s1 =	simm.s32 $0xC680;
	[tilespmem:v2+s18+$0x0] =	vst.idx.add.f32.msk $0xffff, v1  }
0x146: {  	[spmem:s2] =	stream.indirect.scatter.add.f32 [tilespmem:s0], [sflag:$0x1], $0x1, s1, s15, $0xb8;
	[tilespmem:$0xF880] =	vst v63  }
0x147: {  	s31 =	simm.s32 $0x200;
	_ =	swait.ge [sflag:s17], $0x80  }
.LBB2_8:
0x148: {  	s0 =	sshra.s32 s31, $0x2  }
0x149: {  	[sflag:s17] =	ssyncset.done $0x0;
	p1 =	sne.s32 s31, $0x9E00;
	s1 =	sadd.s32 $0x9E80, s0  }
.Ltmp3:
0x14a: {  	s0 =	sadd.s32 $0xC680, s0;
	[sflag:s17] =	ssyncadd.s32 $0xFFFFFF80;
	(pc) =	sbr.rel @p1 .LBB2_8-.Ltmp3, $3  }
0x14b: {  	[spmem:s2] =	stream.indirect.scatter.add.f32 [tilespmem:s1], [sflag:$0x1], $0x1, s0, s15, $0xb8;
	[tilespmem:$0xF880] =	vst v63  }
0x14c: {  	s31 =	sadd.s32 $0x200, s31;
	_ =	sdelay $0x1  }
0x14d: {  	_ =	swait.ge [sflag:s17], $0x80  }
0x14e: {  	[sflag:s17] =	ssyncset.done $0x0  }
0x14f: {  	[sflag:s17] =	ssyncadd.s32 $0xFFFFFF80  }
0x150: {  	[bflag:$0x0] =	sbarrier.arrive $0xFFFF  }
0x151: {  	[hbm:s24@s26], [sflag:s20] =	dma.strided [spmem:s30@s28], $0x50, s17, $0x10   }
0x152: {  	_ =	swait.ge [sflag:s17], $0x50  }
0x153: {  	s0 =	simm.s32 @!p0 $0x0;
	s29 =	sadd.s32 $0x1, s29;
	[sflag:s17] =	ssyncset.done $0x0  }
0x154: {  	s1 =	simm.s32 @!p0 $0xF100;
	p1 =	sne.s32 s29, s14;
	[sflag:s17] =	ssyncadd.s32 $0xFFFFFFB0  }
0x155: {  	[hbm4b:s13+s0] =	stream.linear.scatter @!p0 [tilespmem:s1], [sflag:$0x1], $0x280, $0x38;
	[tilespmem:$0xF880] =	vst v63  }
.Ltmp4:
0x156: {  	_ = 	snop;
	(pc) =	sbr.rel @p1 .LBB2_1-.Ltmp4, $4  }
0x157: {  	s0 =	simm.s32 @!p0 $0x1  }
0x158: {  	_ =	swait.ge @!p0 [sflag:s0], $0x280  }
0x159: {  	[sflag:s0] =	ssyncset.done @!p0 $0x0  }
0x15a: {  	[sflag:s0] =	ssyncadd.s32 @!p0 $0xFFFFFD80  }
0x15b: {  	_ =	sfence.sel $0x180000  }
0x15c: {  	[bflag:$0x0] =	sbarrier.arrive $0xFFFF  }
0x15d: {  	_ =	strace $0x90000047  }
0x15e: {  	s0 =	stileid.u32;
	[bflag:$0x2] =	sbarrier.arrive $0xFFFF  }
0x15f: {  	p0 =	sne.s32 s0, $0x0;
	s0 =	rddreg [dreg:$0x3]  }
0x160: {  	s0 =	sadd.s32 @!p0 $0x100000, s0  }
0x161: {  	[sflag:s0] =	ssyncadd.tile.s32 @!p0 $0x1;
	_ =	shalt  }
.Lfunc_end2:
_tile_overlayer_lowered:
.L_overlay_start_2:
0x162: {  	(tag) =	ssettag $0x2  }
0x163: {  	s0 =	rddreg [dreg:$0x0];
	s2 =	stileid.u32  }
0x164: {  	s1 =	rddreg [dreg:$0x1];
	p0 =	sne.s32 s2, $0x0  }
0x165: {  	s3 =	rddreg [dreg:$0x2];
	[bflag:$0x3] =	sbarrier.arrive $0xFFFF;
	s2 =	simm.s32 @!p0 $0x1C01  }
0x166: {  	[timem:s3], [sflag:s2] =	dma.local @!p0 [hbm:s0], s1  }
0x167: {  	s0 =	simm.s32 @!p0 $0x1  }
0x168: {  	_ =	swait.ge @!p0 [sflag:s0], s1  }
0x169: {  	s1 =	ssub.s32 @!p0 $0x0, s1;
	[sflag:s0] =	ssyncset.done @!p0 $0x0  }
0x16a: {  	[sflag:s0] =	ssyncadd.s32 @!p0 s1  }
0x16b: {  	[bflag:$0x3] =	sbarrier.arrive $0xFFFF  }
0x16c: {  	_ =	shalt  }

// kernel: kernel.9.cloned.1.call-start
scs
__scs_entry_jumppad:
0x0: {  	(pc) =	sbr.rel $0x88, $3  }
0x1: {  	(tag) =	ssettag $0x0;
	lr =	simm.s32 $0x1  }
0x2: {  	[smem:$0x3F9B] =	sst lr;
	_ =	strace $0xD0000000  }
0x3: {  	_ = 	snop  }
0x4: {  	_ = 	snop  }
0x5: {  	_ = 	snop  }
0x6: {  	_ = 	snop  }
0x7: {  	_ = 	snop  }
__scs_overlays_trampoline_lowered:
0x8: {  	[smem:$0x3FAA] =	sst s0  }
0x9: {  	[smem:$0x3FAB] =	sst s1  }
0xa: {  	[smem:$0x3FAC] =	sst s2  }
0xb: {  	[smem:$0x3FAD] =	sst s3  }
0xc: {  	[smem:$0x3FAE] =	sst s4  }
0xd: {  	[smem:$0x3FAF] =	sst s5  }
0xe: {  	[smem:$0x3FB0] =	sst s6  }
0xf: {  	[smem:$0x3FB1] =	sst s7  }
0x10: {  	[smem:$0x3FB2] =	sst s8  }
0x11: {  	[smem:$0x3FB3] =	sst s9;
	s0 =	simm.s32 @!p0 $0x0  }
0x12: {  	s1 =	sld [smem:$0x3F99];
	s0 =	simm.s32 @p0 $0x1  }
0x13: {  	[smem:$0x3FB4] =	sst s0;
	s0 =	simm.s32 @!p1 $0x0  }
0x14: {  	s2 =	sld [smem:$0x3F98];
	s0 =	simm.s32 @p1 $0x1  }
0x15: {  	[smem:$0x3FB5] =	sst s0;
	s0 =	simm.s32 @!p2 $0x0  }
0x16: {  	s3 =	sld [smem:$0x3FDB];
	s0 =	simm.s32 @p2 $0x1  }
0x17: {  	s4 =	simm.s32 $0x1BF5;
	[smem:$0x3FB7] =	sst s0  }
0x18: {  	s0 =	sld [smem:$0x3F9A];
	_ =	swait.ge [sflag:s4], $0x0  }
0x19: {  	s7 =	sld [smem:$0x3F9B]  }
0x1a: {  	s8 =	sadd.s32 $0xFFFFE003, lr  }
0x1b: {  	s9 =	sadd.s32 $0xFFFFFEF7, lr;
	s5 =	simm.s32 $0xFFFFFFFF;
	p2 =	slt.u32 s8, $0xFFFFF086  }
0x1c: {  	p1 =	slt.u32 s9, $0xF7A;
	s5 =	simm.s32 @!p2 $0x0  }
0x1d: {  	s5 =	simm.s32 @p1 $0x1;
	p0 =	seq.s32 s7, s2  }
0x1e: {  	s7 =	smul.u32 @!p0 $0xF7A, s2;
	p2 =	seq.s32 @!p0 s5, $0x0  }
0x1f: {  	s9 =	smul.u32 $0xF7A, s1;
	s8 =	simm.s32 @!p0 $0x1BF5;
	p2 =	por !p2, p0  }
0x20: {  	[sflag:s8] =	ssyncset.s32 @!p0 $0xFFFFF086;
	s6 =	sadd.s32 @!p0 s3, s7;
	s7 =	simm.s32 @!p0 $0x108  }
0x21: {  	s3 =	sadd.s32 s3, s9;
	s6 =	sadd.s32 @!p0 $0x88, s6;
	s7 =	simm.s32 @p2 $0x1082  }
0x22: {  	[simem:s7], [sflag:s8] =	dma.local @!p0 [hbm:s6], $0xF7A  }
0x23: {  	s9 =	sor.u32 $0xD0000000, s2;
	s6 =	simm.s32 $0x108;
	_ =	swait.ge @!p0 [sflag:s8], $0x0  }
0x24: {  	s3 =	sadd.s32 $0x88, s3;
	s6 =	simm.s32 @!p1 $0x1082;
	[sflag:s4] =	ssyncset.s32 $0xFFFFF086  }
0x25: {  	[simem:s6], [sflag:s4] =	dma.local [hbm:s3], $0xF7A  }
0x26: {  	[smem:$0x3F9B] =	sst s1;
	(tag) =	ssettag s2;
	_ =	strace s9  }
0x27: {  	s1 =	sld [smem:$0x3FAB]  }
0x28: {  	s2 =	sld [smem:$0x3FAC]  }
0x29: {  	s4 =	sld [smem:$0x3FAE]  }
0x2a: {  	p0 =	seq.s32 s5, $0x0;
	s5 =	sld [smem:$0x3FAF]  }
0x2b: {  	s6 =	sld [smem:$0x3FB0]  }
0x2c: {  	s7 =	sld [smem:$0x3FB1]  }
0x2d: {  	s3 =	simm.s32 $0x108;
	s8 =	sld [smem:$0x3FB2]  }
0x2e: {  	s3 =	simm.s32 @!p0 $0x1082;
	s9 =	sld [smem:$0x3FB3]  }
0x2f: {  	lr =	sadd.s32 s0, s3;
	s0 =	sld [smem:$0x3FAA]  }
0x30: {  	s3 =	sld [smem:$0x3FAD]  }
0x31: {  	[smem:$0x3FB6] =	sst s10  }
0x32: {  	s10 =	sld [smem:$0x3FB4];
	_ =	sdelay $0x3  }
0x33: {  	p0 =	seq.s32 s10, $0x1;
	s10 =	sld [smem:$0x3FB6];
	_ =	sdelay $0x3  }
0x34: {  	[smem:$0x3FB6] =	sst s10  }
0x35: {  	s10 =	sld [smem:$0x3FB5];
	_ =	sdelay $0x3  }
0x36: {  	p1 =	seq.s32 s10, $0x1;
	s10 =	sld [smem:$0x3FB6];
	_ =	sdelay $0x3  }
0x37: {  	[smem:$0x3FB6] =	sst s10  }
0x38: {  	s10 =	sld [smem:$0x3FB7]  }
0x39: {  	_ = 	snop;
	(pc) =	sbr.ind lr, $3  }
0x3a: {  	_ = 	snop  }
0x3b: {  	_ = 	snop  }
0x3c: {  	p2 =	seq.s32 s10, $0x1;
	s10 =	sld [smem:$0x3FB6]  }
0x3d: {  	_ =	shalt  }
0x3e: {  	_ =	shalt  }
0x3f: {  	_ =	shalt  }
0x40: {  	_ =	shalt  }
0x41: {  	_ =	shalt  }
0x42: {  	_ =	shalt  }
0x43: {  	_ =	shalt  }
0x44: {  	_ =	shalt  }
0x45: {  	_ =	shalt  }
0x46: {  	_ =	shalt  }
0x47: {  	_ =	shalt  }
0x48: {  	_ =	shalt  }
0x49: {  	_ =	shalt  }
0x4a: {  	_ =	shalt  }
0x4b: {  	_ =	shalt  }
0x4c: {  	_ =	shalt  }
0x4d: {  	_ =	shalt  }
0x4e: {  	_ =	shalt  }
0x4f: {  	_ =	shalt  }
0x50: {  	_ =	shalt  }
0x51: {  	_ =	shalt  }
0x52: {  	_ =	shalt  }
0x53: {  	_ =	shalt  }
0x54: {  	_ =	shalt  }
0x55: {  	_ =	shalt  }
0x56: {  	_ =	shalt  }
0x57: {  	_ =	shalt  }
0x58: {  	_ =	shalt  }
0x59: {  	_ =	shalt  }
0x5a: {  	_ =	shalt  }
0x5b: {  	_ =	shalt  }
0x5c: {  	_ =	shalt  }
0x5d: {  	_ =	shalt  }
0x5e: {  	_ =	shalt  }
0x5f: {  	_ =	shalt  }
0x60: {  	_ =	shalt  }
0x61: {  	_ =	shalt  }
0x62: {  	_ =	shalt  }
0x63: {  	_ =	shalt  }
0x64: {  	_ =	shalt  }
0x65: {  	_ =	shalt  }
0x66: {  	_ =	shalt  }
0x67: {  	_ =	shalt  }
0x68: {  	_ =	shalt  }
0x69: {  	_ =	shalt  }
0x6a: {  	_ =	shalt  }
0x6b: {  	_ =	shalt  }
0x6c: {  	_ =	shalt  }
0x6d: {  	_ =	shalt  }
0x6e: {  	_ =	shalt  }
0x6f: {  	_ =	shalt  }
0x70: {  	_ =	shalt  }
0x71: {  	_ =	shalt  }
0x72: {  	_ =	shalt  }
0x73: {  	_ =	shalt  }
0x74: {  	_ =	shalt  }
0x75: {  	_ =	shalt  }
0x76: {  	_ =	shalt  }
0x77: {  	_ =	shalt  }
0x78: {  	_ =	shalt  }
0x79: {  	_ =	shalt  }
0x7a: {  	_ =	shalt  }
0x7b: {  	_ =	shalt  }
0x7c: {  	_ =	shalt  }
0x7d: {  	_ =	shalt  }
0x7e: {  	_ =	shalt  }
0x7f: {  	_ =	shalt  }
0x80: {  	_ =	shalt  }
0x81: {  	_ =	shalt  }
0x82: {  	_ =	shalt  }
0x83: {  	_ =	shalt  }
0x84: {  	_ =	shalt  }
0x85: {  	_ =	shalt  }
0x86: {  	_ =	shalt  }
0x87: {  	_ =	shalt  }
.Lfunc_end0:
.L_simem_size_0:
called_computation.1_lowered:
.L_overlay_start_0:
0x88: {  	s2 =	sld [smem:$0x3FD9]  }
0x89: {  	s3 =	sld [smem:$0x3FFE];
	_ =	sdelay $0x1  }
0x8a: {  	s1 =	srdreg.scid  }
0x8b: {  	s0 =	sand.u32 $0x1, s1  }
0x8c: {  	s17 =	sshll.u32 s0, $0xA;
	s2 =	sadd.s32 s3, s2  }
0x8d: {  	s2 =	sadd.s32 s2, s17  }
0x8e: {  	[smem:$0x3FC2] =	sst s2  }
0x8f: {  	_ = 	snop  }
0x90: {  	s2 =	sld [smem:$0x3FD0];
	(tm) =	ssettm $0x1  }
0x91: {  	s18 =	sld [smem:$0x3FFB];
	_ =	sdelay $0x3  }
0x92: {  	_ =	strace s18  }
0x93: {  	s3 =	sld [smem:$0x3FFC];
	_ =	sdelay $0x3  }
0x94: {  	_ =	strace s3  }
0x95: {  	s3 =	sld [smem:$0x3FFD];
	_ =	sdelay $0x3  }
0x96: {  	_ =	strace s3  }
0x97: {  	_ =	strace $0x8FFFFFFF  }
0x98: {  	s19 =	sld [smem:$0x3FDB];
	_ =	sdelay $0x1  }
0x99: {  	s4 =	simm.s32 $_scs_section_size  }
0x9a: {  	s5 =	simm.s32 $_size__tile_overlayer_lowered;
	s6 =	simm.s32 $_tile_overlayer_lowered  }
0x9b: {  	s22 =	simm.s32 $0x1BFF;
	s21 =	sshll.u32 s6, $0x1;
	s3 =	sadd.s32 s4, s19  }
0x9c: {  	s7 =	simm.s32 $0x0;
	s20 =	sshll.u32 s5, $0x1;
	s5 =	sadd.s32 s21, s3  }
0x9d: {  	[timem:s7], [sflag:s22] =	dma.local [hbm:s5], s20  }
0x9e: {  	_ =	swait.ge [sflag:s22], s20  }
0x9f: {  	s4 =	ssub.s32 $0x0, s20;
	[sflag:s22] =	ssyncset.done $0x0  }
0xa0: {  	[sflag:s22] =	ssyncadd.s32 s4;
	_ =	sdelay $0x1  }
0xa1: {  	s23 =	simm.s32 $0x1B8B  }
0xa2: {  	_ =	swait.ge [sflag:s23], $0x1  }
0xa3: {  	[sflag:s23] =	ssyncset.done $0x0  }
0xa4: {  	s25 =	simm.s32 $0x1B8E;
	s24 =	sld [smem:$0x3FFE];
	[sflag:s23] =	ssyncadd.s32 $0xFFFFFFFF  }
0xa5: {  	s26 =	simm.s32 $execute0_lowered;
	[smem:$0x3FD2] =	sst s25  }
0xa6: {  	s5 =	sshll.u32 s26, $0x1;
	_ =	strace $0x80000049;
	[dreg:$0x1] =	wrdreg $0xFFFFFFFF  }
0xa7: {  	s28 =	simm.s32 $_size_execute0_lowered;
	s3 =	sadd.s32 s3, s5;
	[dreg:$0x0] =	wrdreg $0x0  }
0xa8: {  	s5 =	sshll.u32 s28, $0x1;
	[dreg:$0x2] =	wrdreg s3  }
0xa9: {  	[dreg:$0x3] =	wrdreg s5  }
0xaa: {  	[dreg:$0x4] =	wrdreg $0xC0  }
0xab: {  	_ =	task [dreg:s7], $0x5FFFF  }
0xac: {  	[dreg:$0x1] =	wrdreg $0xFFFFFFFF  }
0xad: {  	[dreg:$0x0] =	wrdreg $0x60  }
0xae: {  	[dreg:$0x2] =	wrdreg s24  }
0xaf: {  	[dreg:$0x3] =	wrdreg s2  }
0xb0: {  	[dreg:$0x4] =	wrdreg $0xB7800  }
0xb1: {  	[dreg:$0x5] =	wrdreg $0x9  }
0xb2: {  	_ =	task.clear_ibuf [dreg:s7], $0x6FFFF;
	_ =	strace $0x90000049  }
0xb3: {  	s29 =	simm.s32 $0x9;
	_ =	strace $0x8000004B  }
0xb4: {  	_ =	swait.ge [sflag:s29], $0x1  }
0xb5: {  	[sflag:s29] =	ssyncadd.s32 $0xFFFFFFFF  }
0xb6: {  	_ =	strace $0x9000004B  }
0xb7: {  	_ =	sfence  }
0xb8: {  	s30 =	sld [smem:$0x0];
	_ =	sdelay $0x2  }
0xb9: {  	s31 =	sshll.u32 s1, $0xD;
	s1 =	sshrl.u32 s1, $0x2  }
0xba: {  	s3 =	sand.u32 $0x4000, s31;
	s1 =	sadd.s32 s1, s30  }
0xbb: {  	s0 =	sor.u32 s3, s0;
	s1 =	sshll.u32 s1, $0x11  }
0xbc: {  	s0 =	sor.u32 s1, s0  }
0xbd: {  	s0 =	sadd.s32 $0x8F2B, s0  }
0xbe: {  	[sflag:s0] =	ssyncadd.remote.s32 $0x1  }
0xbf: {  	_ =	sfence.sel $0xFFFF  }
0xc0: {  	[dreg:$0x0] =	wrdreg $0xFFFFFFFF;
	(pc) =	sbr.abs _section_cstart, $3  }
0xc1: {  	[dreg:$0x1] =	wrdreg $0xFFFFFFFF  }
0xc2: {  	_ =	task.clear_ibuf [dreg:s7], $0x2FFFF;
	_ =	strace $0x9FFFFFFF  }
0xc3: {  	(tm) =	ssettm $0x7FFFFFFF  }
tec
execute0_lowered:
.L_overlay_start_1:
0x0: {  	(tag) =	ssettag $0x1  }
0x1: {  	s0 =	srdreg.scid;
	s6 =	rddreg [dreg:$0x0]  }
0x2: {  	s19 =	stileid.u32;
	s8 =	rddreg [dreg:$0x1]  }
0x3: {  	s2 =	rddreg [dreg:$0x2];
	s20 =	simm.s32 $0x3;
	s22 =	simm.s32 $0x7780  }
0x4: {  	s23 =	simm.s32 $0x40;
	s25 =	simm.s32 $0x9780;
	s26 =	simm.s32 $0x1  }
0x5: {  	s28 =	simm.s32 $0x2;
	s31 =	simm.s32 $0x7600;
	s0 =	sand.u32 $0x1, s0  }
0x6: {  	s5 =	sshll.u32 s19, $0x7;
	s9 =	smul.u32 $0x50000, s19;
	s1 =	sshll.u32 s0, $0x4  }
0x7: {  	s5 =	sand.u32 $0x380, s5;
	s10 =	smul.u32 $0x28000, s0;
	s0 =	ssub.s32 $0x2, s0  }
0x8: {  	s1 =	sor.u32 s19, s1;
	s11 =	sshrl.u32 s0, $0x1;
	s19 =	smul.u32 $0x2800, s19  }
0x9: {  	s9 =	sshrl.u32 s9, $0x2;
	s3 =	sshrl.u32 s1, $0x3;
	s1 =	smul.u32 $0xA00, s1  }
0xa: {  	s18 =	sadd.s32 s10, s6;
	s0 =	ssub.s32 s0, s11;
	s4 =	smul.u32 $0x13C00, s3  }
0xb: {  	s3 =	simm.s32 $0x0;
	s30 =	sadd.s32 $0x99C00, s18;
	s18 =	smax.u32 s0, $0x1  }
0xc: {  	[smem:$0x7FF] =	sst s3;
	s8 =	sadd.s32 s8, s1;
	s4 =	sor.u32 s5, s4  }
0xd: {  	s24 =	sadd.s32 s19, s30;
	s1 =	simm.s32 $0x0;
	s5 =	sshrl.u32 s4, $0x3  }
0xe: {  	_ =	strace $0x8000004A;
	s4 =	sadd.s32 $0x49C00, s6;
	s7 =	sadd.s32 s5, s6  }
0xf: {  	s5 =	sadd.s32 $0xC400, s6;
	s6 =	sadd.s32 s9, s2;
	s7 =	sadd.s32 $0x2600, s7  }
0x10: {  	s9 =	sadd.s32 $0x2000, s6;
	s10 =	sadd.s32 $0x4000, s6;
	s11 =	sadd.s32 $0x6000, s6  }
0x11: {  	s12 =	sadd.s32 $0x8000, s6;
	s13 =	sadd.s32 $0xA000, s6;
	s14 =	sadd.s32 $0xC000, s6  }
0x12: {  	s15 =	sadd.s32 $0xE000, s6;
	s16 =	sadd.s32 $0x10000, s6;
	s17 =	sadd.s32 $0x12000, s6  }
.LBB2_1:
0x13: {  	s0 =	simm.s32 $0x80;
	s19 =	simm.s32 $0x400  }
0x14: {  	[tilespmem:s3], [sflag:$0x3] =	stream.strided.gather [hbm4b:s7+s0], $0x2780, s19, s0, $0x38;
	[tilespmem:$0x1F780] =	vst v63  }
0x15: {  	_ =	swait.ge [sflag:s20], $0x2780  }
0x16: {  	[sflag:s20] =	ssyncset.done $0x0  }
0x17: {  	s30 =	simm.s32 $0x2780;
	[sflag:s20] =	ssyncadd.s32 $0xFFFFD880  }
0x18: {  	[tilespmem:s30], [sflag:$0x3] =	stream.linear.gather [hbm4b:s8+s3], $0x4F00, $0x38;
	[tilespmem:$0x1F780] =	vst v63  }
0x19: {  	_ =	swait.ge [sflag:s20], $0x4F00  }
0x1a: {  	[sflag:s20] =	ssyncset.done $0x0  }
0x1b: {  	[sflag:s20] =	ssyncadd.s32 $0xFFFFB100  }
0x1c: {  	[tilespmem:s22], [sflag:$0x3] =	stream.linear.gather [hbm4b:s5+s3], $0x2000, $0x38;
	[tilespmem:$0x1F780] =	vst v63  }
0x1d: {  	_ =	swait.ge [sflag:s20], $0x2000  }
0x1e: {  	[sflag:s20] =	ssyncset.done $0x0  }
0x1f: {  	[sflag:s20] =	ssyncadd.s32 $0xFFFFE000  }
0x20: {  	[spmem:s6] =	stream.linear.scatter [tilespmem:s22], [sflag:$0x3], $0x2000, $0x38;
	[tilespmem:$0x1F780] =	vst v63  }
0x21: {  	_ =	swait.ge [sflag:s20], $0x2000  }
0x22: {  	[sflag:s20] =	ssyncset.done $0x0  }
0x23: {  	[sflag:s20] =	ssyncadd.s32 $0xFFFFE000  }
0x24: {  	[spmem:s9] =	stream.linear.scatter [tilespmem:s22], [sflag:$0x3], $0x2000, $0x38;
	[tilespmem:$0x1F780] =	vst v63  }
0x25: {  	_ =	swait.ge [sflag:s20], $0x2000  }
0x26: {  	[sflag:s20] =	ssyncset.done $0x0  }
0x27: {  	[sflag:s20] =	ssyncadd.s32 $0xFFFFE000  }
0x28: {  	[spmem:s10] =	stream.linear.scatter [tilespmem:s22], [sflag:$0x3], $0x2000, $0x38;
	[tilespmem:$0x1F780] =	vst v63  }
0x29: {  	_ =	swait.ge [sflag:s20], $0x2000  }
0x2a: {  	[sflag:s20] =	ssyncset.done $0x0  }
0x2b: {  	[sflag:s20] =	ssyncadd.s32 $0xFFFFE000  }
0x2c: {  	[spmem:s11] =	stream.linear.scatter [tilespmem:s22], [sflag:$0x3], $0x2000, $0x38;
	[tilespmem:$0x1F780] =	vst v63  }
0x2d: {  	_ =	swait.ge [sflag:s20], $0x2000  }
0x2e: {  	[sflag:s20] =	ssyncset.done $0x0  }
0x2f: {  	[sflag:s20] =	ssyncadd.s32 $0xFFFFE000  }
0x30: {  	[spmem:s12] =	stream.linear.scatter [tilespmem:s22], [sflag:$0x3], $0x2000, $0x38;
	[tilespmem:$0x1F780] =	vst v63  }
0x31: {  	_ =	swait.ge [sflag:s20], $0x2000  }
0x32: {  	[sflag:s20] =	ssyncset.done $0x0  }
0x33: {  	[sflag:s20] =	ssyncadd.s32 $0xFFFFE000  }
0x34: {  	[spmem:s13] =	stream.linear.scatter [tilespmem:s22], [sflag:$0x3], $0x2000, $0x38;
	[tilespmem:$0x1F780] =	vst v63  }
0x35: {  	_ =	swait.ge [sflag:s20], $0x2000  }
0x36: {  	[sflag:s20] =	ssyncset.done $0x0  }
0x37: {  	[sflag:s20] =	ssyncadd.s32 $0xFFFFE000  }
0x38: {  	[spmem:s14] =	stream.linear.scatter [tilespmem:s22], [sflag:$0x3], $0x2000, $0x38;
	[tilespmem:$0x1F780] =	vst v63  }
0x39: {  	_ =	swait.ge [sflag:s20], $0x2000  }
0x3a: {  	[sflag:s20] =	ssyncset.done $0x0  }
0x3b: {  	[sflag:s20] =	ssyncadd.s32 $0xFFFFE000  }
0x3c: {  	[spmem:s15] =	stream.linear.scatter [tilespmem:s22], [sflag:$0x3], $0x2000, $0x38;
	[tilespmem:$0x1F780] =	vst v63  }
0x3d: {  	_ =	swait.ge [sflag:s20], $0x2000  }
0x3e: {  	[sflag:s20] =	ssyncset.done $0x0  }
0x3f: {  	[sflag:s20] =	ssyncadd.s32 $0xFFFFE000  }
0x40: {  	[spmem:s16] =	stream.linear.scatter [tilespmem:s22], [sflag:$0x3], $0x2000, $0x38;
	[tilespmem:$0x1F780] =	vst v63  }
0x41: {  	_ =	swait.ge [sflag:s20], $0x2000  }
0x42: {  	[sflag:s20] =	ssyncset.done $0x0  }
0x43: {  	[sflag:s20] =	ssyncadd.s32 $0xFFFFE000  }
0x44: {  	[spmem:s17] =	stream.linear.scatter [tilespmem:s22], [sflag:$0x3], $0x2000, $0x38;
	[tilespmem:$0x1F780] =	vst v63  }
0x45: {  	_ =	swait.ge [sflag:s20], $0x2000  }
0x46: {  	[sflag:s20] =	ssyncset.done $0x0  }
0x47: {  	[sflag:s20] =	ssyncadd.s32 $0xFFFFE000  }
0x48: {  	[bflag:$0x0] =	sbarrier.arrive $0xFFFF  }
0x49: {  	[tilespmem:s22], [sflag:$0x1] =	stream.indirect.gather [hbm4b:s4+s23], $0x80, s3, s23, $0xb8;
	[tilespmem:$0x1F780] =	vst v63  }
0x4a: {  	s21 =	simm.s32 $0x40  }
0x4b: {  	[tilespmem:s25], [sflag:$0x2] =	stream.indirect.gather [hbm4b:s4+s23], $0x80, s21, s23, $0xb8;
	[tilespmem:$0x1F780] =	vst v63  }
0x4c: {  	_ =	swait.ge [sflag:s26], $0x2000  }
0x4d: {  	[sflag:s26] =	ssyncset.done $0x0  }
0x4e: {  	s29 =	simm.s32 $0x2780;
	[sflag:s26] =	ssyncadd.s32 $0xFFFFE000  }
0x4f: {  	[spmem:s2] =	stream.indirect.scatter.add.f32 [tilespmem:s22], [sflag:$0x3], $0x80, s29, s23, $0xb8;
	[tilespmem:$0x1F780] =	vst v63  }
0x50: {  	_ =	swait.ge [sflag:s20], $0x2000  }
0x51: {  	[sflag:s20] =	ssyncset.done $0x0  }
0x52: {  	[sflag:s20] =	ssyncadd.s32 $0xFFFFE000  }
0x53: {  	[tilespmem:s22], [sflag:$0x1] =	stream.indirect.gather [hbm4b:s4+s23], $0x80, s0, s23, $0xb8;
	[tilespmem:$0x1F780] =	vst v63  }
0x54: {  	_ =	swait.ge [sflag:s28], $0x2000  }
0x55: {  	[sflag:s28] =	ssyncset.done $0x0  }
0x56: {  	s30 =	simm.s32 $0x2800;
	[sflag:s28] =	ssyncadd.s32 $0xFFFFE000  }
0x57: {  	[spmem:s2] =	stream.indirect.scatter.add.f32 [tilespmem:s25], [sflag:$0x3], $0x80, s30, s23, $0xb8;
	[tilespmem:$0x1F780] =	vst v63  }
0x58: {  	s19 =	simm.s32 $0x400;
	_ =	swait.ge [sflag:s20], $0x2000  }
0x59: {  	s21 =	simm.s32 $0x800;
	s0 =	simm.s32 $0x100;
	[sflag:s20] =	ssyncset.done $0x0  }
.LBB2_2:
0x5a: {  	p0 =	sne.s32 s21, $0x13400;
	s29 =	sadd.s32 $0xFFFFFFC0, s0;
	[sflag:s20] =	ssyncadd.s32 $0xFFFFE000  }
0x5b: {  	[tilespmem:s25], [sflag:$0x2] =	stream.indirect.gather [hbm4b:s4+s23], $0x80, s29, s23, $0xb8;
	[tilespmem:$0x1F780] =	vst v63  }
0x5c: {  	s29 =	smov.u32 s21;
	s21 =	sadd.s32 $0x400, s21;
	_ =	swait.ge [sflag:s26], $0x2000  }
0x5d: {  	s30 =	sshra.s32 s19, $0x2;
	s19 =	smov.u32 s29;
	[sflag:s26] =	ssyncset.done $0x0  }
0x5e: {  	s29 =	sadd.s32 $0x2780, s30;
	[sflag:s26] =	ssyncadd.s32 $0xFFFFE000  }
0x5f: {  	[spmem:s2] =	stream.indirect.scatter.add.f32 [tilespmem:s22], [sflag:$0x3], $0x80, s29, s23, $0xb8;
	[tilespmem:$0x1F780] =	vst v63  }
0x60: {  	_ =	swait.ge [sflag:s20], $0x2000  }
0x61: {  	[sflag:s20] =	ssyncset.done $0x0  }
0x62: {  	[sflag:s20] =	ssyncadd.s32 $0xFFFFE000  }
0x63: {  	[tilespmem:s22], [sflag:$0x1] =	stream.indirect.gather [hbm4b:s4+s23], $0x80, s0, s23, $0xb8;
	[tilespmem:$0x1F780] =	vst v63  }
0x64: {  	_ =	swait.ge [sflag:s28], $0x2000  }
.Ltmp0:
0x65: {  	[sflag:s28] =	ssyncset.done $0x0;
	(pc) =	sbr.rel @p0 .LBB2_2-.Ltmp0, $4  }
0x66: {  	s29 =	sadd.s32 $0x2800, s30;
	[sflag:s28] =	ssyncadd.s32 $0xFFFFE000  }
0x67: {  	[spmem:s2] =	stream.indirect.scatter.add.f32 [tilespmem:s25], [sflag:$0x3], $0x80, s29, s23, $0xb8;
	[tilespmem:$0x1F780] =	vst v63  }
0x68: {  	_ =	swait.ge [sflag:s20], $0x2000  }
0x69: {  	s0 =	sadd.s32 $0x80, s0;
	[sflag:s20] =	ssyncset.done $0x0  }
0x6a: {  	s21 =	sadd.s32 $0xFFFFFFC0, s0;
	[sflag:s20] =	ssyncadd.s32 $0xFFFFE000  }
0x6b: {  	[tilespmem:s25], [sflag:$0x2] =	stream.indirect.gather [hbm4b:s4+s23], $0x80, s21, s23, $0xb8;
	[tilespmem:$0x1F780] =	vst v63  }
0x6c: {  	_ =	swait.ge [sflag:s26], $0x2000  }
0x6d: {  	s19 =	sshra.s32 s19, $0x2;
	[sflag:s26] =	ssyncset.done $0x0  }
0x6e: {  	s29 =	sadd.s32 $0x2780, s19;
	[sflag:s26] =	ssyncadd.s32 $0xFFFFE000  }
0x6f: {  	[spmem:s2] =	stream.indirect.scatter.add.f32 [tilespmem:s22], [sflag:$0x3], $0x80, s29, s23, $0xb8;
	[tilespmem:$0x1F780] =	vst v63  }
0x70: {  	_ =	swait.ge [sflag:s20], $0x2000  }
0x71: {  	[sflag:s20] =	ssyncset.done $0x0  }
0x72: {  	[sflag:s20] =	ssyncadd.s32 $0xFFFFE000  }
0x73: {  	[tilespmem:s22], [sflag:$0x1] =	stream.indirect.gather [hbm4b:s4+s23], $0x80, s0, s23, $0xb8;
	[tilespmem:$0x1F780] =	vst v63  }
0x74: {  	_ =	swait.ge [sflag:s28], $0x2000  }
0x75: {  	[sflag:s28] =	ssyncset.done $0x0  }
0x76: {  	s30 =	sadd.s32 $0x2800, s19;
	[sflag:s28] =	ssyncadd.s32 $0xFFFFE000  }
0x77: {  	[spmem:s2] =	stream.indirect.scatter.add.f32 [tilespmem:s25], [sflag:$0x3], $0x80, s30, s23, $0xb8;
	[tilespmem:$0x1F780] =	vst v63  }
0x78: {  	_ =	swait.ge [sflag:s20], $0x2000  }
0x79: {  	[sflag:s20] =	ssyncset.done $0x0  }
0x7a: {  	s19 =	simm.s32 $0x2740;
	[sflag:s20] =	ssyncadd.s32 $0xFFFFE000  }
0x7b: {  	[tilespmem:s25], [sflag:$0x2] =	stream.indirect.gather [hbm4b:s4+s23], $0x80, s19, s23, $0xb8;
	[tilespmem:$0x1F780] =	vst v63  }
0x7c: {  	_ =	swait.ge [sflag:s26], $0x2000  }
0x7d: {  	[sflag:s26] =	ssyncset.done $0x0  }
0x7e: {  	s21 =	simm.s32 $0x7580;
	[sflag:s26] =	ssyncadd.s32 $0xFFFFE000  }
0x7f: {  	[spmem:s2] =	stream.indirect.scatter.add.f32 [tilespmem:s22], [sflag:$0x3], $0x80, s21, s23, $0xb8;
	[tilespmem:$0x1F780] =	vst v63  }
0x80: {  	_ =	swait.ge [sflag:s20], $0x2000  }
0x81: {  	[sflag:s20] =	ssyncset.done $0x0  }
0x82: {  	[sflag:s20] =	ssyncadd.s32 $0xFFFFE000  }
0x83: {  	_ =	swait.ge [sflag:s28], $0x2000  }
0x84: {  	[sflag:s28] =	ssyncset.done $0x0  }
0x85: {  	[sflag:s28] =	ssyncadd.s32 $0xFFFFE000  }
0x86: {  	[spmem:s2] =	stream.indirect.scatter.add.f32 [tilespmem:s25], [sflag:$0x3], $0x80, s31, s23, $0xb8;
	[tilespmem:$0x1F780] =	vst v63  }
0x87: {  	s29 =	stileid.u32;
	_ =	swait.ge [sflag:s20], $0x2000  }
0x88: {  	s1 =	sadd.s32 $0x1, s1;
	s0 =	sshll.u32 s29, $0x6;
	[sflag:s20] =	ssyncset.done $0x0  }
0x89: {  	p0 =	sne.s32 s1, s18;
	s0 =	sor.u32 $0x1C03, s0;
	[sflag:s20] =	ssyncadd.s32 $0xFFFFE000  }
.Ltmp1:
0x8a: {  	s30 =	sshrl.u32 s6, $0x3;
	[bflag:$0x0] =	sbarrier.arrive $0xFFFF;
	(pc) =	sbr.rel @p0 .LBB2_1-.Ltmp1, $4  }
0x8b: {  	[hbm:s24], [sflag:s0] =	dma.local [spmem:s30], $0x2800  }
0x8c: {  	_ =	swait.ge [sflag:s20], $0x2800  }
0x8d: {  	[sflag:s20] =	ssyncset.done $0x0  }
0x8e: {  	[sflag:s20] =	ssyncadd.s32 $0xFFFFD800  }
0x8f: {  	_ =	sfence.sel $0x180000  }
0x90: {  	[bflag:$0x0] =	sbarrier.arrive $0xFFFF  }
0x91: {  	_ =	strace $0x9000004A  }
0x92: {  	s0 =	stileid.u32;
	[bflag:$0x2] =	sbarrier.arrive $0xFFFF  }
0x93: {  	p0 =	sne.s32 s0, $0x0;
	s0 =	rddreg [dreg:$0x3]  }
0x94: {  	s0 =	sadd.s32 @!p0 $0x100000, s0  }
0x95: {  	[sflag:s0] =	ssyncadd.tile.s32 @!p0 $0x1;
	_ =	shalt  }
.Lfunc_end2:
_tile_overlayer_lowered:
.L_overlay_start_2:
0x96: {  	(tag) =	ssettag $0x2  }
0x97: {  	s0 =	rddreg [dreg:$0x0];
	s2 =	stileid.u32  }
0x98: {  	s1 =	rddreg [dreg:$0x1];
	p0 =	sne.s32 s2, $0x0  }
0x99: {  	s3 =	rddreg [dreg:$0x2];
	[bflag:$0x3] =	sbarrier.arrive $0xFFFF;
	s2 =	simm.s32 @!p0 $0x1C03  }
0x9a: {  	[timem:s3], [sflag:s2] =	dma.local @!p0 [hbm:s0], s1  }
0x9b: {  	s0 =	simm.s32 @!p0 $0x3  }
0x9c: {  	_ =	swait.ge @!p0 [sflag:s0], s1  }
0x9d: {  	s1 =	ssub.s32 @!p0 $0x0, s1;
	[sflag:s0] =	ssyncset.done @!p0 $0x0  }
0x9e: {  	[sflag:s0] =	ssyncadd.s32 @!p0 s1  }
0x9f: {  	[bflag:$0x3] =	sbarrier.arrive $0xFFFF  }
0xa0: {  	_ =	shalt  }

</sc_bundles>
